<compile_context>
chip_gen: v7x
topology: tpu7x:2x2x1
jax: 0.10.2.dev20260603
libtpu: 0.0.44.dev20260713+nightly
codegen_flags: <defaults>
</compile_context>

<pallas_src>
import functools

import jax
import jax.numpy as jnp
from jax import lax
from jax.experimental import pallas as pl
from jax.experimental.pallas import tpu as pltpu
from jax.experimental.pallas import tpu_sc as plsc

N = 10000
D = 256
H = 256
E = 160000
G = 64
T = 12
EPS = 1e-5

NC = 2
NS = 16
HH = H // NC

K = 128
EW = 10240
NCHUNK = EW // K
EPAD = EW * NS
TRASH = N
NPAD = 10240
ZROWS = 64

RB = 2048
NB = NPAD // RB


def _sc_mesh():
    return plsc.VectorSubcoreMesh(
        core_axis_name="c", subcore_axis_name="s", num_cores=NC,
        num_subcores=NS)


def _make_deg():
    @functools.partial(
        pl.kernel,
        out_type=jax.ShapeDtypeStruct((NPAD, HH), jnp.float32),
        mesh=_sc_mesh(),
        scratch_types=[
            pltpu.VMEM((NCHUNK, K), jnp.int32),
            pltpu.VMEM((K,), jnp.int32),
            pltpu.VMEM((K,), jnp.int32),
            pltpu.VMEM((K, HH), jnp.float32),
            pltpu.VMEM((K, HH), jnp.float32),
            pltpu.VMEM_SHARED((NPAD, HH), jnp.float32),
            pltpu.SemaphoreType.DMA,
        ],
    )
    def deg_kernel(dst_ref, ones_ref, z_ref, out_ref,
                   dst_v, dst_cur, idx_cur, ones_v, ebuf, accd, dsem):
        c = lax.axis_index("c")
        s = lax.axis_index("s")

        pltpu.sync_copy(z_ref, ebuf)
        zbase = s * (NPAD // NS)

        def zero_step(j, _):
            pltpu.sync_copy(ebuf, accd.at[pl.ds(zbase + j * K, K)])
            return 0

        lax.fori_loop(0, NPAD // NS // K, zero_step, 0)
        pltpu.sync_copy(dst_ref.at[s], dst_v)
        pltpu.sync_copy(ones_ref, ones_v)
        plsc.subcore_barrier()

        def step(j, _):
            def stage(l, _):
                dst_cur[pl.ds(l * 16, 16)] = dst_v[j, pl.ds(l * 16, 16)]
                return 0

            lax.fori_loop(0, K // 16, stage, 0)
            pltpu.sync_copy(ones_v, accd.at[dst_cur], add=True)
            return 0

        lax.fori_loop(0, NCHUNK, step, 0)
        plsc.subcore_barrier()

        @pl.when(c == 0)
        def _():
            def out_step(j, _):
                def fill(l, _):
                    idx_cur[pl.ds(l * 16, 16)] = (
                        zbase + j * K + l * 16 + lax.iota(jnp.int32, 16))
                    return 0

                lax.fori_loop(0, K // 16, fill, 0)
                pltpu.async_copy(accd.at[idx_cur], ebuf, dsem).wait()
                pltpu.sync_copy(ebuf, out_ref.at[pl.ds(zbase + j * K, K)])
                return 0

            lax.fori_loop(0, NPAD // NS // K, out_step, 0)

    return deg_kernel


_CACHE = {}


def _deg_kernel():
    if "deg" not in _CACHE:
        _CACHE["deg"] = _make_deg()
    return _CACHE["deg"]


def _make_agg():
    @functools.partial(
        pl.kernel,
        out_type=jax.ShapeDtypeStruct((2 * NPAD, HH), jnp.float32),
        mesh=_sc_mesh(),
        scratch_types=[
            pltpu.VMEM((NCHUNK, K), jnp.int32),
            pltpu.VMEM((NCHUNK, K), jnp.int32),
            pltpu.VMEM((K,), jnp.int32),
            pltpu.VMEM((K,), jnp.int32),
            pltpu.VMEM((K,), jnp.int32),
            pltpu.VMEM((K, HH), jnp.float32),
            pltpu.VMEM_SHARED((NPAD, HH), jnp.float32),
            pltpu.SemaphoreType.DMA,
        ],
    )
    def agg_kernel(p_ref, src_ref, dst_ref, z_ref, out_ref,
                   src_v, dst_v, src_cur, dst_cur, idx_cur, rows_v, acc,
                   sem):
        c = lax.axis_index("c")
        s = lax.axis_index("s")

        pltpu.sync_copy(z_ref, rows_v)
        zbase = s * (NPAD // NS)

        def zero_step(j, _):
            pltpu.sync_copy(rows_v, acc.at[pl.ds(zbase + j * K, K)])
            return 0

        lax.fori_loop(0, NPAD // NS // K, zero_step, 0)

        pltpu.sync_copy(src_ref.at[c * NS + s], src_v)
        pltpu.sync_copy(dst_ref.at[s], dst_v)
        plsc.subcore_barrier()

        def step(j, _):
            def stage(l, _):
                src_cur[pl.ds(l * 16, 16)] = src_v[j, pl.ds(l * 16, 16)]
                dst_cur[pl.ds(l * 16, 16)] = dst_v[j, pl.ds(l * 16, 16)]
                return 0

            lax.fori_loop(0, K // 16, stage, 0)
            pltpu.async_copy(p_ref.at[src_cur], rows_v, sem).wait()
            pltpu.sync_copy(rows_v, acc.at[dst_cur], add=True)
            return 0

        lax.fori_loop(0, NCHUNK, step, 0)
        plsc.subcore_barrier()

        def out_step(j, _):
            def fill(l, _):
                idx_cur[pl.ds(l * 16, 16)] = (
                    zbase + j * K + l * 16 + lax.iota(jnp.int32, 16))
                return 0

            lax.fori_loop(0, K // 16, fill, 0)
            pltpu.async_copy(acc.at[idx_cur], rows_v, sem).wait()
            pltpu.sync_copy(
                rows_v, out_ref.at[pl.ds(c * NPAD + zbase + j * K, K)])
            return 0

        lax.fori_loop(0, NPAD // NS // K, out_step, 0)

    return agg_kernel


def _agg_kernel():
    if "agg" not in _CACHE:
        _CACHE["agg"] = _make_agg()
    return _CACHE["agg"]


def _dinv_of(deg_blk):
    return lax.rsqrt(deg_blk + 1.0)


def _a1_kernel(x_ref, w_ref, deg_ref, p_ref):
    dinv = _dinv_of(deg_ref[...])
    h = jnp.dot(x_ref[...], w_ref[...], preferred_element_type=jnp.float32)
    p_ref[...] = h * dinv


def _a1_call(x, w, deg3):
    return pl.pallas_call(
        _a1_kernel,
        grid=(NB, NC),
        in_specs=[
            pl.BlockSpec((RB, D), lambda i, j: (i, 0)),
            pl.BlockSpec((D, HH), lambda i, j: (0, j)),
            pl.BlockSpec((RB, 1), lambda i, j: (i, 0)),
        ],
        out_specs=pl.BlockSpec((RB, HH), lambda i, j: (j * NB + i, 0)),
        out_shape=jax.ShapeDtypeStruct((2 * NPAD, HH), jnp.float32),
    )(x, w, deg3)


def _a_kernel(t_ref, w_ref, deg_ref, sums_ref, g_ref, be_ref, p_ref):
    m = sums_ref[0:1, :] * (1.0 / N)
    v = sums_ref[1:2, :] * (1.0 / N) - m * m
    a = g_ref[...] * lax.rsqrt(v + EPS)
    cc = be_ref[...] - m * a
    xin = jnp.maximum(a * t_ref[...] + cc, 0.0)
    dinv = _dinv_of(deg_ref[...])
    h = jnp.dot(xin, w_ref[...], preferred_element_type=jnp.float32)
    p_ref[...] = h * dinv


def _a_call(t, w, deg3, sums, g, be):
    return pl.pallas_call(
        _a_kernel,
        grid=(NB, NC),
        in_specs=[
            pl.BlockSpec((RB, H), lambda i, j: (i, 0)),
            pl.BlockSpec((H, HH), lambda i, j: (0, j)),
            pl.BlockSpec((RB, 1), lambda i, j: (i, 0)),
            pl.BlockSpec((8, H), lambda i, j: (0, 0)),
            pl.BlockSpec((1, H), lambda i, j: (0, 0)),
            pl.BlockSpec((1, H), lambda i, j: (0, 0)),
        ],
        out_specs=pl.BlockSpec((RB, HH), lambda i, j: (j * NB + i, 0)),
        out_shape=jax.ShapeDtypeStruct((2 * NPAD, HH), jnp.float32),
    )(t, w, deg3, sums, g, be)


def _c_kernel(s0_ref, s1_ref, p0_ref, p1_ref, deg_ref, b_ref,
              t_ref, sums_ref):
    i = pl.program_id(0)
    dinv = _dinv_of(deg_ref[...])
    t0 = dinv * (s0_ref[...] + p0_ref[...]) + b_ref[:, :HH]
    t1 = dinv * (s1_ref[...] + p1_ref[...]) + b_ref[:, HH:]
    t_ref[:, :HH] = t0
    t_ref[:, HH:] = t1

    @pl.when(i == 0)
    def _():
        sums_ref[...] = jnp.zeros((8, H), jnp.float32)

    rid = lax.broadcasted_iota(jnp.int32, (RB, 1), 0) + i * RB
    msk = (rid < N).astype(jnp.float32)
    t0m = t0 * msk
    t1m = t1 * msk
    sums_ref[0:1, :HH] += jnp.sum(t0m, axis=0, keepdims=True)
    sums_ref[0:1, HH:] += jnp.sum(t1m, axis=0, keepdims=True)
    sums_ref[1:2, :HH] += jnp.sum(t0m * t0m, axis=0, keepdims=True)
    sums_ref[1:2, HH:] += jnp.sum(t1m * t1m, axis=0, keepdims=True)


def _c_call(S, p, deg3, b):
    return pl.pallas_call(
        _c_kernel,
        grid=(NB,),
        in_specs=[
            pl.BlockSpec((RB, HH), lambda i: (i, 0)),
            pl.BlockSpec((RB, HH), lambda i: (NB + i, 0)),
            pl.BlockSpec((RB, HH), lambda i: (i, 0)),
            pl.BlockSpec((RB, HH), lambda i: (NB + i, 0)),
            pl.BlockSpec((RB, 1), lambda i: (i, 0)),
            pl.BlockSpec((1, H), lambda i: (0, 0)),
        ],
        out_specs=[
            pl.BlockSpec((RB, H), lambda i: (i, 0)),
            pl.BlockSpec((8, H), lambda i: (0, 0)),
        ],
        out_shape=[
            jax.ShapeDtypeStruct((NPAD, H), jnp.float32),
            jax.ShapeDtypeStruct((8, H), jnp.float32),
        ],
    )(S, S, p, p, deg3, b)


def _pool_kernel(t_ref, sums_ref, g_ref, be_ref, batch_ref,
                 lw1a_ref, lw1b_ref, lb1_ref, lw2_ref, lb2_ref,
                 y_ref, s_scr, cnt_scr):
    i = pl.program_id(0)

    @pl.when(i == 0)
    def _():
        s_scr[...] = jnp.zeros((G, H), jnp.float32)
        cnt_scr[...] = jnp.zeros((G, 128), jnp.float32)

    m = sums_ref[0:1, :] * (1.0 / N)
    v = sums_ref[1:2, :] * (1.0 / N) - m * m
    a = g_ref[...] * lax.rsqrt(v + EPS)
    cc = be_ref[...] - m * a
    x3 = jnp.maximum(a * t_ref[...] + cc, 0.0)

    gids = lax.broadcasted_iota(jnp.int32, (RB, G), 1)
    onehot = (batch_ref[...] == gids).astype(jnp.float32)
    s_scr[...] += lax.dot_general(
        onehot, x3, (((0,), (0,)), ((), ())),
        preferred_element_type=jnp.float32)
    cnt_scr[:, 0:1] += lax.dot_general(
        onehot, jnp.ones((RB, 1), jnp.float32), (((0,), (0,)), ((), ())),
        preferred_element_type=jnp.float32)

    @pl.when(i == NB - 1)
    def _():
        sg = s_scr[...]
        cnt = jnp.maximum(cnt_scr[:, 0:1], 1.0)
        mean = sg / cnt
        hid = jnp.maximum(
            jnp.dot(mean, lw1a_ref[...], preferred_element_type=jnp.float32)
            + jnp.dot(sg, lw1b_ref[...], preferred_element_type=jnp.float32)
            + lb1_ref[...], 0.0)
        y_ref[...] = (
            jnp.dot(hid, lw2_ref[...], preferred_element_type=jnp.float32)
            + lb2_ref[...])


def _pool_call(t3, sums3, g3, be3, batch_col, lw1a, lw1b, lb1, lw2p, lb2p):
    return pl.pallas_call(
        _pool_kernel,
        grid=(NB,),
        in_specs=[
            pl.BlockSpec((RB, H), lambda i: (i, 0)),
            pl.BlockSpec((8, H), lambda i: (0, 0)),
            pl.BlockSpec((1, H), lambda i: (0, 0)),
            pl.BlockSpec((1, H), lambda i: (0, 0)),
            pl.BlockSpec((RB, 1), lambda i: (i, 0)),
            pl.BlockSpec((H, H), lambda i: (0, 0)),
            pl.BlockSpec((H, H), lambda i: (0, 0)),
            pl.BlockSpec((1, H), lambda i: (0, 0)),
            pl.BlockSpec((H, 128), lambda i: (0, 0)),
            pl.BlockSpec((1, 128), lambda i: (0, 0)),
        ],
        out_specs=pl.BlockSpec((G, 128), lambda i: (0, 0)),
        out_shape=jax.ShapeDtypeStruct((G, 128), jnp.float32),
        scratch_shapes=[
            pltpu.VMEM((G, H), jnp.float32),
            pltpu.VMEM((G, 128), jnp.float32),
        ],
    )(t3, sums3, g3, be3, batch_col, lw1a, lw1b, lb1, lw2p, lb2p)


def kernel(x, edge_index, batch, W1, B1, W2, B2, W3, B3,
           g1, be1, g2, be2, g3, be3, LW1, Lb1, LW2, Lb2):
    src = edge_index[0]
    dst = edge_index[1]
    pad = EPAD - E
    src_p = jnp.concatenate([src, jnp.zeros((pad,), jnp.int32)])
    dst_p = jnp.concatenate([dst, jnp.full((pad,), TRASH, jnp.int32)])
    src_r = src_p.reshape(NS, NCHUNK, K)
    src_b = jnp.concatenate([src_r, src_r + NPAD], axis=0)
    dst_r = dst_p.reshape(NS, NCHUNK, K)
    zrows = jnp.zeros((K, HH), jnp.float32)
    ones_k = jnp.ones((K, HH), jnp.float32)
    z16 = zrows

    degp = _deg_kernel()(dst_r, ones_k, z16)
    deg3 = degp[:, 0:1]

    xpad = jnp.pad(x, ((0, NPAD - N), (0, 0)))
    batch_col = jnp.pad(batch, (0, NPAD - N),
                        constant_values=G).reshape(NPAD, 1)

    row = lambda a: a.reshape(1, -1)

    p1 = _a1_call(xpad, W1, deg3)
    S1 = _agg_kernel()(p1, src_b, dst_r, zrows)
    t1, sums1 = _c_call(S1, p1, deg3, row(B1))

    p2 = _a_call(t1, W2, deg3, sums1, row(g1), row(be1))
    S2 = _agg_kernel()(p2, src_b, dst_r, zrows)
    t2, sums2 = _c_call(S2, p2, deg3, row(B2))

    p3 = _a_call(t2, W3, deg3, sums2, row(g2), row(be2))
    S3 = _agg_kernel()(p3, src_b, dst_r, zrows)
    t3, sums3 = _c_call(S3, p3, deg3, row(B3))

    lw2p = jnp.pad(LW2, ((0, 0), (0, 128 - T)))
    lb2p = jnp.pad(Lb2, (0, 128 - T)).reshape(1, 128)
    y = _pool_call(t3, sums3, row(g3), row(be3), batch_col,
                   LW1[:H], LW1[H:], row(Lb1), lw2p, lb2p)
    return y[:, :T]

# --- scband reference (transcript-rebuilt; emitter-appended) ---
"""Pipeline reference for scband-molecular-gnn-38551626449494 (READ-ONLY COPY).

The authoritative reference and input builder live on the scoring server;
editing this copy changes nothing except your own understanding.
"""

import jax, jax.numpy as jnp
import numpy as np

N = 10000
E = 160000
D = 256
H = 256
T = 12
G = 64
EPS = 1e-5


def _gcn_conv(x, src, dst, W, b):
    deg = jnp.zeros((N,), jnp.float32).at[dst].add(1.0)
    dinv = jnp.where(deg > 0, deg ** -0.5, 0.0)
    norm = dinv[src] * dinv[dst]
    h = x @ W
    msg = h[src] * norm[:, None]
    out = jnp.zeros((N, W.shape[1]), jnp.float32).at[dst].add(msg)
    return out + b


def _bn(x, g, b):
    m = jnp.mean(x, axis=0)
    v = jnp.var(x, axis=0)
    return (x - m) / jnp.sqrt(v + EPS) * g + b


def setup_inputs(seed: int = 0):
    key = jax.random.key(seed)
    ks = jax.random.split(key, 12)
    sc = lambda k, shape: jax.random.normal(k, shape, jnp.float32) * (1.0 / np.sqrt(shape[0]))
    inp = {}
    inp["x"] = jax.random.normal(ks[0], (N, D), jnp.float32)
    inp["edge_index"] = jax.random.randint(ks[1], (2, E), 0, N, jnp.int32)
    inp["batch"] = jnp.sort(jax.random.randint(ks[2], (N,), 0, G, jnp.int32))
    inp["W1"] = sc(ks[3], (D, H)); inp["B1"] = jnp.zeros((H,), jnp.float32)
    inp["W2"] = sc(ks[4], (H, H)); inp["B2"] = jnp.zeros((H,), jnp.float32)
    inp["W3"] = sc(ks[5], (H, H)); inp["B3"] = jnp.zeros((H,), jnp.float32)
    inp["g1"] = jnp.ones((H,), jnp.float32); inp["be1"] = jnp.zeros((H,), jnp.float32)
    inp["g2"] = jnp.ones((H,), jnp.float32); inp["be2"] = jnp.zeros((H,), jnp.float32)
    inp["g3"] = jnp.ones((H,), jnp.float32); inp["be3"] = jnp.zeros((H,), jnp.float32)
    inp["LW1"] = sc(ks[6], (2 * H, H)); inp["Lb1"] = jnp.zeros((H,), jnp.float32)
    inp["LW2"] = sc(ks[7], (H, T)); inp["Lb2"] = jnp.zeros((T,), jnp.float32)
    return inp


def reference(x, edge_index, batch, W1, B1, W2, B2, W3, B3, g1, be1, g2, be2, g3, be3, LW1, Lb1, LW2, Lb2):
    loops = jnp.arange(N, dtype=edge_index.dtype)
    src = jnp.concatenate([edge_index[0], loops])
    dst = jnp.concatenate([edge_index[1], loops])
    x1 = jax.nn.relu(_bn(_gcn_conv(x, src, dst, W1, B1), g1, be1))
    x2 = jax.nn.relu(_bn(_gcn_conv(x1, src, dst, W2, B2), g2, be2))
    x3 = jax.nn.relu(_bn(_gcn_conv(x2, src, dst, W3, B3), g3, be3))
    counts = jnp.zeros((G,), jnp.float32).at[batch].add(1.0)
    s = jnp.zeros((G, H), jnp.float32).at[batch].add(x3)
    mean = s / jnp.maximum(counts, 1.0)[:, None]
    feat = jnp.concatenate([mean, s], axis=1)
    hid = jax.nn.relu(feat @ LW1 + Lb1)
    return hid @ LW2 + Lb2

if __name__ == "__main__":
    import jax
    _d = setup_inputs()
    print(jax.jit(kernel)(*tuple(_d.values())))

</pallas_src>

<mosaic_0001>
#map = affine_map<(d0, d1) -> (0, 0, 0)>
#map1 = affine_map<(d0, d1) -> (0, 0)>
module attributes {stable_mosaic.version = 14 : i64} {
  func.func @deg_kernel(%arg0: i32, %arg1: i32, %arg2: memref<16x80x128xi32, #tpu.memory_space<hbm>>, %arg3: memref<128x128xf32, #tpu.memory_space<hbm>>, %arg4: memref<128x128xf32, #tpu.memory_space<hbm>>, %arg5: memref<10240x128xf32, #tpu.memory_space<hbm>>, %arg6: memref<80x128xi32, #tpu.memory_space<vmem>>, %arg7: memref<128xi32, #tpu.memory_space<vmem>>, %arg8: memref<128xi32, #tpu.memory_space<vmem>>, %arg9: memref<128x128xf32, #tpu.memory_space<vmem>>, %arg10: memref<128x128xf32, #tpu.memory_space<vmem>>, %arg11: memref<10240x128xf32, #tpu.memory_space<vmem_shared>>, %arg12: memref<!tpu.dma_semaphore, #tpu.memory_space<semaphore_mem>>) attributes {dimension_semantics = [#tpu.dimension_semantics<core_parallel>, #tpu.dimension_semantics<subcore_parallel>], iteration_bounds = array<i64: 2, 16>, scalar_prefetch = 0 : i64, scratch_operands = 7 : i64, tpu.core_type = #tpu.core_type<sc_vector_subcore>, window_params = [{transform_indices = #map}, {transform_indices = #map1}, {transform_indices = #map1}, {transform_indices = #map1}]} {
    "tpu.region"() ({
      %run_scoped3A = tpu.sem_alloc : memref<!tpu.dma_semaphore, #tpu.memory_space<semaphore_mem>>
      tpu.enqueue_dma source(%arg4 : memref<128x128xf32, #tpu.memory_space<hbm>>) target(%arg10 : memref<128x128xf32, #tpu.memory_space<vmem>>) target_semaphore(%run_scoped3A : memref<!tpu.dma_semaphore, #tpu.memory_space<semaphore_mem>>)
      tpu.wait_dma2 semaphore(%run_scoped3A : memref<!tpu.dma_semaphore, #tpu.memory_space<semaphore_mem>>) src(%arg4 : memref<128x128xf32, #tpu.memory_space<hbm>>) dst(%arg10 : memref<128x128xf32, #tpu.memory_space<vmem>>)
      tpu.yield
    }) : () -> ()
    %mul3A = arith.constant 640 : i32
    %mul3A_0 = arith.muli %arg1, %mul3A : i32
    %scan3A = arith.constant 0 : i32
    %scan3A_1 = arith.constant 0 : i32
    %scan3A_2 = arith.constant 5 : i32
    %scan3A_3 = arith.addi %scan3A_1, %scan3A_2 : i32
    %scan3A_4 = arith.constant 1 : i32
    %scan3A_5 = scf.for %scan3A_17 = %scan3A_1 to %scan3A_3 step %scan3A_4 iter_args(%scan3A_18 = %scan3A) -> (i32)  : i32 {
      %mul3A_19 = arith.constant 128 : i32
      %mul3A_20 = arith.muli %scan3A_17, %mul3A_19 : i32
      %add3A = arith.addi %mul3A_0, %mul3A_20 : i32
      "tpu.region"() ({
        %run_scoped3A = tpu.sem_alloc : memref<!tpu.dma_semaphore, #tpu.memory_space<semaphore_mem>>
        %dma_start3A = arith.constant 0 : i32
        %dma_start3A_22 = tpu.memref_slice %arg11[%add3A, %dma_start3A] : memref<10240x128xf32, #tpu.memory_space<vmem_shared>> -> memref<128x128xf32, #tpu.memory_space<vmem_shared>>
        %dma_start3A_23 = arith.constant 0 : i32
        %dma_start3A_24 = tpu.memref_slice %arg11[%add3A, %dma_start3A_23] : memref<10240x128xf32, #tpu.memory_space<vmem_shared>> -> memref<128x128xf32, #tpu.memory_space<vmem_shared>>
        tpu.enqueue_dma source(%arg10 : memref<128x128xf32, #tpu.memory_space<vmem>>) target(%dma_start3A_24 : memref<128x128xf32, #tpu.memory_space<vmem_shared>>) target_semaphore(%run_scoped3A : memref<!tpu.dma_semaphore, #tpu.memory_space<semaphore_mem>>)
        %dma_wait3A = arith.constant 0 : i32
        %dma_wait3A_25 = tpu.memref_slice %arg11[%add3A, %dma_wait3A] : memref<10240x128xf32, #tpu.memory_space<vmem_shared>> -> memref<128x128xf32, #tpu.memory_space<vmem_shared>>
        %dma_wait3A_26 = arith.constant 0 : i32
        %dma_wait3A_27 = tpu.memref_slice %arg11[%add3A, %dma_wait3A_26] : memref<10240x128xf32, #tpu.memory_space<vmem_shared>> -> memref<128x128xf32, #tpu.memory_space<vmem_shared>>
        tpu.wait_dma2 semaphore(%run_scoped3A : memref<!tpu.dma_semaphore, #tpu.memory_space<semaphore_mem>>) src(%arg10 : memref<128x128xf32, #tpu.memory_space<vmem>>) dst(%dma_wait3A_27 : memref<128x128xf32, #tpu.memory_space<vmem_shared>>)
        tpu.yield
      }) : () -> ()
      %scan3A_21 = arith.constant 0 : i32
      scf.yield %scan3A_21 : i32
    }
    %scan3A_6 = arith.constant 5 : i32
    "tpu.region"() ({
      %run_scoped3A = tpu.sem_alloc : memref<!tpu.dma_semaphore, #tpu.memory_space<semaphore_mem>>
      %dma_start3A = arith.constant 0 : i32
      %dma_start3A_17 = arith.constant 0 : i32
      %dma_start3A_18 = tpu.memref_slice %arg2[%arg1, %dma_start3A, %dma_start3A_17] : memref<16x80x128xi32, #tpu.memory_space<hbm>> -> memref<1x80x128xi32, #tpu.memory_space<hbm>>
      %dma_start3A_19 = tpu.memref_squeeze %dma_start3A_18 : memref<1x80x128xi32, #tpu.memory_space<hbm>> -> memref<80x128xi32, #tpu.memory_space<hbm>>
      %dma_start3A_20 = arith.constant 0 : i32
      %dma_start3A_21 = arith.constant 0 : i32
      %dma_start3A_22 = tpu.memref_slice %arg2[%arg1, %dma_start3A_20, %dma_start3A_21] : memref<16x80x128xi32, #tpu.memory_space<hbm>> -> memref<1x80x128xi32, #tpu.memory_space<hbm>>
      %dma_start3A_23 = tpu.memref_squeeze %dma_start3A_22 : memref<1x80x128xi32, #tpu.memory_space<hbm>> -> memref<80x128xi32, #tpu.memory_space<hbm>>
      tpu.enqueue_dma source(%dma_start3A_23 : memref<80x128xi32, #tpu.memory_space<hbm>>) target(%arg6 : memref<80x128xi32, #tpu.memory_space<vmem>>) target_semaphore(%run_scoped3A : memref<!tpu.dma_semaphore, #tpu.memory_space<semaphore_mem>>)
      %dma_wait3A = arith.constant 0 : i32
      %dma_wait3A_24 = arith.constant 0 : i32
      %dma_wait3A_25 = tpu.memref_slice %arg2[%arg1, %dma_wait3A, %dma_wait3A_24] : memref<16x80x128xi32, #tpu.memory_space<hbm>> -> memref<1x80x128xi32, #tpu.memory_space<hbm>>
      %dma_wait3A_26 = tpu.memref_squeeze %dma_wait3A_25 : memref<1x80x128xi32, #tpu.memory_space<hbm>> -> memref<80x128xi32, #tpu.memory_space<hbm>>
      %dma_wait3A_27 = arith.constant 0 : i32
      %dma_wait3A_28 = arith.constant 0 : i32
      %dma_wait3A_29 = tpu.memref_slice %arg2[%arg1, %dma_wait3A_27, %dma_wait3A_28] : memref<16x80x128xi32, #tpu.memory_space<hbm>> -> memref<1x80x128xi32, #tpu.memory_space<hbm>>
      %dma_wait3A_30 = tpu.memref_squeeze %dma_wait3A_29 : memref<1x80x128xi32, #tpu.memory_space<hbm>> -> memref<80x128xi32, #tpu.memory_space<hbm>>
      tpu.wait_dma2 semaphore(%run_scoped3A : memref<!tpu.dma_semaphore, #tpu.memory_space<semaphore_mem>>) src(%dma_wait3A_30 : memref<80x128xi32, #tpu.memory_space<hbm>>) dst(%arg6 : memref<80x128xi32, #tpu.memory_space<vmem>>)
      tpu.yield
    }) : () -> ()
    "tpu.region"() ({
      %run_scoped3A = tpu.sem_alloc : memref<!tpu.dma_semaphore, #tpu.memory_space<semaphore_mem>>
      tpu.enqueue_dma source(%arg3 : memref<128x128xf32, #tpu.memory_space<hbm>>) target(%arg9 : memref<128x128xf32, #tpu.memory_space<vmem>>) target_semaphore(%run_scoped3A : memref<!tpu.dma_semaphore, #tpu.memory_space<semaphore_mem>>)
      tpu.wait_dma2 semaphore(%run_scoped3A : memref<!tpu.dma_semaphore, #tpu.memory_space<semaphore_mem>>) src(%arg3 : memref<128x128xf32, #tpu.memory_space<hbm>>) dst(%arg9 : memref<128x128xf32, #tpu.memory_space<vmem>>)
      tpu.yield
    }) : () -> ()
    %barrier3A = arith.constant 0 : index
    tpu.barrier barrier_id(%barrier3A)
    %scan3A_7 = arith.constant 0 : i32
    %scan3A_8 = arith.constant 0 : i32
    %scan3A_9 = arith.constant 80 : i32
    %scan3A_10 = arith.addi %scan3A_8, %scan3A_9 : i32
    %scan3A_11 = arith.constant 1 : i32
    %scan3A_12 = scf.for %scan3A_17 = %scan3A_8 to %scan3A_10 step %scan3A_11 iter_args(%scan3A_18 = %scan3A_7) -> (i32)  : i32 {
      %scan3A_19 = arith.constant 0 : i32
      %scan3A_20 = arith.constant 0 : i32
      %scan3A_21 = arith.constant 8 : i32
      %scan3A_22 = arith.addi %scan3A_20, %scan3A_21 : i32
      %scan3A_23 = arith.constant 1 : i32
      %scan3A_24 = scf.for %scan3A_27 = %scan3A_20 to %scan3A_22 step %scan3A_23 iter_args(%scan3A_28 = %scan3A_19) -> (i32)  : i32 {
        %mul3A_29 = arith.constant 16 : i32
        %mul3A_30 = arith.muli %scan3A_27, %mul3A_29 : i32
        %get3A = arith.index_cast %scan3A_17 : i32 to index
        %get3A_31 = arith.index_cast %mul3A_30 : i32 to index
        %get3A_32 = tpu.vector_load %arg6[%get3A, %get3A_31] {strides = array<i32>} : memref<80x128xi32, #tpu.memory_space<vmem>>, vector<1x16xi32>,
        %get3A_33 = vector.shape_cast %get3A_32 : vector<1x16xi32> to vector<16xi32>
        %mul3A_34 = arith.constant 16 : i32
        %mul3A_35 = arith.muli %scan3A_27, %mul3A_34 : i32
        %swap3A = arith.index_cast %mul3A_35 : i32 to index
        %swap3A_36 = tpu.vector_load %arg7[%swap3A] {strides = array<i32>} : memref<128xi32, #tpu.memory_space<vmem>>, vector<16xi32>,
        %swap3A_37 = vector.shape_cast %swap3A_36 : vector<16xi32> to vector<16xi32>
        %swap3A_38 = vector.shape_cast %get3A_33 : vector<16xi32> to vector<16xi32>
        tpu.vector_store %arg7[%swap3A], %swap3A_38 {strides = array<i32>} : memref<128xi32, #tpu.memory_space<vmem>>, vector<16xi32>,
        %scan3A_39 = arith.constant 0 : i32
        scf.yield %scan3A_39 : i32
      }
      %scan3A_25 = arith.constant 8 : i32
      "tpu.region"() ({
        %run_scoped3A = tpu.sem_alloc : memref<!tpu.dma_semaphore, #tpu.memory_space<semaphore_mem>>
        %dma_start3A = arith.constant 0 : i32
        %dma_start3A_27 = arith.constant 0 : i32
        %dma_start3A_28 = tpu.memref_slice %arg11[%dma_start3A, %dma_start3A_27] : memref<10240x128xf32, #tpu.memory_space<vmem_shared>> -> memref<10240x128xf32, #tpu.memory_space<vmem_shared>>
        tpu.enqueue_indirect_dma source(%arg9 : memref<128x128xf32, #tpu.memory_space<vmem>>) target(%dma_start3A_28 : memref<10240x128xf32, #tpu.memory_space<vmem_shared>>) offsets(%arg7 : memref<128xi32, #tpu.memory_space<vmem>>) semaphore(%run_scoped3A : memref<!tpu.dma_semaphore, #tpu.memory_space<semaphore_mem>>) {add = true}
        %dma_wait3A = arith.constant 0 : i32
        %dma_wait3A_29 = arith.constant 0 : i32
        %dma_wait3A_30 = tpu.memref_slice %arg11[%dma_wait3A, %dma_wait3A_29] : memref<10240x128xf32, #tpu.memory_space<vmem_shared>> -> memref<10240x128xf32, #tpu.memory_space<vmem_shared>>
        tpu.wait_indirect_dma semaphore(%run_scoped3A : memref<!tpu.dma_semaphore, #tpu.memory_space<semaphore_mem>>) src(%arg9 : memref<128x128xf32, #tpu.memory_space<vmem>>) dst(%dma_wait3A_30 : memref<10240x128xf32, #tpu.memory_space<vmem_shared>>)
        tpu.yield
      }) : () -> ()
      %scan3A_26 = arith.constant 0 : i32
      scf.yield %scan3A_26 : i32
    }
    %scan3A_13 = arith.constant 80 : i32
    %barrier3A_14 = arith.constant 0 : index
    tpu.barrier barrier_id(%barrier3A_14)
    %eq3A = arith.constant 0 : i32
    %eq3A_15 = arith.cmpi eq, %arg0, %eq3A : i32
    %convert_element_type3A = arith.extui %eq3A_15 : i1 to i32
    %cond3A = arith.constant 0 : i32
    %cond3A_16 = arith.cmpi ne, %convert_element_type3A, %cond3A : i32
    scf.if %cond3A_16 {
      %scan3A_17 = arith.constant 0 : i32
      %scan3A_18 = arith.constant 0 : i32
      %scan3A_19 = arith.constant 5 : i32
      %scan3A_20 = arith.addi %scan3A_18, %scan3A_19 : i32
      %scan3A_21 = arith.constant 1 : i32
      %scan3A_22 = scf.for %scan3A_24 = %scan3A_18 to %scan3A_20 step %scan3A_21 iter_args(%scan3A_25 = %scan3A_17) -> (i32)  : i32 {
        %scan3A_26 = arith.constant 0 : i32
        %scan3A_27 = arith.constant 0 : i32
        %scan3A_28 = arith.constant 8 : i32
        %scan3A_29 = arith.addi %scan3A_27, %scan3A_28 : i32
        %scan3A_30 = arith.constant 1 : i32
        %scan3A_31 = scf.for %scan3A_40 = %scan3A_27 to %scan3A_29 step %scan3A_30 iter_args(%scan3A_41 = %scan3A_26) -> (i32)  : i32 {
          %mul3A_42 = arith.constant 128 : i32
          %mul3A_43 = arith.muli %scan3A_24, %mul3A_42 : i32
          %add3A_44 = arith.addi %mul3A_0, %mul3A_43 : i32
          %mul3A_45 = arith.constant 16 : i32
          %mul3A_46 = arith.muli %scan3A_40, %mul3A_45 : i32
          %add3A_47 = arith.addi %add3A_44, %mul3A_46 : i32
          %iota3A = tpu.iota {dimensions = array<i32: 0>} : vector<16xi32>
          %add3A_48 = vector.broadcast %add3A_47 : i32 to vector<16xi32>
          %add3A_49 = arith.addi %add3A_48, %iota3A : vector<16xi32>
          %mul3A_50 = arith.constant 16 : i32
          %mul3A_51 = arith.muli %scan3A_40, %mul3A_50 : i32
          %swap3A = arith.index_cast %mul3A_51 : i32 to index
          %swap3A_52 = tpu.vector_load %arg8[%swap3A] {strides = array<i32>} : memref<128xi32, #tpu.memory_space<vmem>>, vector<16xi32>,
          %swap3A_53 = vector.shape_cast %swap3A_52 : vector<16xi32> to vector<16xi32>
          %swap3A_54 = vector.shape_cast %add3A_49 : vector<16xi32> to vector<16xi32>
          tpu.vector_store %arg8[%swap3A], %swap3A_54 {strides = array<i32>} : memref<128xi32, #tpu.memory_space<vmem>>, vector<16xi32>,
          %scan3A_55 = arith.constant 0 : i32
          scf.yield %scan3A_55 : i32
        }
        %scan3A_32 = arith.constant 8 : i32
        %dma_start3A = arith.constant 0 : i32
        %dma_start3A_33 = arith.constant 0 : i32
        %dma_start3A_34 = tpu.memref_slice %arg11[%dma_start3A, %dma_start3A_33] : memref<10240x128xf32, #tpu.memory_space<vmem_shared>> -> memref<10240x128xf32, #tpu.memory_space<vmem_shared>>
        tpu.enqueue_indirect_dma source(%dma_start3A_34 : memref<10240x128xf32, #tpu.memory_space<vmem_shared>>) target(%arg10 : memref<128x128xf32, #tpu.memory_space<vmem>>) offsets(%arg8 : memref<128xi32, #tpu.memory_space<vmem>>) semaphore(%arg12 : memref<!tpu.dma_semaphore, #tpu.memory_space<semaphore_mem>>)
        %dma_wait3A = arith.constant 0 : i32
        %dma_wait3A_35 = arith.constant 0 : i32
        %dma_wait3A_36 = tpu.memref_slice %arg11[%dma_wait3A, %dma_wait3A_35] : memref<10240x128xf32, #tpu.memory_space<vmem_shared>> -> memref<10240x128xf32, #tpu.memory_space<vmem_shared>>
        tpu.wait_indirect_dma semaphore(%arg12 : memref<!tpu.dma_semaphore, #tpu.memory_space<semaphore_mem>>) src(%dma_wait3A_36 : memref<10240x128xf32, #tpu.memory_space<vmem_shared>>) dst(%arg10 : memref<128x128xf32, #tpu.memory_space<vmem>>)
        %mul3A_37 = arith.constant 128 : i32
        %mul3A_38 = arith.muli %scan3A_24, %mul3A_37 : i32
        %add3A = arith.addi %mul3A_0, %mul3A_38 : i32
        "tpu.region"() ({
          %run_scoped3A = tpu.sem_alloc : memref<!tpu.dma_semaphore, #tpu.memory_space<semaphore_mem>>
          %dma_start3A_40 = arith.constant 0 : i32
          %dma_start3A_41 = tpu.memref_slice %arg5[%add3A, %dma_start3A_40] : memref<10240x128xf32, #tpu.memory_space<hbm>> -> memref<128x128xf32, #tpu.memory_space<hbm>>
          %dma_start3A_42 = arith.constant 0 : i32
          %dma_start3A_43 = tpu.memref_slice %arg5[%add3A, %dma_start3A_42] : memref<10240x128xf32, #tpu.memory_space<hbm>> -> memref<128x128xf32, #tpu.memory_space<hbm>>
          tpu.enqueue_dma source(%arg10 : memref<128x128xf32, #tpu.memory_space<vmem>>) target(%dma_start3A_43 : memref<128x128xf32, #tpu.memory_space<hbm>>) target_semaphore(%run_scoped3A : memref<!tpu.dma_semaphore, #tpu.memory_space<semaphore_mem>>)
          %dma_wait3A_44 = arith.constant 0 : i32
          %dma_wait3A_45 = tpu.memref_slice %arg5[%add3A, %dma_wait3A_44] : memref<10240x128xf32, #tpu.memory_space<hbm>> -> memref<128x128xf32, #tpu.memory_space<hbm>>
          %dma_wait3A_46 = arith.constant 0 : i32
          %dma_wait3A_47 = tpu.memref_slice %arg5[%add3A, %dma_wait3A_46] : memref<10240x128xf32, #tpu.memory_space<hbm>> -> memref<128x128xf32, #tpu.memory_space<hbm>>
          tpu.wait_dma2 semaphore(%run_scoped3A : memref<!tpu.dma_semaphore, #tpu.memory_space<semaphore_mem>>) src(%arg10 : memref<128x128xf32, #tpu.memory_space<vmem>>) dst(%dma_wait3A_47 : memref<128x128xf32, #tpu.memory_space<hbm>>)
          tpu.yield
        }) : () -> ()
        %scan3A_39 = arith.constant 0 : i32
        scf.yield %scan3A_39 : i32
      }
      %scan3A_23 = arith.constant 5 : i32
    } else {
    }
    return
  }
}

#map = affine_map<(d0, d1) -> (0, 0)>
#map1 = affine_map<(d0, d1) -> (0, 0, 0)>
module attributes {stable_mosaic.version = 14 : i64} {
  func.func @agg_kernel(%arg0: i32, %arg1: i32, %arg2: memref<20480x128xf32, #tpu.memory_space<hbm>>, %arg3: memref<32x80x128xi32, #tpu.memory_space<hbm>>, %arg4: memref<16x80x128xi32, #tpu.memory_space<hbm>>, %arg5: memref<128x128xf32, #tpu.memory_space<hbm>>, %arg6: memref<20480x128xf32, #tpu.memory_space<hbm>>, %arg7: memref<80x128xi32, #tpu.memory_space<vmem>>, %arg8: memref<80x128xi32, #tpu.memory_space<vmem>>, %arg9: memref<128xi32, #tpu.memory_space<vmem>>, %arg10: memref<128xi32, #tpu.memory_space<vmem>>, %arg11: memref<128xi32, #tpu.memory_space<vmem>>, %arg12: memref<128x128xf32, #tpu.memory_space<vmem>>, %arg13: memref<10240x128xf32, #tpu.memory_space<vmem_shared>>, %arg14: memref<!tpu.dma_semaphore, #tpu.memory_space<semaphore_mem>>) attributes {dimension_semantics = [#tpu.dimension_semantics<core_parallel>, #tpu.dimension_semantics<subcore_parallel>], iteration_bounds = array<i64: 2, 16>, scalar_prefetch = 0 : i64, scratch_operands = 8 : i64, tpu.core_type = #tpu.core_type<sc_vector_subcore>, window_params = [{transform_indices = #map}, {transform_indices = #map1}, {transform_indices = #map1}, {transform_indices = #map}, {transform_indices = #map}]} {
    "tpu.region"() ({
      %run_scoped3A = tpu.sem_alloc : memref<!tpu.dma_semaphore, #tpu.memory_space<semaphore_mem>>
      tpu.enqueue_dma source(%arg5 : memref<128x128xf32, #tpu.memory_space<hbm>>) target(%arg12 : memref<128x128xf32, #tpu.memory_space<vmem>>) target_semaphore(%run_scoped3A : memref<!tpu.dma_semaphore, #tpu.memory_space<semaphore_mem>>)
      tpu.wait_dma2 semaphore(%run_scoped3A : memref<!tpu.dma_semaphore, #tpu.memory_space<semaphore_mem>>) src(%arg5 : memref<128x128xf32, #tpu.memory_space<hbm>>) dst(%arg12 : memref<128x128xf32, #tpu.memory_space<vmem>>)
      tpu.yield
    }) : () -> ()
    %mul3A = arith.constant 640 : i32
    %mul3A_0 = arith.muli %arg1, %mul3A : i32
    %scan3A = arith.constant 0 : i32
    %scan3A_1 = arith.constant 0 : i32
    %scan3A_2 = arith.constant 5 : i32
    %scan3A_3 = arith.addi %scan3A_1, %scan3A_2 : i32
    %scan3A_4 = arith.constant 1 : i32
    %scan3A_5 = scf.for %scan3A_24 = %scan3A_1 to %scan3A_3 step %scan3A_4 iter_args(%scan3A_25 = %scan3A) -> (i32)  : i32 {
      %mul3A_26 = arith.constant 128 : i32
      %mul3A_27 = arith.muli %scan3A_24, %mul3A_26 : i32
      %add3A_28 = arith.addi %mul3A_0, %mul3A_27 : i32
      "tpu.region"() ({
        %run_scoped3A = tpu.sem_alloc : memref<!tpu.dma_semaphore, #tpu.memory_space<semaphore_mem>>
        %dma_start3A = arith.constant 0 : i32
        %dma_start3A_30 = tpu.memref_slice %arg13[%add3A_28, %dma_start3A] : memref<10240x128xf32, #tpu.memory_space<vmem_shared>> -> memref<128x128xf32, #tpu.memory_space<vmem_shared>>
        %dma_start3A_31 = arith.constant 0 : i32
        %dma_start3A_32 = tpu.memref_slice %arg13[%add3A_28, %dma_start3A_31] : memref<10240x128xf32, #tpu.memory_space<vmem_shared>> -> memref<128x128xf32, #tpu.memory_space<vmem_shared>>
        tpu.enqueue_dma source(%arg12 : memref<128x128xf32, #tpu.memory_space<vmem>>) target(%dma_start3A_32 : memref<128x128xf32, #tpu.memory_space<vmem_shared>>) target_semaphore(%run_scoped3A : memref<!tpu.dma_semaphore, #tpu.memory_space<semaphore_mem>>)
        %dma_wait3A = arith.constant 0 : i32
        %dma_wait3A_33 = tpu.memref_slice %arg13[%add3A_28, %dma_wait3A] : memref<10240x128xf32, #tpu.memory_space<vmem_shared>> -> memref<128x128xf32, #tpu.memory_space<vmem_shared>>
        %dma_wait3A_34 = arith.constant 0 : i32
        %dma_wait3A_35 = tpu.memref_slice %arg13[%add3A_28, %dma_wait3A_34] : memref<10240x128xf32, #tpu.memory_space<vmem_shared>> -> memref<128x128xf32, #tpu.memory_space<vmem_shared>>
        tpu.wait_dma2 semaphore(%run_scoped3A : memref<!tpu.dma_semaphore, #tpu.memory_space<semaphore_mem>>) src(%arg12 : memref<128x128xf32, #tpu.memory_space<vmem>>) dst(%dma_wait3A_35 : memref<128x128xf32, #tpu.memory_space<vmem_shared>>)
        tpu.yield
      }) : () -> ()
      %scan3A_29 = arith.constant 0 : i32
      scf.yield %scan3A_29 : i32
    }
    %scan3A_6 = arith.constant 5 : i32
    %mul3A_7 = arith.constant 16 : i32
    %mul3A_8 = arith.muli %arg0, %mul3A_7 : i32
    %add3A = arith.addi %mul3A_8, %arg1 : i32
    "tpu.region"() ({
      %run_scoped3A = tpu.sem_alloc : memref<!tpu.dma_semaphore, #tpu.memory_space<semaphore_mem>>
      %dma_start3A = arith.constant 0 : i32
      %dma_start3A_24 = arith.constant 0 : i32
      %dma_start3A_25 = tpu.memref_slice %arg3[%add3A, %dma_start3A, %dma_start3A_24] : memref<32x80x128xi32, #tpu.memory_space<hbm>> -> memref<1x80x128xi32, #tpu.memory_space<hbm>>
      %dma_start3A_26 = tpu.memref_squeeze %dma_start3A_25 : memref<1x80x128xi32, #tpu.memory_space<hbm>> -> memref<80x128xi32, #tpu.memory_space<hbm>>
      %dma_start3A_27 = arith.constant 0 : i32
      %dma_start3A_28 = arith.constant 0 : i32
      %dma_start3A_29 = tpu.memref_slice %arg3[%add3A, %dma_start3A_27, %dma_start3A_28] : memref<32x80x128xi32, #tpu.memory_space<hbm>> -> memref<1x80x128xi32, #tpu.memory_space<hbm>>
      %dma_start3A_30 = tpu.memref_squeeze %dma_start3A_29 : memref<1x80x128xi32, #tpu.memory_space<hbm>> -> memref<80x128xi32, #tpu.memory_space<hbm>>
      tpu.enqueue_dma source(%dma_start3A_30 : memref<80x128xi32, #tpu.memory_space<hbm>>) target(%arg7 : memref<80x128xi32, #tpu.memory_space<vmem>>) target_semaphore(%run_scoped3A : memref<!tpu.dma_semaphore, #tpu.memory_space<semaphore_mem>>)
      %dma_wait3A = arith.constant 0 : i32
      %dma_wait3A_31 = arith.constant 0 : i32
      %dma_wait3A_32 = tpu.memref_slice %arg3[%add3A, %dma_wait3A, %dma_wait3A_31] : memref<32x80x128xi32, #tpu.memory_space<hbm>> -> memref<1x80x128xi32, #tpu.memory_space<hbm>>
      %dma_wait3A_33 = tpu.memref_squeeze %dma_wait3A_32 : memref<1x80x128xi32, #tpu.memory_space<hbm>> -> memref<80x128xi32, #tpu.memory_space<hbm>>
      %dma_wait3A_34 = arith.constant 0 : i32
      %dma_wait3A_35 = arith.constant 0 : i32
      %dma_wait3A_36 = tpu.memref_slice %arg3[%add3A, %dma_wait3A_34, %dma_wait3A_35] : memref<32x80x128xi32, #tpu.memory_space<hbm>> -> memref<1x80x128xi32, #tpu.memory_space<hbm>>
      %dma_wait3A_37 = tpu.memref_squeeze %dma_wait3A_36 : memref<1x80x128xi32, #tpu.memory_space<hbm>> -> memref<80x128xi32, #tpu.memory_space<hbm>>
      tpu.wait_dma2 semaphore(%run_scoped3A : memref<!tpu.dma_semaphore, #tpu.memory_space<semaphore_mem>>) src(%dma_wait3A_37 : memref<80x128xi32, #tpu.memory_space<hbm>>) dst(%arg7 : memref<80x128xi32, #tpu.memory_space<vmem>>)
      tpu.yield
    }) : () -> ()
    "tpu.region"() ({
      %run_scoped3A = tpu.sem_alloc : memref<!tpu.dma_semaphore, #tpu.memory_space<semaphore_mem>>
      %dma_start3A = arith.constant 0 : i32
      %dma_start3A_24 = arith.constant 0 : i32
      %dma_start3A_25 = tpu.memref_slice %arg4[%arg1, %dma_start3A, %dma_start3A_24] : memref<16x80x128xi32, #tpu.memory_space<hbm>> -> memref<1x80x128xi32, #tpu.memory_space<hbm>>
      %dma_start3A_26 = tpu.memref_squeeze %dma_start3A_25 : memref<1x80x128xi32, #tpu.memory_space<hbm>> -> memref<80x128xi32, #tpu.memory_space<hbm>>
      %dma_start3A_27 = arith.constant 0 : i32
      %dma_start3A_28 = arith.constant 0 : i32
      %dma_start3A_29 = tpu.memref_slice %arg4[%arg1, %dma_start3A_27, %dma_start3A_28] : memref<16x80x128xi32, #tpu.memory_space<hbm>> -> memref<1x80x128xi32, #tpu.memory_space<hbm>>
      %dma_start3A_30 = tpu.memref_squeeze %dma_start3A_29 : memref<1x80x128xi32, #tpu.memory_space<hbm>> -> memref<80x128xi32, #tpu.memory_space<hbm>>
      tpu.enqueue_dma source(%dma_start3A_30 : memref<80x128xi32, #tpu.memory_space<hbm>>) target(%arg8 : memref<80x128xi32, #tpu.memory_space<vmem>>) target_semaphore(%run_scoped3A : memref<!tpu.dma_semaphore, #tpu.memory_space<semaphore_mem>>)
      %dma_wait3A = arith.constant 0 : i32
      %dma_wait3A_31 = arith.constant 0 : i32
      %dma_wait3A_32 = tpu.memref_slice %arg4[%arg1, %dma_wait3A, %dma_wait3A_31] : memref<16x80x128xi32, #tpu.memory_space<hbm>> -> memref<1x80x128xi32, #tpu.memory_space<hbm>>
      %dma_wait3A_33 = tpu.memref_squeeze %dma_wait3A_32 : memref<1x80x128xi32, #tpu.memory_space<hbm>> -> memref<80x128xi32, #tpu.memory_space<hbm>>
      %dma_wait3A_34 = arith.constant 0 : i32
      %dma_wait3A_35 = arith.constant 0 : i32
      %dma_wait3A_36 = tpu.memref_slice %arg4[%arg1, %dma_wait3A_34, %dma_wait3A_35] : memref<16x80x128xi32, #tpu.memory_space<hbm>> -> memref<1x80x128xi32, #tpu.memory_space<hbm>>
      %dma_wait3A_37 = tpu.memref_squeeze %dma_wait3A_36 : memref<1x80x128xi32, #tpu.memory_space<hbm>> -> memref<80x128xi32, #tpu.memory_space<hbm>>
      tpu.wait_dma2 semaphore(%run_scoped3A : memref<!tpu.dma_semaphore, #tpu.memory_space<semaphore_mem>>) src(%dma_wait3A_37 : memref<80x128xi32, #tpu.memory_space<hbm>>) dst(%arg8 : memref<80x128xi32, #tpu.memory_space<vmem>>)
      tpu.yield
    }) : () -> ()
    %barrier3A = arith.constant 0 : index
    tpu.barrier barrier_id(%barrier3A)
    %scan3A_9 = arith.constant 0 : i32
    %scan3A_10 = arith.constant 0 : i32
    %scan3A_11 = arith.constant 80 : i32
    %scan3A_12 = arith.addi %scan3A_10, %scan3A_11 : i32
    %scan3A_13 = arith.constant 1 : i32
    %scan3A_14 = scf.for %scan3A_24 = %scan3A_10 to %scan3A_12 step %scan3A_13 iter_args(%scan3A_25 = %scan3A_9) -> (i32)  : i32 {
      %scan3A_26 = arith.constant 0 : i32
      %scan3A_27 = arith.constant 0 : i32
      %scan3A_28 = arith.constant 8 : i32
      %scan3A_29 = arith.addi %scan3A_27, %scan3A_28 : i32
      %scan3A_30 = arith.constant 1 : i32
      %scan3A_31 = scf.for %scan3A_38 = %scan3A_27 to %scan3A_29 step %scan3A_30 iter_args(%scan3A_39 = %scan3A_26) -> (i32)  : i32 {
        %mul3A_40 = arith.constant 16 : i32
        %mul3A_41 = arith.muli %scan3A_38, %mul3A_40 : i32
        %get3A = arith.index_cast %scan3A_24 : i32 to index
        %get3A_42 = arith.index_cast %mul3A_41 : i32 to index
        %get3A_43 = tpu.vector_load %arg7[%get3A, %get3A_42] {strides = array<i32>} : memref<80x128xi32, #tpu.memory_space<vmem>>, vector<1x16xi32>,
        %get3A_44 = vector.shape_cast %get3A_43 : vector<1x16xi32> to vector<16xi32>
        %mul3A_45 = arith.constant 16 : i32
        %mul3A_46 = arith.muli %scan3A_38, %mul3A_45 : i32
        %swap3A = arith.index_cast %mul3A_46 : i32 to index
        %swap3A_47 = tpu.vector_load %arg9[%swap3A] {strides = array<i32>} : memref<128xi32, #tpu.memory_space<vmem>>, vector<16xi32>,
        %swap3A_48 = vector.shape_cast %swap3A_47 : vector<16xi32> to vector<16xi32>
        %swap3A_49 = vector.shape_cast %get3A_44 : vector<16xi32> to vector<16xi32>
        tpu.vector_store %arg9[%swap3A], %swap3A_49 {strides = array<i32>} : memref<128xi32, #tpu.memory_space<vmem>>, vector<16xi32>,
        %mul3A_50 = arith.constant 16 : i32
        %mul3A_51 = arith.muli %scan3A_38, %mul3A_50 : i32
        %get3A_52 = arith.index_cast %scan3A_24 : i32 to index
        %get3A_53 = arith.index_cast %mul3A_51 : i32 to index
        %get3A_54 = tpu.vector_load %arg8[%get3A_52, %get3A_53] {strides = array<i32>} : memref<80x128xi32, #tpu.memory_space<vmem>>, vector<1x16xi32>,
        %get3A_55 = vector.shape_cast %get3A_54 : vector<1x16xi32> to vector<16xi32>
        %mul3A_56 = arith.constant 16 : i32
        %mul3A_57 = arith.muli %scan3A_38, %mul3A_56 : i32
        %swap3A_58 = arith.index_cast %mul3A_57 : i32 to index
        %swap3A_59 = tpu.vector_load %arg10[%swap3A_58] {strides = array<i32>} : memref<128xi32, #tpu.memory_space<vmem>>, vector<16xi32>,
        %swap3A_60 = vector.shape_cast %swap3A_59 : vector<16xi32> to vector<16xi32>
        %swap3A_61 = vector.shape_cast %get3A_55 : vector<16xi32> to vector<16xi32>
        tpu.vector_store %arg10[%swap3A_58], %swap3A_61 {strides = array<i32>} : memref<128xi32, #tpu.memory_space<vmem>>, vector<16xi32>,
        %scan3A_62 = arith.constant 0 : i32
        scf.yield %scan3A_62 : i32
      }
      %scan3A_32 = arith.constant 8 : i32
      %dma_start3A = arith.constant 0 : i32
      %dma_start3A_33 = arith.constant 0 : i32
      %dma_start3A_34 = tpu.memref_slice %arg2[%dma_start3A, %dma_start3A_33] : memref<20480x128xf32, #tpu.memory_space<hbm>> -> memref<20480x128xf32, #tpu.memory_space<hbm>>
      tpu.enqueue_indirect_dma source(%dma_start3A_34 : memref<20480x128xf32, #tpu.memory_space<hbm>>) target(%arg12 : memref<128x128xf32, #tpu.memory_space<vmem>>) offsets(%arg9 : memref<128xi32, #tpu.memory_space<vmem>>) semaphore(%arg14 : memref<!tpu.dma_semaphore, #tpu.memory_space<semaphore_mem>>)
      %dma_wait3A = arith.constant 0 : i32
      %dma_wait3A_35 = arith.constant 0 : i32
      %dma_wait3A_36 = tpu.memref_slice %arg2[%dma_wait3A, %dma_wait3A_35] : memref<20480x128xf32, #tpu.memory_space<hbm>> -> memref<20480x128xf32, #tpu.memory_space<hbm>>
      tpu.wait_indirect_dma semaphore(%arg14 : memref<!tpu.dma_semaphore, #tpu.memory_space<semaphore_mem>>) src(%dma_wait3A_36 : memref<20480x128xf32, #tpu.memory_space<hbm>>) dst(%arg12 : memref<128x128xf32, #tpu.memory_space<vmem>>)
      "tpu.region"() ({
        %run_scoped3A = tpu.sem_alloc : memref<!tpu.dma_semaphore, #tpu.memory_space<semaphore_mem>>
        %dma_start3A_38 = arith.constant 0 : i32
        %dma_start3A_39 = arith.constant 0 : i32
        %dma_start3A_40 = tpu.memref_slice %arg13[%dma_start3A_38, %dma_start3A_39] : memref<10240x128xf32, #tpu.memory_space<vmem_shared>> -> memref<10240x128xf32, #tpu.memory_space<vmem_shared>>
        tpu.enqueue_indirect_dma source(%arg12 : memref<128x128xf32, #tpu.memory_space<vmem>>) target(%dma_start3A_40 : memref<10240x128xf32, #tpu.memory_space<vmem_shared>>) offsets(%arg10 : memref<128xi32, #tpu.memory_space<vmem>>) semaphore(%run_scoped3A : memref<!tpu.dma_semaphore, #tpu.memory_space<semaphore_mem>>) {add = true}
        %dma_wait3A_41 = arith.constant 0 : i32
        %dma_wait3A_42 = arith.constant 0 : i32
        %dma_wait3A_43 = tpu.memref_slice %arg13[%dma_wait3A_41, %dma_wait3A_42] : memref<10240x128xf32, #tpu.memory_space<vmem_shared>> -> memref<10240x128xf32, #tpu.memory_space<vmem_shared>>
        tpu.wait_indirect_dma semaphore(%run_scoped3A : memref<!tpu.dma_semaphore, #tpu.memory_space<semaphore_mem>>) src(%arg12 : memref<128x128xf32, #tpu.memory_space<vmem>>) dst(%dma_wait3A_43 : memref<10240x128xf32, #tpu.memory_space<vmem_shared>>)
        tpu.yield
      }) : () -> ()
      %scan3A_37 = arith.constant 0 : i32
      scf.yield %scan3A_37 : i32
    }
    %scan3A_15 = arith.constant 80 : i32
    %barrier3A_16 = arith.constant 0 : index
    tpu.barrier barrier_id(%barrier3A_16)
    %scan3A_17 = arith.constant 0 : i32
    %scan3A_18 = arith.constant 0 : i32
    %scan3A_19 = arith.constant 5 : i32
    %scan3A_20 = arith.addi %scan3A_18, %scan3A_19 : i32
    %scan3A_21 = arith.constant 1 : i32
    %scan3A_22 = scf.for %scan3A_24 = %scan3A_18 to %scan3A_20 step %scan3A_21 iter_args(%scan3A_25 = %scan3A_17) -> (i32)  : i32 {
      %scan3A_26 = arith.constant 0 : i32
      %scan3A_27 = arith.constant 0 : i32
      %scan3A_28 = arith.constant 8 : i32
      %scan3A_29 = arith.addi %scan3A_27, %scan3A_28 : i32
      %scan3A_30 = arith.constant 1 : i32
      %scan3A_31 = scf.for %scan3A_44 = %scan3A_27 to %scan3A_29 step %scan3A_30 iter_args(%scan3A_45 = %scan3A_26) -> (i32)  : i32 {
        %mul3A_46 = arith.constant 128 : i32
        %mul3A_47 = arith.muli %scan3A_24, %mul3A_46 : i32
        %add3A_48 = arith.addi %mul3A_0, %mul3A_47 : i32
        %mul3A_49 = arith.constant 16 : i32
        %mul3A_50 = arith.muli %scan3A_44, %mul3A_49 : i32
        %add3A_51 = arith.addi %add3A_48, %mul3A_50 : i32
        %iota3A = tpu.iota {dimensions = array<i32: 0>} : vector<16xi32>
        %add3A_52 = vector.broadcast %add3A_51 : i32 to vector<16xi32>
        %add3A_53 = arith.addi %add3A_52, %iota3A : vector<16xi32>
        %mul3A_54 = arith.constant 16 : i32
        %mul3A_55 = arith.muli %scan3A_44, %mul3A_54 : i32
        %swap3A = arith.index_cast %mul3A_55 : i32 to index
        %swap3A_56 = tpu.vector_load %arg11[%swap3A] {strides = array<i32>} : memref<128xi32, #tpu.memory_space<vmem>>, vector<16xi32>,
        %swap3A_57 = vector.shape_cast %swap3A_56 : vector<16xi32> to vector<16xi32>
        %swap3A_58 = vector.shape_cast %add3A_53 : vector<16xi32> to vector<16xi32>
        tpu.vector_store %arg11[%swap3A], %swap3A_58 {strides = array<i32>} : memref<128xi32, #tpu.memory_space<vmem>>, vector<16xi32>,
        %scan3A_59 = arith.constant 0 : i32
        scf.yield %scan3A_59 : i32
      }
      %scan3A_32 = arith.constant 8 : i32
      %dma_start3A = arith.constant 0 : i32
      %dma_start3A_33 = arith.constant 0 : i32
      %dma_start3A_34 = tpu.memref_slice %arg13[%dma_start3A, %dma_start3A_33] : memref<10240x128xf32, #tpu.memory_space<vmem_shared>> -> memref<10240x128xf32, #tpu.memory_space<vmem_shared>>
      tpu.enqueue_indirect_dma source(%dma_start3A_34 : memref<10240x128xf32, #tpu.memory_space<vmem_shared>>) target(%arg12 : memref<128x128xf32, #tpu.memory_space<vmem>>) offsets(%arg11 : memref<128xi32, #tpu.memory_space<vmem>>) semaphore(%arg14 : memref<!tpu.dma_semaphore, #tpu.memory_space<semaphore_mem>>)
      %dma_wait3A = arith.constant 0 : i32
      %dma_wait3A_35 = arith.constant 0 : i32
      %dma_wait3A_36 = tpu.memref_slice %arg13[%dma_wait3A, %dma_wait3A_35] : memref<10240x128xf32, #tpu.memory_space<vmem_shared>> -> memref<10240x128xf32, #tpu.memory_space<vmem_shared>>
      tpu.wait_indirect_dma semaphore(%arg14 : memref<!tpu.dma_semaphore, #tpu.memory_space<semaphore_mem>>) src(%dma_wait3A_36 : memref<10240x128xf32, #tpu.memory_space<vmem_shared>>) dst(%arg12 : memref<128x128xf32, #tpu.memory_space<vmem>>)
      %mul3A_37 = arith.constant 10240 : i32
      %mul3A_38 = arith.muli %arg0, %mul3A_37 : i32
      %add3A_39 = arith.addi %mul3A_38, %mul3A_0 : i32
      %mul3A_40 = arith.constant 128 : i32
      %mul3A_41 = arith.muli %scan3A_24, %mul3A_40 : i32
      %add3A_42 = arith.addi %add3A_39, %mul3A_41 : i32
      "tpu.region"() ({
        %run_scoped3A = tpu.sem_alloc : memref<!tpu.dma_semaphore, #tpu.memory_space<semaphore_mem>>
        %dma_start3A_44 = arith.constant 0 : i32
        %dma_start3A_45 = tpu.memref_slice %arg6[%add3A_42, %dma_start3A_44] : memref<20480x128xf32, #tpu.memory_space<hbm>> -> memref<128x128xf32, #tpu.memory_space<hbm>>
        %dma_start3A_46 = arith.constant 0 : i32
        %dma_start3A_47 = tpu.memref_slice %arg6[%add3A_42, %dma_start3A_46] : memref<20480x128xf32, #tpu.memory_space<hbm>> -> memref<128x128xf32, #tpu.memory_space<hbm>>
        tpu.enqueue_dma source(%arg12 : memref<128x128xf32, #tpu.memory_space<vmem>>) target(%dma_start3A_47 : memref<128x128xf32, #tpu.memory_space<hbm>>) target_semaphore(%run_scoped3A : memref<!tpu.dma_semaphore, #tpu.memory_space<semaphore_mem>>)
        %dma_wait3A_48 = arith.constant 0 : i32
        %dma_wait3A_49 = tpu.memref_slice %arg6[%add3A_42, %dma_wait3A_48] : memref<20480x128xf32, #tpu.memory_space<hbm>> -> memref<128x128xf32, #tpu.memory_space<hbm>>
        %dma_wait3A_50 = arith.constant 0 : i32
        %dma_wait3A_51 = tpu.memref_slice %arg6[%add3A_42, %dma_wait3A_50] : memref<20480x128xf32, #tpu.memory_space<hbm>> -> memref<128x128xf32, #tpu.memory_space<hbm>>
        tpu.wait_dma2 semaphore(%run_scoped3A : memref<!tpu.dma_semaphore, #tpu.memory_space<semaphore_mem>>) src(%arg12 : memref<128x128xf32, #tpu.memory_space<vmem>>) dst(%dma_wait3A_51 : memref<128x128xf32, #tpu.memory_space<hbm>>)
        tpu.yield
      }) : () -> ()
      %scan3A_43 = arith.constant 0 : i32
      scf.yield %scan3A_43 : i32
    }
    %scan3A_23 = arith.constant 5 : i32
    return
  }
}

#map = affine_map<(d0, d1) -> (0, 0)>
#map1 = affine_map<(d0, d1) -> (0, 0, 0)>
module attributes {stable_mosaic.version = 14 : i64} {
  func.func @agg_kernel(%arg0: i32, %arg1: i32, %arg2: memref<20480x128xf32, #tpu.memory_space<hbm>>, %arg3: memref<32x80x128xi32, #tpu.memory_space<hbm>>, %arg4: memref<16x80x128xi32, #tpu.memory_space<hbm>>, %arg5: memref<128x128xf32, #tpu.memory_space<hbm>>, %arg6: memref<20480x128xf32, #tpu.memory_space<hbm>>, %arg7: memref<80x128xi32, #tpu.memory_space<vmem>>, %arg8: memref<80x128xi32, #tpu.memory_space<vmem>>, %arg9: memref<128xi32, #tpu.memory_space<vmem>>, %arg10: memref<128xi32, #tpu.memory_space<vmem>>, %arg11: memref<128xi32, #tpu.memory_space<vmem>>, %arg12: memref<128x128xf32, #tpu.memory_space<vmem>>, %arg13: memref<10240x128xf32, #tpu.memory_space<vmem_shared>>, %arg14: memref<!tpu.dma_semaphore, #tpu.memory_space<semaphore_mem>>) attributes {dimension_semantics = [#tpu.dimension_semantics<core_parallel>, #tpu.dimension_semantics<subcore_parallel>], iteration_bounds = array<i64: 2, 16>, scalar_prefetch = 0 : i64, scratch_operands = 8 : i64, tpu.core_type = #tpu.core_type<sc_vector_subcore>, window_params = [{transform_indices = #map}, {transform_indices = #map1}, {transform_indices = #map1}, {transform_indices = #map}, {transform_indices = #map}]} {
    "tpu.region"() ({
      %run_scoped3A = tpu.sem_alloc : memref<!tpu.dma_semaphore, #tpu.memory_space<semaphore_mem>>
      tpu.enqueue_dma source(%arg5 : memref<128x128xf32, #tpu.memory_space<hbm>>) target(%arg12 : memref<128x128xf32, #tpu.memory_space<vmem>>) target_semaphore(%run_scoped3A : memref<!tpu.dma_semaphore, #tpu.memory_space<semaphore_mem>>)
      tpu.wait_dma2 semaphore(%run_scoped3A : memref<!tpu.dma_semaphore, #tpu.memory_space<semaphore_mem>>) src(%arg5 : memref<128x128xf32, #tpu.memory_space<hbm>>) dst(%arg12 : memref<128x128xf32, #tpu.memory_space<vmem>>)
      tpu.yield
    }) : () -> ()
    %mul3A = arith.constant 640 : i32
    %mul3A_0 = arith.muli %arg1, %mul3A : i32
    %scan3A = arith.constant 0 : i32
    %scan3A_1 = arith.constant 0 : i32
    %scan3A_2 = arith.constant 5 : i32
    %scan3A_3 = arith.addi %scan3A_1, %scan3A_2 : i32
    %scan3A_4 = arith.constant 1 : i32
    %scan3A_5 = scf.for %scan3A_24 = %scan3A_1 to %scan3A_3 step %scan3A_4 iter_args(%scan3A_25 = %scan3A) -> (i32)  : i32 {
      %mul3A_26 = arith.constant 128 : i32
      %mul3A_27 = arith.muli %scan3A_24, %mul3A_26 : i32
      %add3A_28 = arith.addi %mul3A_0, %mul3A_27 : i32
      "tpu.region"() ({
        %run_scoped3A = tpu.sem_alloc : memref<!tpu.dma_semaphore, #tpu.memory_space<semaphore_mem>>
        %dma_start3A = arith.constant 0 : i32
        %dma_start3A_30 = tpu.memref_slice %arg13[%add3A_28, %dma_start3A] : memref<10240x128xf32, #tpu.memory_space<vmem_shared>> -> memref<128x128xf32, #tpu.memory_space<vmem_shared>>
        %dma_start3A_31 = arith.constant 0 : i32
        %dma_start3A_32 = tpu.memref_slice %arg13[%add3A_28, %dma_start3A_31] : memref<10240x128xf32, #tpu.memory_space<vmem_shared>> -> memref<128x128xf32, #tpu.memory_space<vmem_shared>>
        tpu.enqueue_dma source(%arg12 : memref<128x128xf32, #tpu.memory_space<vmem>>) target(%dma_start3A_32 : memref<128x128xf32, #tpu.memory_space<vmem_shared>>) target_semaphore(%run_scoped3A : memref<!tpu.dma_semaphore, #tpu.memory_space<semaphore_mem>>)
        %dma_wait3A = arith.constant 0 : i32
        %dma_wait3A_33 = tpu.memref_slice %arg13[%add3A_28, %dma_wait3A] : memref<10240x128xf32, #tpu.memory_space<vmem_shared>> -> memref<128x128xf32, #tpu.memory_space<vmem_shared>>
        %dma_wait3A_34 = arith.constant 0 : i32
        %dma_wait3A_35 = tpu.memref_slice %arg13[%add3A_28, %dma_wait3A_34] : memref<10240x128xf32, #tpu.memory_space<vmem_shared>> -> memref<128x128xf32, #tpu.memory_space<vmem_shared>>
        tpu.wait_dma2 semaphore(%run_scoped3A : memref<!tpu.dma_semaphore, #tpu.memory_space<semaphore_mem>>) src(%arg12 : memref<128x128xf32, #tpu.memory_space<vmem>>) dst(%dma_wait3A_35 : memref<128x128xf32, #tpu.memory_space<vmem_shared>>)
        tpu.yield
      }) : () -> ()
      %scan3A_29 = arith.constant 0 : i32
      scf.yield %scan3A_29 : i32
    }
    %scan3A_6 = arith.constant 5 : i32
    %mul3A_7 = arith.constant 16 : i32
    %mul3A_8 = arith.muli %arg0, %mul3A_7 : i32
    %add3A = arith.addi %mul3A_8, %arg1 : i32
    "tpu.region"() ({
      %run_scoped3A = tpu.sem_alloc : memref<!tpu.dma_semaphore, #tpu.memory_space<semaphore_mem>>
      %dma_start3A = arith.constant 0 : i32
      %dma_start3A_24 = arith.constant 0 : i32
      %dma_start3A_25 = tpu.memref_slice %arg3[%add3A, %dma_start3A, %dma_start3A_24] : memref<32x80x128xi32, #tpu.memory_space<hbm>> -> memref<1x80x128xi32, #tpu.memory_space<hbm>>
      %dma_start3A_26 = tpu.memref_squeeze %dma_start3A_25 : memref<1x80x128xi32, #tpu.memory_space<hbm>> -> memref<80x128xi32, #tpu.memory_space<hbm>>
      %dma_start3A_27 = arith.constant 0 : i32
      %dma_start3A_28 = arith.constant 0 : i32
      %dma_start3A_29 = tpu.memref_slice %arg3[%add3A, %dma_start3A_27, %dma_start3A_28] : memref<32x80x128xi32, #tpu.memory_space<hbm>> -> memref<1x80x128xi32, #tpu.memory_space<hbm>>
      %dma_start3A_30 = tpu.memref_squeeze %dma_start3A_29 : memref<1x80x128xi32, #tpu.memory_space<hbm>> -> memref<80x128xi32, #tpu.memory_space<hbm>>
      tpu.enqueue_dma source(%dma_start3A_30 : memref<80x128xi32, #tpu.memory_space<hbm>>) target(%arg7 : memref<80x128xi32, #tpu.memory_space<vmem>>) target_semaphore(%run_scoped3A : memref<!tpu.dma_semaphore, #tpu.memory_space<semaphore_mem>>)
      %dma_wait3A = arith.constant 0 : i32
      %dma_wait3A_31 = arith.constant 0 : i32
      %dma_wait3A_32 = tpu.memref_slice %arg3[%add3A, %dma_wait3A, %dma_wait3A_31] : memref<32x80x128xi32, #tpu.memory_space<hbm>> -> memref<1x80x128xi32, #tpu.memory_space<hbm>>
      %dma_wait3A_33 = tpu.memref_squeeze %dma_wait3A_32 : memref<1x80x128xi32, #tpu.memory_space<hbm>> -> memref<80x128xi32, #tpu.memory_space<hbm>>
      %dma_wait3A_34 = arith.constant 0 : i32
      %dma_wait3A_35 = arith.constant 0 : i32
      %dma_wait3A_36 = tpu.memref_slice %arg3[%add3A, %dma_wait3A_34, %dma_wait3A_35] : memref<32x80x128xi32, #tpu.memory_space<hbm>> -> memref<1x80x128xi32, #tpu.memory_space<hbm>>
      %dma_wait3A_37 = tpu.memref_squeeze %dma_wait3A_36 : memref<1x80x128xi32, #tpu.memory_space<hbm>> -> memref<80x128xi32, #tpu.memory_space<hbm>>
      tpu.wait_dma2 semaphore(%run_scoped3A : memref<!tpu.dma_semaphore, #tpu.memory_space<semaphore_mem>>) src(%dma_wait3A_37 : memref<80x128xi32, #tpu.memory_space<hbm>>) dst(%arg7 : memref<80x128xi32, #tpu.memory_space<vmem>>)
      tpu.yield
    }) : () -> ()
    "tpu.region"() ({
      %run_scoped3A = tpu.sem_alloc : memref<!tpu.dma_semaphore, #tpu.memory_space<semaphore_mem>>
      %dma_start3A = arith.constant 0 : i32
      %dma_start3A_24 = arith.constant 0 : i32
      %dma_start3A_25 = tpu.memref_slice %arg4[%arg1, %dma_start3A, %dma_start3A_24] : memref<16x80x128xi32, #tpu.memory_space<hbm>> -> memref<1x80x128xi32, #tpu.memory_space<hbm>>
      %dma_start3A_26 = tpu.memref_squeeze %dma_start3A_25 : memref<1x80x128xi32, #tpu.memory_space<hbm>> -> memref<80x128xi32, #tpu.memory_space<hbm>>
      %dma_start3A_27 = arith.constant 0 : i32
      %dma_start3A_28 = arith.constant 0 : i32
      %dma_start3A_29 = tpu.memref_slice %arg4[%arg1, %dma_start3A_27, %dma_start3A_28] : memref<16x80x128xi32, #tpu.memory_space<hbm>> -> memref<1x80x128xi32, #tpu.memory_space<hbm>>
      %dma_start3A_30 = tpu.memref_squeeze %dma_start3A_29 : memref<1x80x128xi32, #tpu.memory_space<hbm>> -> memref<80x128xi32, #tpu.memory_space<hbm>>
      tpu.enqueue_dma source(%dma_start3A_30 : memref<80x128xi32, #tpu.memory_space<hbm>>) target(%arg8 : memref<80x128xi32, #tpu.memory_space<vmem>>) target_semaphore(%run_scoped3A : memref<!tpu.dma_semaphore, #tpu.memory_space<semaphore_mem>>)
      %dma_wait3A = arith.constant 0 : i32
      %dma_wait3A_31 = arith.constant 0 : i32
      %dma_wait3A_32 = tpu.memref_slice %arg4[%arg1, %dma_wait3A, %dma_wait3A_31] : memref<16x80x128xi32, #tpu.memory_space<hbm>> -> memref<1x80x128xi32, #tpu.memory_space<hbm>>
      %dma_wait3A_33 = tpu.memref_squeeze %dma_wait3A_32 : memref<1x80x128xi32, #tpu.memory_space<hbm>> -> memref<80x128xi32, #tpu.memory_space<hbm>>
      %dma_wait3A_34 = arith.constant 0 : i32
      %dma_wait3A_35 = arith.constant 0 : i32
      %dma_wait3A_36 = tpu.memref_slice %arg4[%arg1, %dma_wait3A_34, %dma_wait3A_35] : memref<16x80x128xi32, #tpu.memory_space<hbm>> -> memref<1x80x128xi32, #tpu.memory_space<hbm>>
      %dma_wait3A_37 = tpu.memref_squeeze %dma_wait3A_36 : memref<1x80x128xi32, #tpu.memory_space<hbm>> -> memref<80x128xi32, #tpu.memory_space<hbm>>
      tpu.wait_dma2 semaphore(%run_scoped3A : memref<!tpu.dma_semaphore, #tpu.memory_space<semaphore_mem>>) src(%dma_wait3A_37 : memref<80x128xi32, #tpu.memory_space<hbm>>) dst(%arg8 : memref<80x128xi32, #tpu.memory_space<vmem>>)
      tpu.yield
    }) : () -> ()
    %barrier3A = arith.constant 0 : index
    tpu.barrier barrier_id(%barrier3A)
    %scan3A_9 = arith.constant 0 : i32
    %scan3A_10 = arith.constant 0 : i32
    %scan3A_11 = arith.constant 80 : i32
    %scan3A_12 = arith.addi %scan3A_10, %scan3A_11 : i32
    %scan3A_13 = arith.constant 1 : i32
    %scan3A_14 = scf.for %scan3A_24 = %scan3A_10 to %scan3A_12 step %scan3A_13 iter_args(%scan3A_25 = %scan3A_9) -> (i32)  : i32 {
      %scan3A_26 = arith.constant 0 : i32
      %scan3A_27 = arith.constant 0 : i32
      %scan3A_28 = arith.constant 8 : i32
      %scan3A_29 = arith.addi %scan3A_27, %scan3A_28 : i32
      %scan3A_30 = arith.constant 1 : i32
      %scan3A_31 = scf.for %scan3A_38 = %scan3A_27 to %scan3A_29 step %scan3A_30 iter_args(%scan3A_39 = %scan3A_26) -> (i32)  : i32 {
        %mul3A_40 = arith.constant 16 : i32
        %mul3A_41 = arith.muli %scan3A_38, %mul3A_40 : i32
        %get3A = arith.index_cast %scan3A_24 : i32 to index
        %get3A_42 = arith.index_cast %mul3A_41 : i32 to index
        %get3A_43 = tpu.vector_load %arg7[%get3A, %get3A_42] {strides = array<i32>} : memref<80x128xi32, #tpu.memory_space<vmem>>, vector<1x16xi32>,
        %get3A_44 = vector.shape_cast %get3A_43 : vector<1x16xi32> to vector<16xi32>
        %mul3A_45 = arith.constant 16 : i32
        %mul3A_46 = arith.muli %scan3A_38, %mul3A_45 : i32
        %swap3A = arith.index_cast %mul3A_46 : i32 to index
        %swap3A_47 = tpu.vector_load %arg9[%swap3A] {strides = array<i32>} : memref<128xi32, #tpu.memory_space<vmem>>, vector<16xi32>,
        %swap3A_48 = vector.shape_cast %swap3A_47 : vector<16xi32> to vector<16xi32>
        %swap3A_49 = vector.shape_cast %get3A_44 : vector<16xi32> to vector<16xi32>
        tpu.vector_store %arg9[%swap3A], %swap3A_49 {strides = array<i32>} : memref<128xi32, #tpu.memory_space<vmem>>, vector<16xi32>,
        %mul3A_50 = arith.constant 16 : i32
        %mul3A_51 = arith.muli %scan3A_38, %mul3A_50 : i32
        %get3A_52 = arith.index_cast %scan3A_24 : i32 to index
        %get3A_53 = arith.index_cast %mul3A_51 : i32 to index
        %get3A_54 = tpu.vector_load %arg8[%get3A_52, %get3A_53] {strides = array<i32>} : memref<80x128xi32, #tpu.memory_space<vmem>>, vector<1x16xi32>,
        %get3A_55 = vector.shape_cast %get3A_54 : vector<1x16xi32> to vector<16xi32>
        %mul3A_56 = arith.constant 16 : i32
        %mul3A_57 = arith.muli %scan3A_38, %mul3A_56 : i32
        %swap3A_58 = arith.index_cast %mul3A_57 : i32 to index
        %swap3A_59 = tpu.vector_load %arg10[%swap3A_58] {strides = array<i32>} : memref<128xi32, #tpu.memory_space<vmem>>, vector<16xi32>,
        %swap3A_60 = vector.shape_cast %swap3A_59 : vector<16xi32> to vector<16xi32>
        %swap3A_61 = vector.shape_cast %get3A_55 : vector<16xi32> to vector<16xi32>
        tpu.vector_store %arg10[%swap3A_58], %swap3A_61 {strides = array<i32>} : memref<128xi32, #tpu.memory_space<vmem>>, vector<16xi32>,
        %scan3A_62 = arith.constant 0 : i32
        scf.yield %scan3A_62 : i32
      }
      %scan3A_32 = arith.constant 8 : i32
      %dma_start3A = arith.constant 0 : i32
      %dma_start3A_33 = arith.constant 0 : i32
      %dma_start3A_34 = tpu.memref_slice %arg2[%dma_start3A, %dma_start3A_33] : memref<20480x128xf32, #tpu.memory_space<hbm>> -> memref<20480x128xf32, #tpu.memory_space<hbm>>
      tpu.enqueue_indirect_dma source(%dma_start3A_34 : memref<20480x128xf32, #tpu.memory_space<hbm>>) target(%arg12 : memref<128x128xf32, #tpu.memory_space<vmem>>) offsets(%arg9 : memref<128xi32, #tpu.memory_space<vmem>>) semaphore(%arg14 : memref<!tpu.dma_semaphore, #tpu.memory_space<semaphore_mem>>)
      %dma_wait3A = arith.constant 0 : i32
      %dma_wait3A_35 = arith.constant 0 : i32
      %dma_wait3A_36 = tpu.memref_slice %arg2[%dma_wait3A, %dma_wait3A_35] : memref<20480x128xf32, #tpu.memory_space<hbm>> -> memref<20480x128xf32, #tpu.memory_space<hbm>>
      tpu.wait_indirect_dma semaphore(%arg14 : memref<!tpu.dma_semaphore, #tpu.memory_space<semaphore_mem>>) src(%dma_wait3A_36 : memref<20480x128xf32, #tpu.memory_space<hbm>>) dst(%arg12 : memref<128x128xf32, #tpu.memory_space<vmem>>)
      "tpu.region"() ({
        %run_scoped3A = tpu.sem_alloc : memref<!tpu.dma_semaphore, #tpu.memory_space<semaphore_mem>>
        %dma_start3A_38 = arith.constant 0 : i32
        %dma_start3A_39 = arith.constant 0 : i32
        %dma_start3A_40 = tpu.memref_slice %arg13[%dma_start3A_38, %dma_start3A_39] : memref<10240x128xf32, #tpu.memory_space<vmem_shared>> -> memref<10240x128xf32, #tpu.memory_space<vmem_shared>>
        tpu.enqueue_indirect_dma source(%arg12 : memref<128x128xf32, #tpu.memory_space<vmem>>) target(%dma_start3A_40 : memref<10240x128xf32, #tpu.memory_space<vmem_shared>>) offsets(%arg10 : memref<128xi32, #tpu.memory_space<vmem>>) semaphore(%run_scoped3A : memref<!tpu.dma_semaphore, #tpu.memory_space<semaphore_mem>>) {add = true}
        %dma_wait3A_41 = arith.constant 0 : i32
        %dma_wait3A_42 = arith.constant 0 : i32
        %dma_wait3A_43 = tpu.memref_slice %arg13[%dma_wait3A_41, %dma_wait3A_42] : memref<10240x128xf32, #tpu.memory_space<vmem_shared>> -> memref<10240x128xf32, #tpu.memory_space<vmem_shared>>
        tpu.wait_indirect_dma semaphore(%run_scoped3A : memref<!tpu.dma_semaphore, #tpu.memory_space<semaphore_mem>>) src(%arg12 : memref<128x128xf32, #tpu.memory_space<vmem>>) dst(%dma_wait3A_43 : memref<10240x128xf32, #tpu.memory_space<vmem_shared>>)
        tpu.yield
      }) : () -> ()
      %scan3A_37 = arith.constant 0 : i32
      scf.yield %scan3A_37 : i32
    }
    %scan3A_15 = arith.constant 80 : i32
    %barrier3A_16 = arith.constant 0 : index
    tpu.barrier barrier_id(%barrier3A_16)
    %scan3A_17 = arith.constant 0 : i32
    %scan3A_18 = arith.constant 0 : i32
    %scan3A_19 = arith.constant 5 : i32
    %scan3A_20 = arith.addi %scan3A_18, %scan3A_19 : i32
    %scan3A_21 = arith.constant 1 : i32
    %scan3A_22 = scf.for %scan3A_24 = %scan3A_18 to %scan3A_20 step %scan3A_21 iter_args(%scan3A_25 = %scan3A_17) -> (i32)  : i32 {
      %scan3A_26 = arith.constant 0 : i32
      %scan3A_27 = arith.constant 0 : i32
      %scan3A_28 = arith.constant 8 : i32
      %scan3A_29 = arith.addi %scan3A_27, %scan3A_28 : i32
      %scan3A_30 = arith.constant 1 : i32
      %scan3A_31 = scf.for %scan3A_44 = %scan3A_27 to %scan3A_29 step %scan3A_30 iter_args(%scan3A_45 = %scan3A_26) -> (i32)  : i32 {
        %mul3A_46 = arith.constant 128 : i32
        %mul3A_47 = arith.muli %scan3A_24, %mul3A_46 : i32
        %add3A_48 = arith.addi %mul3A_0, %mul3A_47 : i32
        %mul3A_49 = arith.constant 16 : i32
        %mul3A_50 = arith.muli %scan3A_44, %mul3A_49 : i32
        %add3A_51 = arith.addi %add3A_48, %mul3A_50 : i32
        %iota3A = tpu.iota {dimensions = array<i32: 0>} : vector<16xi32>
        %add3A_52 = vector.broadcast %add3A_51 : i32 to vector<16xi32>
        %add3A_53 = arith.addi %add3A_52, %iota3A : vector<16xi32>
        %mul3A_54 = arith.constant 16 : i32
        %mul3A_55 = arith.muli %scan3A_44, %mul3A_54 : i32
        %swap3A = arith.index_cast %mul3A_55 : i32 to index
        %swap3A_56 = tpu.vector_load %arg11[%swap3A] {strides = array<i32>} : memref<128xi32, #tpu.memory_space<vmem>>, vector<16xi32>,
        %swap3A_57 = vector.shape_cast %swap3A_56 : vector<16xi32> to vector<16xi32>
        %swap3A_58 = vector.shape_cast %add3A_53 : vector<16xi32> to vector<16xi32>
        tpu.vector_store %arg11[%swap3A], %swap3A_58 {strides = array<i32>} : memref<128xi32, #tpu.memory_space<vmem>>, vector<16xi32>,
        %scan3A_59 = arith.constant 0 : i32
        scf.yield %scan3A_59 : i32
      }
      %scan3A_32 = arith.constant 8 : i32
      %dma_start3A = arith.constant 0 : i32
      %dma_start3A_33 = arith.constant 0 : i32
      %dma_start3A_34 = tpu.memref_slice %arg13[%dma_start3A, %dma_start3A_33] : memref<10240x128xf32, #tpu.memory_space<vmem_shared>> -> memref<10240x128xf32, #tpu.memory_space<vmem_shared>>
      tpu.enqueue_indirect_dma source(%dma_start3A_34 : memref<10240x128xf32, #tpu.memory_space<vmem_shared>>) target(%arg12 : memref<128x128xf32, #tpu.memory_space<vmem>>) offsets(%arg11 : memref<128xi32, #tpu.memory_space<vmem>>) semaphore(%arg14 : memref<!tpu.dma_semaphore, #tpu.memory_space<semaphore_mem>>)
      %dma_wait3A = arith.constant 0 : i32
      %dma_wait3A_35 = arith.constant 0 : i32
      %dma_wait3A_36 = tpu.memref_slice %arg13[%dma_wait3A, %dma_wait3A_35] : memref<10240x128xf32, #tpu.memory_space<vmem_shared>> -> memref<10240x128xf32, #tpu.memory_space<vmem_shared>>
      tpu.wait_indirect_dma semaphore(%arg14 : memref<!tpu.dma_semaphore, #tpu.memory_space<semaphore_mem>>) src(%dma_wait3A_36 : memref<10240x128xf32, #tpu.memory_space<vmem_shared>>) dst(%arg12 : memref<128x128xf32, #tpu.memory_space<vmem>>)
      %mul3A_37 = arith.constant 10240 : i32
      %mul3A_38 = arith.muli %arg0, %mul3A_37 : i32
      %add3A_39 = arith.addi %mul3A_38, %mul3A_0 : i32
      %mul3A_40 = arith.constant 128 : i32
      %mul3A_41 = arith.muli %scan3A_24, %mul3A_40 : i32
      %add3A_42 = arith.addi %add3A_39, %mul3A_41 : i32
      "tpu.region"() ({
        %run_scoped3A = tpu.sem_alloc : memref<!tpu.dma_semaphore, #tpu.memory_space<semaphore_mem>>
        %dma_start3A_44 = arith.constant 0 : i32
        %dma_start3A_45 = tpu.memref_slice %arg6[%add3A_42, %dma_start3A_44] : memref<20480x128xf32, #tpu.memory_space<hbm>> -> memref<128x128xf32, #tpu.memory_space<hbm>>
        %dma_start3A_46 = arith.constant 0 : i32
        %dma_start3A_47 = tpu.memref_slice %arg6[%add3A_42, %dma_start3A_46] : memref<20480x128xf32, #tpu.memory_space<hbm>> -> memref<128x128xf32, #tpu.memory_space<hbm>>
        tpu.enqueue_dma source(%arg12 : memref<128x128xf32, #tpu.memory_space<vmem>>) target(%dma_start3A_47 : memref<128x128xf32, #tpu.memory_space<hbm>>) target_semaphore(%run_scoped3A : memref<!tpu.dma_semaphore, #tpu.memory_space<semaphore_mem>>)
        %dma_wait3A_48 = arith.constant 0 : i32
        %dma_wait3A_49 = tpu.memref_slice %arg6[%add3A_42, %dma_wait3A_48] : memref<20480x128xf32, #tpu.memory_space<hbm>> -> memref<128x128xf32, #tpu.memory_space<hbm>>
        %dma_wait3A_50 = arith.constant 0 : i32
        %dma_wait3A_51 = tpu.memref_slice %arg6[%add3A_42, %dma_wait3A_50] : memref<20480x128xf32, #tpu.memory_space<hbm>> -> memref<128x128xf32, #tpu.memory_space<hbm>>
        tpu.wait_dma2 semaphore(%run_scoped3A : memref<!tpu.dma_semaphore, #tpu.memory_space<semaphore_mem>>) src(%arg12 : memref<128x128xf32, #tpu.memory_space<vmem>>) dst(%dma_wait3A_51 : memref<128x128xf32, #tpu.memory_space<hbm>>)
        tpu.yield
      }) : () -> ()
      %scan3A_43 = arith.constant 0 : i32
      scf.yield %scan3A_43 : i32
    }
    %scan3A_23 = arith.constant 5 : i32
    return
  }
}

#map = affine_map<(d0, d1) -> (0, 0)>
#map1 = affine_map<(d0, d1) -> (0, 0, 0)>
module attributes {stable_mosaic.version = 14 : i64} {
  func.func @agg_kernel(%arg0: i32, %arg1: i32, %arg2: memref<20480x128xf32, #tpu.memory_space<hbm>>, %arg3: memref<32x80x128xi32, #tpu.memory_space<hbm>>, %arg4: memref<16x80x128xi32, #tpu.memory_space<hbm>>, %arg5: memref<128x128xf32, #tpu.memory_space<hbm>>, %arg6: memref<20480x128xf32, #tpu.memory_space<hbm>>, %arg7: memref<80x128xi32, #tpu.memory_space<vmem>>, %arg8: memref<80x128xi32, #tpu.memory_space<vmem>>, %arg9: memref<128xi32, #tpu.memory_space<vmem>>, %arg10: memref<128xi32, #tpu.memory_space<vmem>>, %arg11: memref<128xi32, #tpu.memory_space<vmem>>, %arg12: memref<128x128xf32, #tpu.memory_space<vmem>>, %arg13: memref<10240x128xf32, #tpu.memory_space<vmem_shared>>, %arg14: memref<!tpu.dma_semaphore, #tpu.memory_space<semaphore_mem>>) attributes {dimension_semantics = [#tpu.dimension_semantics<core_parallel>, #tpu.dimension_semantics<subcore_parallel>], iteration_bounds = array<i64: 2, 16>, scalar_prefetch = 0 : i64, scratch_operands = 8 : i64, tpu.core_type = #tpu.core_type<sc_vector_subcore>, window_params = [{transform_indices = #map}, {transform_indices = #map1}, {transform_indices = #map1}, {transform_indices = #map}, {transform_indices = #map}]} {
    "tpu.region"() ({
      %run_scoped3A = tpu.sem_alloc : memref<!tpu.dma_semaphore, #tpu.memory_space<semaphore_mem>>
      tpu.enqueue_dma source(%arg5 : memref<128x128xf32, #tpu.memory_space<hbm>>) target(%arg12 : memref<128x128xf32, #tpu.memory_space<vmem>>) target_semaphore(%run_scoped3A : memref<!tpu.dma_semaphore, #tpu.memory_space<semaphore_mem>>)
      tpu.wait_dma2 semaphore(%run_scoped3A : memref<!tpu.dma_semaphore, #tpu.memory_space<semaphore_mem>>) src(%arg5 : memref<128x128xf32, #tpu.memory_space<hbm>>) dst(%arg12 : memref<128x128xf32, #tpu.memory_space<vmem>>)
      tpu.yield
    }) : () -> ()
    %mul3A = arith.constant 640 : i32
    %mul3A_0 = arith.muli %arg1, %mul3A : i32
    %scan3A = arith.constant 0 : i32
    %scan3A_1 = arith.constant 0 : i32
    %scan3A_2 = arith.constant 5 : i32
    %scan3A_3 = arith.addi %scan3A_1, %scan3A_2 : i32
    %scan3A_4 = arith.constant 1 : i32
    %scan3A_5 = scf.for %scan3A_24 = %scan3A_1 to %scan3A_3 step %scan3A_4 iter_args(%scan3A_25 = %scan3A) -> (i32)  : i32 {
      %mul3A_26 = arith.constant 128 : i32
      %mul3A_27 = arith.muli %scan3A_24, %mul3A_26 : i32
      %add3A_28 = arith.addi %mul3A_0, %mul3A_27 : i32
      "tpu.region"() ({
        %run_scoped3A = tpu.sem_alloc : memref<!tpu.dma_semaphore, #tpu.memory_space<semaphore_mem>>
        %dma_start3A = arith.constant 0 : i32
        %dma_start3A_30 = tpu.memref_slice %arg13[%add3A_28, %dma_start3A] : memref<10240x128xf32, #tpu.memory_space<vmem_shared>> -> memref<128x128xf32, #tpu.memory_space<vmem_shared>>
        %dma_start3A_31 = arith.constant 0 : i32
        %dma_start3A_32 = tpu.memref_slice %arg13[%add3A_28, %dma_start3A_31] : memref<10240x128xf32, #tpu.memory_space<vmem_shared>> -> memref<128x128xf32, #tpu.memory_space<vmem_shared>>
        tpu.enqueue_dma source(%arg12 : memref<128x128xf32, #tpu.memory_space<vmem>>) target(%dma_start3A_32 : memref<128x128xf32, #tpu.memory_space<vmem_shared>>) target_semaphore(%run_scoped3A : memref<!tpu.dma_semaphore, #tpu.memory_space<semaphore_mem>>)
        %dma_wait3A = arith.constant 0 : i32
        %dma_wait3A_33 = tpu.memref_slice %arg13[%add3A_28, %dma_wait3A] : memref<10240x128xf32, #tpu.memory_space<vmem_shared>> -> memref<128x128xf32, #tpu.memory_space<vmem_shared>>
        %dma_wait3A_34 = arith.constant 0 : i32
        %dma_wait3A_35 = tpu.memref_slice %arg13[%add3A_28, %dma_wait3A_34] : memref<10240x128xf32, #tpu.memory_space<vmem_shared>> -> memref<128x128xf32, #tpu.memory_space<vmem_shared>>
        tpu.wait_dma2 semaphore(%run_scoped3A : memref<!tpu.dma_semaphore, #tpu.memory_space<semaphore_mem>>) src(%arg12 : memref<128x128xf32, #tpu.memory_space<vmem>>) dst(%dma_wait3A_35 : memref<128x128xf32, #tpu.memory_space<vmem_shared>>)
        tpu.yield
      }) : () -> ()
      %scan3A_29 = arith.constant 0 : i32
      scf.yield %scan3A_29 : i32
    }
    %scan3A_6 = arith.constant 5 : i32
    %mul3A_7 = arith.constant 16 : i32
    %mul3A_8 = arith.muli %arg0, %mul3A_7 : i32
    %add3A = arith.addi %mul3A_8, %arg1 : i32
    "tpu.region"() ({
      %run_scoped3A = tpu.sem_alloc : memref<!tpu.dma_semaphore, #tpu.memory_space<semaphore_mem>>
      %dma_start3A = arith.constant 0 : i32
      %dma_start3A_24 = arith.constant 0 : i32
      %dma_start3A_25 = tpu.memref_slice %arg3[%add3A, %dma_start3A, %dma_start3A_24] : memref<32x80x128xi32, #tpu.memory_space<hbm>> -> memref<1x80x128xi32, #tpu.memory_space<hbm>>
      %dma_start3A_26 = tpu.memref_squeeze %dma_start3A_25 : memref<1x80x128xi32, #tpu.memory_space<hbm>> -> memref<80x128xi32, #tpu.memory_space<hbm>>
      %dma_start3A_27 = arith.constant 0 : i32
      %dma_start3A_28 = arith.constant 0 : i32
      %dma_start3A_29 = tpu.memref_slice %arg3[%add3A, %dma_start3A_27, %dma_start3A_28] : memref<32x80x128xi32, #tpu.memory_space<hbm>> -> memref<1x80x128xi32, #tpu.memory_space<hbm>>
      %dma_start3A_30 = tpu.memref_squeeze %dma_start3A_29 : memref<1x80x128xi32, #tpu.memory_space<hbm>> -> memref<80x128xi32, #tpu.memory_space<hbm>>
      tpu.enqueue_dma source(%dma_start3A_30 : memref<80x128xi32, #tpu.memory_space<hbm>>) target(%arg7 : memref<80x128xi32, #tpu.memory_space<vmem>>) target_semaphore(%run_scoped3A : memref<!tpu.dma_semaphore, #tpu.memory_space<semaphore_mem>>)
      %dma_wait3A = arith.constant 0 : i32
      %dma_wait3A_31 = arith.constant 0 : i32
      %dma_wait3A_32 = tpu.memref_slice %arg3[%add3A, %dma_wait3A, %dma_wait3A_31] : memref<32x80x128xi32, #tpu.memory_space<hbm>> -> memref<1x80x128xi32, #tpu.memory_space<hbm>>
      %dma_wait3A_33 = tpu.memref_squeeze %dma_wait3A_32 : memref<1x80x128xi32, #tpu.memory_space<hbm>> -> memref<80x128xi32, #tpu.memory_space<hbm>>
      %dma_wait3A_34 = arith.constant 0 : i32
      %dma_wait3A_35 = arith.constant 0 : i32
      %dma_wait3A_36 = tpu.memref_slice %arg3[%add3A, %dma_wait3A_34, %dma_wait3A_35] : memref<32x80x128xi32, #tpu.memory_space<hbm>> -> memref<1x80x128xi32, #tpu.memory_space<hbm>>
      %dma_wait3A_37 = tpu.memref_squeeze %dma_wait3A_36 : memref<1x80x128xi32, #tpu.memory_space<hbm>> -> memref<80x128xi32, #tpu.memory_space<hbm>>
      tpu.wait_dma2 semaphore(%run_scoped3A : memref<!tpu.dma_semaphore, #tpu.memory_space<semaphore_mem>>) src(%dma_wait3A_37 : memref<80x128xi32, #tpu.memory_space<hbm>>) dst(%arg7 : memref<80x128xi32, #tpu.memory_space<vmem>>)
      tpu.yield
    }) : () -> ()
    "tpu.region"() ({
      %run_scoped3A = tpu.sem_alloc : memref<!tpu.dma_semaphore, #tpu.memory_space<semaphore_mem>>
      %dma_start3A = arith.constant 0 : i32
      %dma_start3A_24 = arith.constant 0 : i32
      %dma_start3A_25 = tpu.memref_slice %arg4[%arg1, %dma_start3A, %dma_start3A_24] : memref<16x80x128xi32, #tpu.memory_space<hbm>> -> memref<1x80x128xi32, #tpu.memory_space<hbm>>
      %dma_start3A_26 = tpu.memref_squeeze %dma_start3A_25 : memref<1x80x128xi32, #tpu.memory_space<hbm>> -> memref<80x128xi32, #tpu.memory_space<hbm>>
      %dma_start3A_27 = arith.constant 0 : i32
      %dma_start3A_28 = arith.constant 0 : i32
      %dma_start3A_29 = tpu.memref_slice %arg4[%arg1, %dma_start3A_27, %dma_start3A_28] : memref<16x80x128xi32, #tpu.memory_space<hbm>> -> memref<1x80x128xi32, #tpu.memory_space<hbm>>
      %dma_start3A_30 = tpu.memref_squeeze %dma_start3A_29 : memref<1x80x128xi32, #tpu.memory_space<hbm>> -> memref<80x128xi32, #tpu.memory_space<hbm>>
      tpu.enqueue_dma source(%dma_start3A_30 : memref<80x128xi32, #tpu.memory_space<hbm>>) target(%arg8 : memref<80x128xi32, #tpu.memory_space<vmem>>) target_semaphore(%run_scoped3A : memref<!tpu.dma_semaphore, #tpu.memory_space<semaphore_mem>>)
      %dma_wait3A = arith.constant 0 : i32
      %dma_wait3A_31 = arith.constant 0 : i32
      %dma_wait3A_32 = tpu.memref_slice %arg4[%arg1, %dma_wait3A, %dma_wait3A_31] : memref<16x80x128xi32, #tpu.memory_space<hbm>> -> memref<1x80x128xi32, #tpu.memory_space<hbm>>
      %dma_wait3A_33 = tpu.memref_squeeze %dma_wait3A_32 : memref<1x80x128xi32, #tpu.memory_space<hbm>> -> memref<80x128xi32, #tpu.memory_space<hbm>>
      %dma_wait3A_34 = arith.constant 0 : i32
      %dma_wait3A_35 = arith.constant 0 : i32
      %dma_wait3A_36 = tpu.memref_slice %arg4[%arg1, %dma_wait3A_34, %dma_wait3A_35] : memref<16x80x128xi32, #tpu.memory_space<hbm>> -> memref<1x80x128xi32, #tpu.memory_space<hbm>>
      %dma_wait3A_37 = tpu.memref_squeeze %dma_wait3A_36 : memref<1x80x128xi32, #tpu.memory_space<hbm>> -> memref<80x128xi32, #tpu.memory_space<hbm>>
      tpu.wait_dma2 semaphore(%run_scoped3A : memref<!tpu.dma_semaphore, #tpu.memory_space<semaphore_mem>>) src(%dma_wait3A_37 : memref<80x128xi32, #tpu.memory_space<hbm>>) dst(%arg8 : memref<80x128xi32, #tpu.memory_space<vmem>>)
      tpu.yield
    }) : () -> ()
    %barrier3A = arith.constant 0 : index
    tpu.barrier barrier_id(%barrier3A)
    %scan3A_9 = arith.constant 0 : i32
    %scan3A_10 = arith.constant 0 : i32
    %scan3A_11 = arith.constant 80 : i32
    %scan3A_12 = arith.addi %scan3A_10, %scan3A_11 : i32
    %scan3A_13 = arith.constant 1 : i32
    %scan3A_14 = scf.for %scan3A_24 = %scan3A_10 to %scan3A_12 step %scan3A_13 iter_args(%scan3A_25 = %scan3A_9) -> (i32)  : i32 {
      %scan3A_26 = arith.constant 0 : i32
      %scan3A_27 = arith.constant 0 : i32
      %scan3A_28 = arith.constant 8 : i32
      %scan3A_29 = arith.addi %scan3A_27, %scan3A_28 : i32
      %scan3A_30 = arith.constant 1 : i32
      %scan3A_31 = scf.for %scan3A_38 = %scan3A_27 to %scan3A_29 step %scan3A_30 iter_args(%scan3A_39 = %scan3A_26) -> (i32)  : i32 {
        %mul3A_40 = arith.constant 16 : i32
        %mul3A_41 = arith.muli %scan3A_38, %mul3A_40 : i32
        %get3A = arith.index_cast %scan3A_24 : i32 to index
        %get3A_42 = arith.index_cast %mul3A_41 : i32 to index
        %get3A_43 = tpu.vector_load %arg7[%get3A, %get3A_42] {strides = array<i32>} : memref<80x128xi32, #tpu.memory_space<vmem>>, vector<1x16xi32>,
        %get3A_44 = vector.shape_cast %get3A_43 : vector<1x16xi32> to vector<16xi32>
        %mul3A_45 = arith.constant 16 : i32
        %mul3A_46 = arith.muli %scan3A_38, %mul3A_45 : i32
        %swap3A = arith.index_cast %mul3A_46 : i32 to index
        %swap3A_47 = tpu.vector_load %arg9[%swap3A] {strides = array<i32>} : memref<128xi32, #tpu.memory_space<vmem>>, vector<16xi32>,
        %swap3A_48 = vector.shape_cast %swap3A_47 : vector<16xi32> to vector<16xi32>
        %swap3A_49 = vector.shape_cast %get3A_44 : vector<16xi32> to vector<16xi32>
        tpu.vector_store %arg9[%swap3A], %swap3A_49 {strides = array<i32>} : memref<128xi32, #tpu.memory_space<vmem>>, vector<16xi32>,
        %mul3A_50 = arith.constant 16 : i32
        %mul3A_51 = arith.muli %scan3A_38, %mul3A_50 : i32
        %get3A_52 = arith.index_cast %scan3A_24 : i32 to index
        %get3A_53 = arith.index_cast %mul3A_51 : i32 to index
        %get3A_54 = tpu.vector_load %arg8[%get3A_52, %get3A_53] {strides = array<i32>} : memref<80x128xi32, #tpu.memory_space<vmem>>, vector<1x16xi32>,
        %get3A_55 = vector.shape_cast %get3A_54 : vector<1x16xi32> to vector<16xi32>
        %mul3A_56 = arith.constant 16 : i32
        %mul3A_57 = arith.muli %scan3A_38, %mul3A_56 : i32
        %swap3A_58 = arith.index_cast %mul3A_57 : i32 to index
        %swap3A_59 = tpu.vector_load %arg10[%swap3A_58] {strides = array<i32>} : memref<128xi32, #tpu.memory_space<vmem>>, vector<16xi32>,
        %swap3A_60 = vector.shape_cast %swap3A_59 : vector<16xi32> to vector<16xi32>
        %swap3A_61 = vector.shape_cast %get3A_55 : vector<16xi32> to vector<16xi32>
        tpu.vector_store %arg10[%swap3A_58], %swap3A_61 {strides = array<i32>} : memref<128xi32, #tpu.memory_space<vmem>>, vector<16xi32>,
        %scan3A_62 = arith.constant 0 : i32
        scf.yield %scan3A_62 : i32
      }
      %scan3A_32 = arith.constant 8 : i32
      %dma_start3A = arith.constant 0 : i32
      %dma_start3A_33 = arith.constant 0 : i32
      %dma_start3A_34 = tpu.memref_slice %arg2[%dma_start3A, %dma_start3A_33] : memref<20480x128xf32, #tpu.memory_space<hbm>> -> memref<20480x128xf32, #tpu.memory_space<hbm>>
      tpu.enqueue_indirect_dma source(%dma_start3A_34 : memref<20480x128xf32, #tpu.memory_space<hbm>>) target(%arg12 : memref<128x128xf32, #tpu.memory_space<vmem>>) offsets(%arg9 : memref<128xi32, #tpu.memory_space<vmem>>) semaphore(%arg14 : memref<!tpu.dma_semaphore, #tpu.memory_space<semaphore_mem>>)
      %dma_wait3A = arith.constant 0 : i32
      %dma_wait3A_35 = arith.constant 0 : i32
      %dma_wait3A_36 = tpu.memref_slice %arg2[%dma_wait3A, %dma_wait3A_35] : memref<20480x128xf32, #tpu.memory_space<hbm>> -> memref<20480x128xf32, #tpu.memory_space<hbm>>
      tpu.wait_indirect_dma semaphore(%arg14 : memref<!tpu.dma_semaphore, #tpu.memory_space<semaphore_mem>>) src(%dma_wait3A_36 : memref<20480x128xf32, #tpu.memory_space<hbm>>) dst(%arg12 : memref<128x128xf32, #tpu.memory_space<vmem>>)
      "tpu.region"() ({
        %run_scoped3A = tpu.sem_alloc : memref<!tpu.dma_semaphore, #tpu.memory_space<semaphore_mem>>
        %dma_start3A_38 = arith.constant 0 : i32
        %dma_start3A_39 = arith.constant 0 : i32
        %dma_start3A_40 = tpu.memref_slice %arg13[%dma_start3A_38, %dma_start3A_39] : memref<10240x128xf32, #tpu.memory_space<vmem_shared>> -> memref<10240x128xf32, #tpu.memory_space<vmem_shared>>
        tpu.enqueue_indirect_dma source(%arg12 : memref<128x128xf32, #tpu.memory_space<vmem>>) target(%dma_start3A_40 : memref<10240x128xf32, #tpu.memory_space<vmem_shared>>) offsets(%arg10 : memref<128xi32, #tpu.memory_space<vmem>>) semaphore(%run_scoped3A : memref<!tpu.dma_semaphore, #tpu.memory_space<semaphore_mem>>) {add = true}
        %dma_wait3A_41 = arith.constant 0 : i32
        %dma_wait3A_42 = arith.constant 0 : i32
        %dma_wait3A_43 = tpu.memref_slice %arg13[%dma_wait3A_41, %dma_wait3A_42] : memref<10240x128xf32, #tpu.memory_space<vmem_shared>> -> memref<10240x128xf32, #tpu.memory_space<vmem_shared>>
        tpu.wait_indirect_dma semaphore(%run_scoped3A : memref<!tpu.dma_semaphore, #tpu.memory_space<semaphore_mem>>) src(%arg12 : memref<128x128xf32, #tpu.memory_space<vmem>>) dst(%dma_wait3A_43 : memref<10240x128xf32, #tpu.memory_space<vmem_shared>>)
        tpu.yield
      }) : () -> ()
      %scan3A_37 = arith.constant 0 : i32
      scf.yield %scan3A_37 : i32
    }
    %scan3A_15 = arith.constant 80 : i32
    %barrier3A_16 = arith.constant 0 : index
    tpu.barrier barrier_id(%barrier3A_16)
    %scan3A_17 = arith.constant 0 : i32
    %scan3A_18 = arith.constant 0 : i32
    %scan3A_19 = arith.constant 5 : i32
    %scan3A_20 = arith.addi %scan3A_18, %scan3A_19 : i32
    %scan3A_21 = arith.constant 1 : i32
    %scan3A_22 = scf.for %scan3A_24 = %scan3A_18 to %scan3A_20 step %scan3A_21 iter_args(%scan3A_25 = %scan3A_17) -> (i32)  : i32 {
      %scan3A_26 = arith.constant 0 : i32
      %scan3A_27 = arith.constant 0 : i32
      %scan3A_28 = arith.constant 8 : i32
      %scan3A_29 = arith.addi %scan3A_27, %scan3A_28 : i32
      %scan3A_30 = arith.constant 1 : i32
      %scan3A_31 = scf.for %scan3A_44 = %scan3A_27 to %scan3A_29 step %scan3A_30 iter_args(%scan3A_45 = %scan3A_26) -> (i32)  : i32 {
        %mul3A_46 = arith.constant 128 : i32
        %mul3A_47 = arith.muli %scan3A_24, %mul3A_46 : i32
        %add3A_48 = arith.addi %mul3A_0, %mul3A_47 : i32
        %mul3A_49 = arith.constant 16 : i32
        %mul3A_50 = arith.muli %scan3A_44, %mul3A_49 : i32
        %add3A_51 = arith.addi %add3A_48, %mul3A_50 : i32
        %iota3A = tpu.iota {dimensions = array<i32: 0>} : vector<16xi32>
        %add3A_52 = vector.broadcast %add3A_51 : i32 to vector<16xi32>
        %add3A_53 = arith.addi %add3A_52, %iota3A : vector<16xi32>
        %mul3A_54 = arith.constant 16 : i32
        %mul3A_55 = arith.muli %scan3A_44, %mul3A_54 : i32
        %swap3A = arith.index_cast %mul3A_55 : i32 to index
        %swap3A_56 = tpu.vector_load %arg11[%swap3A] {strides = array<i32>} : memref<128xi32, #tpu.memory_space<vmem>>, vector<16xi32>,
        %swap3A_57 = vector.shape_cast %swap3A_56 : vector<16xi32> to vector<16xi32>
        %swap3A_58 = vector.shape_cast %add3A_53 : vector<16xi32> to vector<16xi32>
        tpu.vector_store %arg11[%swap3A], %swap3A_58 {strides = array<i32>} : memref<128xi32, #tpu.memory_space<vmem>>, vector<16xi32>,
        %scan3A_59 = arith.constant 0 : i32
        scf.yield %scan3A_59 : i32
      }
      %scan3A_32 = arith.constant 8 : i32
      %dma_start3A = arith.constant 0 : i32
      %dma_start3A_33 = arith.constant 0 : i32
      %dma_start3A_34 = tpu.memref_slice %arg13[%dma_start3A, %dma_start3A_33] : memref<10240x128xf32, #tpu.memory_space<vmem_shared>> -> memref<10240x128xf32, #tpu.memory_space<vmem_shared>>
      tpu.enqueue_indirect_dma source(%dma_start3A_34 : memref<10240x128xf32, #tpu.memory_space<vmem_shared>>) target(%arg12 : memref<128x128xf32, #tpu.memory_space<vmem>>) offsets(%arg11 : memref<128xi32, #tpu.memory_space<vmem>>) semaphore(%arg14 : memref<!tpu.dma_semaphore, #tpu.memory_space<semaphore_mem>>)
      %dma_wait3A = arith.constant 0 : i32
      %dma_wait3A_35 = arith.constant 0 : i32
      %dma_wait3A_36 = tpu.memref_slice %arg13[%dma_wait3A, %dma_wait3A_35] : memref<10240x128xf32, #tpu.memory_space<vmem_shared>> -> memref<10240x128xf32, #tpu.memory_space<vmem_shared>>
      tpu.wait_indirect_dma semaphore(%arg14 : memref<!tpu.dma_semaphore, #tpu.memory_space<semaphore_mem>>) src(%dma_wait3A_36 : memref<10240x128xf32, #tpu.memory_space<vmem_shared>>) dst(%arg12 : memref<128x128xf32, #tpu.memory_space<vmem>>)
      %mul3A_37 = arith.constant 10240 : i32
      %mul3A_38 = arith.muli %arg0, %mul3A_37 : i32
      %add3A_39 = arith.addi %mul3A_38, %mul3A_0 : i32
      %mul3A_40 = arith.constant 128 : i32
      %mul3A_41 = arith.muli %scan3A_24, %mul3A_40 : i32
      %add3A_42 = arith.addi %add3A_39, %mul3A_41 : i32
      "tpu.region"() ({
        %run_scoped3A = tpu.sem_alloc : memref<!tpu.dma_semaphore, #tpu.memory_space<semaphore_mem>>
        %dma_start3A_44 = arith.constant 0 : i32
        %dma_start3A_45 = tpu.memref_slice %arg6[%add3A_42, %dma_start3A_44] : memref<20480x128xf32, #tpu.memory_space<hbm>> -> memref<128x128xf32, #tpu.memory_space<hbm>>
        %dma_start3A_46 = arith.constant 0 : i32
        %dma_start3A_47 = tpu.memref_slice %arg6[%add3A_42, %dma_start3A_46] : memref<20480x128xf32, #tpu.memory_space<hbm>> -> memref<128x128xf32, #tpu.memory_space<hbm>>
        tpu.enqueue_dma source(%arg12 : memref<128x128xf32, #tpu.memory_space<vmem>>) target(%dma_start3A_47 : memref<128x128xf32, #tpu.memory_space<hbm>>) target_semaphore(%run_scoped3A : memref<!tpu.dma_semaphore, #tpu.memory_space<semaphore_mem>>)
        %dma_wait3A_48 = arith.constant 0 : i32
        %dma_wait3A_49 = tpu.memref_slice %arg6[%add3A_42, %dma_wait3A_48] : memref<20480x128xf32, #tpu.memory_space<hbm>> -> memref<128x128xf32, #tpu.memory_space<hbm>>
        %dma_wait3A_50 = arith.constant 0 : i32
        %dma_wait3A_51 = tpu.memref_slice %arg6[%add3A_42, %dma_wait3A_50] : memref<20480x128xf32, #tpu.memory_space<hbm>> -> memref<128x128xf32, #tpu.memory_space<hbm>>
        tpu.wait_dma2 semaphore(%run_scoped3A : memref<!tpu.dma_semaphore, #tpu.memory_space<semaphore_mem>>) src(%arg12 : memref<128x128xf32, #tpu.memory_space<vmem>>) dst(%dma_wait3A_51 : memref<128x128xf32, #tpu.memory_space<hbm>>)
        tpu.yield
      }) : () -> ()
      %scan3A_43 = arith.constant 0 : i32
      scf.yield %scan3A_43 : i32
    }
    %scan3A_23 = arith.constant 5 : i32
    return
  }
}

module attributes {stable_mosaic.version = 14 : i64} {
  func.func @_a1_kernel(%arg0: i32, %arg1: i32, %arg2: memref<2048x256xf32, #tpu.memory_space<vmem>>, %arg3: memref<256x128xf32, #tpu.memory_space<vmem>>, %arg4: memref<2048x1xf32, #tpu.memory_space<vmem>>, %arg5: memref<2048x128xf32, #tpu.memory_space<vmem>>) attributes {dimension_semantics = [#tpu.dimension_semantics<arbitrary>, #tpu.dimension_semantics<arbitrary>], iteration_bounds = array<i64: 5, 2>, scalar_prefetch = 0 : i64, scratch_operands = 0 : i64, tpu.core_type = #tpu.core_type<tc>, window_params = [{transform_indices = @transform_0, window_bounds = array<i64: 2048, 256>}, {transform_indices = @transform_1, window_bounds = array<i64: 256, 128>}, {transform_indices = @transform_2, window_bounds = array<i64: 2048, 1>}, {transform_indices = @transform_3, window_bounds = array<i64: 2048, 128>}]} {
    %get3A = arith.constant 0 : index
    %get3A_0 = arith.constant 0 : index
    %get3A_1 = vector.load %arg4[%get3A, %get3A_0] : memref<2048x1xf32, #tpu.memory_space<vmem>>, vector<2048x1xf32>
    %add3A = arith.constant 1.000000e+00 : f32
    %add3A_2 = vector.broadcast %add3A : f32 to vector<2048x1xf32>
    %add3A_3 = arith.addf %get3A_1, %add3A_2 : vector<2048x1xf32>
    %rsqrt3A = math.rsqrt %add3A_3 : vector<2048x1xf32>
    %get3A_4 = arith.constant 0 : index
    %get3A_5 = arith.constant 0 : index
    %get3A_6 = vector.load %arg2[%get3A_4, %get3A_5] : memref<2048x256xf32, #tpu.memory_space<vmem>>, vector<2048x256xf32>
    %get3A_7 = arith.constant 0 : index
    %get3A_8 = arith.constant 0 : index
    %get3A_9 = vector.load %arg3[%get3A_7, %get3A_8] : memref<256x128xf32, #tpu.memory_space<vmem>>, vector<256x128xf32>
    %dot_general3A = arith.constant dense<0.000000e+00> : vector<2048x128xf32>
    %dot_general3A_10 = tpu.matmul %get3A_6, %get3A_9, %dot_general3A {dimension_numbers = #tpu.dot_dimension_numbers<[1], [0], [0], [1], [0, 0, 1, 1], [], []>, transpose_lhs_hint = false} : vector<2048x256xf32>, vector<256x128xf32>, vector<2048x128xf32> -> vector<2048x128xf32>
    %mul3A = vector.broadcast %rsqrt3A : vector<2048x1xf32> to vector<2048x128xf32>
    %mul3A_11 = arith.mulf %dot_general3A_10, %mul3A : vector<2048x128xf32>
    %swap3A = arith.constant 0 : index
    %swap3A_12 = arith.constant 0 : index
    %swap3A_13 = vector.load %arg5[%swap3A, %swap3A_12] : memref<2048x128xf32, #tpu.memory_space<vmem>>, vector<2048x128xf32>
    tpu.vector_store %arg5[%swap3A, %swap3A_12], %mul3A_11 {strides = array<i32>} : memref<2048x128xf32, #tpu.memory_space<vmem>>, vector<2048x128xf32>,
    return
  }
  func.func @transform_0(%arg0: i32, %arg1: i32) -> (i32, i32) {
    %c0_i32 = arith.constant 0 : i32
    %c0_i32_0 = arith.constant 0 : i32
    return %arg0, %c0_i32 : i32, i32
  }
  func.func @transform_1(%arg0: i32, %arg1: i32) -> (i32, i32) {
    %c0_i32 = arith.constant 0 : i32
    %c0_i32_0 = arith.constant 0 : i32
    return %c0_i32, %arg1 : i32, i32
  }
  func.func @transform_2(%arg0: i32, %arg1: i32) -> (i32, i32) {
    %c0_i32 = arith.constant 0 : i32
    %c0_i32_0 = arith.constant 0 : i32
    return %arg0, %c0_i32 : i32, i32
  }
  func.func @transform_3(%arg0: i32, %arg1: i32) -> (i32, i32) {
    %mul3A = arith.constant 5 : i32
    %mul3A_0 = arith.muli %arg1, %mul3A : i32
    %add3A = arith.addi %mul3A_0, %arg0 : i32
    %c0_i32 = arith.constant 0 : i32
    %c0_i32_1 = arith.constant 0 : i32
    return %add3A, %c0_i32 : i32, i32
  }
}

module attributes {stable_mosaic.version = 14 : i64} {
  func.func @_c_kernel(%arg0: i32, %arg1: memref<2048x128xf32, #tpu.memory_space<vmem>>, %arg2: memref<2048x128xf32, #tpu.memory_space<vmem>>, %arg3: memref<2048x128xf32, #tpu.memory_space<vmem>>, %arg4: memref<2048x128xf32, #tpu.memory_space<vmem>>, %arg5: memref<2048x1xf32, #tpu.memory_space<vmem>>, %arg6: memref<1x256xf32, #tpu.memory_space<vmem>>, %arg7: memref<2048x256xf32, #tpu.memory_space<vmem>>, %arg8: memref<8x256xf32, #tpu.memory_space<vmem>>) attributes {dimension_semantics = [#tpu.dimension_semantics<arbitrary>], iteration_bounds = array<i64: 5>, scalar_prefetch = 0 : i64, scratch_operands = 0 : i64, tpu.core_type = #tpu.core_type<tc>, window_params = [{transform_indices = @transform_0, window_bounds = array<i64: 2048, 128>}, {transform_indices = @transform_1, window_bounds = array<i64: 2048, 128>}, {transform_indices = @transform_2, window_bounds = array<i64: 2048, 128>}, {transform_indices = @transform_3, window_bounds = array<i64: 2048, 128>}, {transform_indices = @transform_4, window_bounds = array<i64: 2048, 1>}, {pipeline_mode = #tpu.pipeline_mode<synchronous>, transform_indices = @transform_5, window_bounds = array<i64: 1, 256>}, {transform_indices = @transform_6, window_bounds = array<i64: 2048, 256>}, {pipeline_mode = #tpu.pipeline_mode<synchronous>, transform_indices = @transform_7, window_bounds = array<i64: 8, 256>}]} {
    %get3A = arith.constant 0 : index
    %get3A_0 = arith.constant 0 : index
    %get3A_1 = vector.load %arg5[%get3A, %get3A_0] : memref<2048x1xf32, #tpu.memory_space<vmem>>, vector<2048x1xf32>
    %add3A = arith.constant 1.000000e+00 : f32
    %add3A_2 = vector.broadcast %add3A : f32 to vector<2048x1xf32>
    %add3A_3 = arith.addf %get3A_1, %add3A_2 : vector<2048x1xf32>
    %rsqrt3A = math.rsqrt %add3A_3 : vector<2048x1xf32>
    %get3A_4 = arith.constant 0 : index
    %get3A_5 = arith.constant 0 : index
    %get3A_6 = vector.load %arg1[%get3A_4, %get3A_5] : memref<2048x128xf32, #tpu.memory_space<vmem>>, vector<2048x128xf32>
    %get3A_7 = arith.constant 0 : index
    %get3A_8 = arith.constant 0 : index
    %get3A_9 = vector.load %arg3[%get3A_7, %get3A_8] : memref<2048x128xf32, #tpu.memory_space<vmem>>, vector<2048x128xf32>
    %add3A_10 = arith.addf %get3A_6, %get3A_9 : vector<2048x128xf32>
    %mul3A = vector.broadcast %rsqrt3A : vector<2048x1xf32> to vector<2048x128xf32>
    %mul3A_11 = arith.mulf %mul3A, %add3A_10 : vector<2048x128xf32>
    %get3A_12 = arith.constant 0 : index
    %get3A_13 = arith.constant 0 : index
    %get3A_14 = vector.load %arg6[%get3A_12, %get3A_13] : memref<1x256xf32, #tpu.memory_space<vmem>>, vector<1x128xf32>
    %add3A_15 = vector.broadcast %get3A_14 : vector<1x128xf32> to vector<2048x128xf32>
    %add3A_16 = arith.addf %mul3A_11, %add3A_15 : vector<2048x128xf32>
    %get3A_17 = arith.constant 0 : index
    %get3A_18 = arith.constant 0 : index
    %get3A_19 = vector.load %arg2[%get3A_17, %get3A_18] : memref<2048x128xf32, #tpu.memory_space<vmem>>, vector<2048x128xf32>
    %get3A_20 = arith.constant 0 : index
    %get3A_21 = arith.constant 0 : index
    %get3A_22 = vector.load %arg4[%get3A_20, %get3A_21] : memref<2048x128xf32, #tpu.memory_space<vmem>>, vector<2048x128xf32>
    %add3A_23 = arith.addf %get3A_19, %get3A_22 : vector<2048x128xf32>
    %mul3A_24 = vector.broadcast %rsqrt3A : vector<2048x1xf32> to vector<2048x128xf32>
    %mul3A_25 = arith.mulf %mul3A_24, %add3A_23 : vector<2048x128xf32>
    %get3A_26 = arith.constant 0 : index
    %get3A_27 = arith.constant 128 : index
    %get3A_28 = vector.load %arg6[%get3A_26, %get3A_27] : memref<1x256xf32, #tpu.memory_space<vmem>>, vector<1x128xf32>
    %add3A_29 = vector.broadcast %get3A_28 : vector<1x128xf32> to vector<2048x128xf32>
    %add3A_30 = arith.addf %mul3A_25, %add3A_29 : vector<2048x128xf32>
    %swap3A = arith.constant 0 : index
    %swap3A_31 = arith.constant 0 : index
    %swap3A_32 = vector.load %arg7[%swap3A, %swap3A_31] : memref<2048x256xf32, #tpu.memory_space<vmem>>, vector<2048x128xf32>
    tpu.vector_store %arg7[%swap3A, %swap3A_31], %add3A_16 {strides = array<i32>} : memref<2048x256xf32, #tpu.memory_space<vmem>>, vector<2048x128xf32>,
    %swap3A_33 = arith.constant 0 : index
    %swap3A_34 = arith.constant 128 : index
    %swap3A_35 = vector.load %arg7[%swap3A_33, %swap3A_34] : memref<2048x256xf32, #tpu.memory_space<vmem>>, vector<2048x128xf32>
    tpu.vector_store %arg7[%swap3A_33, %swap3A_34], %add3A_30 {strides = array<i32>} : memref<2048x256xf32, #tpu.memory_space<vmem>>, vector<2048x128xf32>,
    %eq3A = arith.constant 0 : i32
    %eq3A_36 = arith.cmpi eq, %arg0, %eq3A : i32
    %convert_element_type3A = arith.extui %eq3A_36 : i1 to i32
    %cond3A = arith.constant 0 : i32
    %cond3A_37 = arith.cmpi ne, %convert_element_type3A, %cond3A : i32
    scf.if %cond3A_37 {
      %broadcast_in_dim3A_90 = arith.constant 0.000000e+00 : f32
      %broadcast_in_dim3A_91 = vector.broadcast %broadcast_in_dim3A_90 : f32 to vector<8x256xf32>
      %swap3A_92 = arith.constant 0 : index
      %swap3A_93 = arith.constant 0 : index
      %swap3A_94 = vector.load %arg8[%swap3A_92, %swap3A_93] : memref<8x256xf32, #tpu.memory_space<vmem>>, vector<8x256xf32>
      tpu.vector_store %arg8[%swap3A_92, %swap3A_93], %broadcast_in_dim3A_91 {strides = array<i32>} : memref<8x256xf32, #tpu.memory_space<vmem>>, vector<8x256xf32>,
    } else {
    }
    %iota3A = tpu.iota {dimensions = array<i32: 0>} : vector<2048x1xi32>
    %mul3A_38 = arith.constant 2048 : i32
    %mul3A_39 = arith.muli %arg0, %mul3A_38 : i32
    %add3A_40 = vector.broadcast %mul3A_39 : i32 to vector<2048x1xi32>
    %add3A_41 = arith.addi %iota3A, %add3A_40 : vector<2048x1xi32>
    %lt3A = arith.constant 10000 : i32
    %lt3A_42 = vector.broadcast %lt3A : i32 to vector<2048x1xi32>
    %lt3A_43 = arith.cmpi slt, %add3A_41, %lt3A_42 : vector<2048x1xi32>
    %convert_element_type3A_44 = arith.extui %lt3A_43 : vector<2048x1xi1> to vector<2048x1xi32>
    %convert_element_type3A_45 = arith.sitofp %convert_element_type3A_44 : vector<2048x1xi32> to vector<2048x1xf32>
    %mul3A_46 = vector.broadcast %convert_element_type3A_45 : vector<2048x1xf32> to vector<2048x128xf32>
    %mul3A_47 = arith.mulf %add3A_16, %mul3A_46 : vector<2048x128xf32>
    %mul3A_48 = vector.broadcast %convert_element_type3A_45 : vector<2048x1xf32> to vector<2048x128xf32>
    %mul3A_49 = arith.mulf %add3A_30, %mul3A_48 : vector<2048x128xf32>
    %get3A_50 = arith.constant 0 : index
    %get3A_51 = arith.constant 0 : index
    %get3A_52 = vector.load %arg8[%get3A_50, %get3A_51] : memref<8x256xf32, #tpu.memory_space<vmem>>, vector<1x128xf32>
    %reduce_sum3A = arith.constant dense<0.000000e+00> : vector<128xf32>
    %reduce_sum3A_53 = vector.multi_reduction <add>, %mul3A_47, %reduce_sum3A [0] : vector<2048x128xf32> to vector<128xf32>
    %broadcast_in_dim3A = vector.shape_cast %reduce_sum3A_53 : vector<128xf32> to vector<1x128xf32>
    %add3A_54 = arith.addf %get3A_52, %broadcast_in_dim3A : vector<1x128xf32>
    %swap3A_55 = arith.constant 0 : index
    %swap3A_56 = arith.constant 0 : index
    %swap3A_57 = vector.load %arg8[%swap3A_55, %swap3A_56] : memref<8x256xf32, #tpu.memory_space<vmem>>, vector<1x128xf32>
    tpu.vector_store %arg8[%swap3A_55, %swap3A_56], %add3A_54 {strides = array<i32>} : memref<8x256xf32, #tpu.memory_space<vmem>>, vector<1x128xf32>,
    %get3A_58 = arith.constant 0 : index
    %get3A_59 = arith.constant 128 : index
    %get3A_60 = vector.load %arg8[%get3A_58, %get3A_59] : memref<8x256xf32, #tpu.memory_space<vmem>>, vector<1x128xf32>
    %reduce_sum3A_61 = arith.constant dense<0.000000e+00> : vector<128xf32>
    %reduce_sum3A_62 = vector.multi_reduction <add>, %mul3A_49, %reduce_sum3A_61 [0] : vector<2048x128xf32> to vector<128xf32>
    %broadcast_in_dim3A_63 = vector.shape_cast %reduce_sum3A_62 : vector<128xf32> to vector<1x128xf32>
    %add3A_64 = arith.addf %get3A_60, %broadcast_in_dim3A_63 : vector<1x128xf32>
    %swap3A_65 = arith.constant 0 : index
    %swap3A_66 = arith.constant 128 : index
    %swap3A_67 = vector.load %arg8[%swap3A_65, %swap3A_66] : memref<8x256xf32, #tpu.memory_space<vmem>>, vector<1x128xf32>
    tpu.vector_store %arg8[%swap3A_65, %swap3A_66], %add3A_64 {strides = array<i32>} : memref<8x256xf32, #tpu.memory_space<vmem>>, vector<1x128xf32>,
    %get3A_68 = arith.constant 1 : index
    %get3A_69 = arith.constant 0 : index
    %get3A_70 = vector.load %arg8[%get3A_68, %get3A_69] : memref<8x256xf32, #tpu.memory_space<vmem>>, vector<1x128xf32>
    %mul3A_71 = arith.mulf %mul3A_47, %mul3A_47 : vector<2048x128xf32>
    %reduce_sum3A_72 = arith.constant dense<0.000000e+00> : vector<128xf32>
    %reduce_sum3A_73 = vector.multi_reduction <add>, %mul3A_71, %reduce_sum3A_72 [0] : vector<2048x128xf32> to vector<128xf32>
    %broadcast_in_dim3A_74 = vector.shape_cast %reduce_sum3A_73 : vector<128xf32> to vector<1x128xf32>
    %add3A_75 = arith.addf %get3A_70, %broadcast_in_dim3A_74 : vector<1x128xf32>
    %swap3A_76 = arith.constant 1 : index
    %swap3A_77 = arith.constant 0 : index
    %swap3A_78 = vector.load %arg8[%swap3A_76, %swap3A_77] : memref<8x256xf32, #tpu.memory_space<vmem>>, vector<1x128xf32>
    tpu.vector_store %arg8[%swap3A_76, %swap3A_77], %add3A_75 {strides = array<i32>} : memref<8x256xf32, #tpu.memory_space<vmem>>, vector<1x128xf32>,
    %get3A_79 = arith.constant 1 : index
    %get3A_80 = arith.constant 128 : index
    %get3A_81 = vector.load %arg8[%get3A_79, %get3A_80] : memref<8x256xf32, #tpu.memory_space<vmem>>, vector<1x128xf32>
    %mul3A_82 = arith.mulf %mul3A_49, %mul3A_49 : vector<2048x128xf32>
    %reduce_sum3A_83 = arith.constant dense<0.000000e+00> : vector<128xf32>
    %reduce_sum3A_84 = vector.multi_reduction <add>, %mul3A_82, %reduce_sum3A_83 [0] : vector<2048x128xf32> to vector<128xf32>
    %broadcast_in_dim3A_85 = vector.shape_cast %reduce_sum3A_84 : vector<128xf32> to vector<1x128xf32>
    %add3A_86 = arith.addf %get3A_81, %broadcast_in_dim3A_85 : vector<1x128xf32>
    %swap3A_87 = arith.constant 1 : index
    %swap3A_88 = arith.constant 128 : index
    %swap3A_89 = vector.load %arg8[%swap3A_87, %swap3A_88] : memref<8x256xf32, #tpu.memory_space<vmem>>, vector<1x128xf32>
    tpu.vector_store %arg8[%swap3A_87, %swap3A_88], %add3A_86 {strides = array<i32>} : memref<8x256xf32, #tpu.memory_space<vmem>>, vector<1x128xf32>,
    return
  }
  func.func @transform_0(%arg0: i32) -> (i32, i32) {
    %c0_i32 = arith.constant 0 : i32
    %c0_i32_0 = arith.constant 0 : i32
    return %arg0, %c0_i32 : i32, i32
  }
  func.func @transform_1(%arg0: i32) -> (i32, i32) {
    %add3A = arith.constant 5 : i32
    %add3A_0 = arith.addi %add3A, %arg0 : i32
    %c0_i32 = arith.constant 0 : i32
    %c0_i32_1 = arith.constant 0 : i32
    return %add3A_0, %c0_i32 : i32, i32
  }
  func.func @transform_2(%arg0: i32) -> (i32, i32) {
    %c0_i32 = arith.constant 0 : i32
    %c0_i32_0 = arith.constant 0 : i32
    return %arg0, %c0_i32 : i32, i32
  }
  func.func @transform_3(%arg0: i32) -> (i32, i32) {
    %add3A = arith.constant 5 : i32
    %add3A_0 = arith.addi %add3A, %arg0 : i32
    %c0_i32 = arith.constant 0 : i32
    %c0_i32_1 = arith.constant 0 : i32
    return %add3A_0, %c0_i32 : i32, i32
  }
  func.func @transform_4(%arg0: i32) -> (i32, i32) {
    %c0_i32 = arith.constant 0 : i32
    %c0_i32_0 = arith.constant 0 : i32
    return %arg0, %c0_i32 : i32, i32
  }
  func.func @transform_5(%arg0: i32) -> (i32, i32) {
    %c0_i32 = arith.constant 0 : i32
    %c0_i32_0 = arith.constant 0 : i32
    %c0_i32_1 = arith.constant 0 : i32
    return %c0_i32, %c0_i32_0 : i32, i32
  }
  func.func @transform_6(%arg0: i32) -> (i32, i32) {
    %c0_i32 = arith.constant 0 : i32
    %c0_i32_0 = arith.constant 0 : i32
    return %arg0, %c0_i32 : i32, i32
  }
  func.func @transform_7(%arg0: i32) -> (i32, i32) {
    %c0_i32 = arith.constant 0 : i32
    %c0_i32_0 = arith.constant 0 : i32
    %c0_i32_1 = arith.constant 0 : i32
    return %c0_i32, %c0_i32_0 : i32, i32
  }
}

module attributes {stable_mosaic.version = 14 : i64} {
  func.func @_a_kernel(%arg0: i32, %arg1: i32, %arg2: memref<2048x256xf32, #tpu.memory_space<vmem>>, %arg3: memref<256x128xf32, #tpu.memory_space<vmem>>, %arg4: memref<2048x1xf32, #tpu.memory_space<vmem>>, %arg5: memref<8x256xf32, #tpu.memory_space<vmem>>, %arg6: memref<1x256xf32, #tpu.memory_space<vmem>>, %arg7: memref<1x256xf32, #tpu.memory_space<vmem>>, %arg8: memref<2048x128xf32, #tpu.memory_space<vmem>>) attributes {dimension_semantics = [#tpu.dimension_semantics<arbitrary>, #tpu.dimension_semantics<arbitrary>], iteration_bounds = array<i64: 5, 2>, scalar_prefetch = 0 : i64, scratch_operands = 0 : i64, tpu.core_type = #tpu.core_type<tc>, window_params = [{transform_indices = @transform_0, window_bounds = array<i64: 2048, 256>}, {transform_indices = @transform_1, window_bounds = array<i64: 256, 128>}, {transform_indices = @transform_2, window_bounds = array<i64: 2048, 1>}, {pipeline_mode = #tpu.pipeline_mode<synchronous>, transform_indices = @transform_3, window_bounds = array<i64: 8, 256>}, {pipeline_mode = #tpu.pipeline_mode<synchronous>, transform_indices = @transform_4, window_bounds = array<i64: 1, 256>}, {pipeline_mode = #tpu.pipeline_mode<synchronous>, transform_indices = @transform_5, window_bounds = array<i64: 1, 256>}, {transform_indices = @transform_6, window_bounds = array<i64: 2048, 128>}]} {
    %get3A = arith.constant 0 : index
    %get3A_0 = arith.constant 0 : index
    %get3A_1 = vector.load %arg5[%get3A, %get3A_0] : memref<8x256xf32, #tpu.memory_space<vmem>>, vector<1x256xf32>
    %mul3A = arith.constant 9.99999974E-5 : f32
    %mul3A_2 = vector.broadcast %mul3A : f32 to vector<1x256xf32>
    %mul3A_3 = arith.mulf %get3A_1, %mul3A_2 : vector<1x256xf32>
    %get3A_4 = arith.constant 1 : index
    %get3A_5 = arith.constant 0 : index
    %get3A_6 = vector.load %arg5[%get3A_4, %get3A_5] : memref<8x256xf32, #tpu.memory_space<vmem>>, vector<1x256xf32>
    %mul3A_7 = arith.constant 9.99999974E-5 : f32
    %mul3A_8 = vector.broadcast %mul3A_7 : f32 to vector<1x256xf32>
    %mul3A_9 = arith.mulf %get3A_6, %mul3A_8 : vector<1x256xf32>
    %mul3A_10 = arith.mulf %mul3A_3, %mul3A_3 : vector<1x256xf32>
    %sub3A = arith.subf %mul3A_9, %mul3A_10 : vector<1x256xf32>
    %get3A_11 = arith.constant 0 : index
    %get3A_12 = arith.constant 0 : index
    %get3A_13 = vector.load %arg6[%get3A_11, %get3A_12] : memref<1x256xf32, #tpu.memory_space<vmem>>, vector<1x256xf32>
    %add3A = arith.constant 9.99999974E-6 : f32
    %add3A_14 = vector.broadcast %add3A : f32 to vector<1x256xf32>
    %add3A_15 = arith.addf %sub3A, %add3A_14 : vector<1x256xf32>
    %rsqrt3A = math.rsqrt %add3A_15 : vector<1x256xf32>
    %mul3A_16 = arith.mulf %get3A_13, %rsqrt3A : vector<1x256xf32>
    %get3A_17 = arith.constant 0 : index
    %get3A_18 = arith.constant 0 : index
    %get3A_19 = vector.load %arg7[%get3A_17, %get3A_18] : memref<1x256xf32, #tpu.memory_space<vmem>>, vector<1x256xf32>
    %mul3A_20 = arith.mulf %mul3A_3, %mul3A_16 : vector<1x256xf32>
    %sub3A_21 = arith.subf %get3A_19, %mul3A_20 : vector<1x256xf32>
    %get3A_22 = arith.constant 0 : index
    %get3A_23 = arith.constant 0 : index
    %get3A_24 = vector.load %arg2[%get3A_22, %get3A_23] : memref<2048x256xf32, #tpu.memory_space<vmem>>, vector<2048x256xf32>
    %mul3A_25 = vector.broadcast %mul3A_16 : vector<1x256xf32> to vector<2048x256xf32>
    %mul3A_26 = arith.mulf %mul3A_25, %get3A_24 : vector<2048x256xf32>
    %add3A_27 = vector.broadcast %sub3A_21 : vector<1x256xf32> to vector<2048x256xf32>
    %add3A_28 = arith.addf %mul3A_26, %add3A_27 : vector<2048x256xf32>
    %max3A = arith.constant 0.000000e+00 : f32
    %max3A_29 = vector.broadcast %max3A : f32 to vector<2048x256xf32>
    %max3A_30 = arith.maximumf %add3A_28, %max3A_29 : vector<2048x256xf32>
    %get3A_31 = arith.constant 0 : index
    %get3A_32 = arith.constant 0 : index
    %get3A_33 = vector.load %arg4[%get3A_31, %get3A_32] : memref<2048x1xf32, #tpu.memory_space<vmem>>, vector<2048x1xf32>
    %add3A_34 = arith.constant 1.000000e+00 : f32
    %add3A_35 = vector.broadcast %add3A_34 : f32 to vector<2048x1xf32>
    %add3A_36 = arith.addf %get3A_33, %add3A_35 : vector<2048x1xf32>
    %rsqrt3A_37 = math.rsqrt %add3A_36 : vector<2048x1xf32>
    %get3A_38 = arith.constant 0 : index
    %get3A_39 = arith.constant 0 : index
    %get3A_40 = vector.load %arg3[%get3A_38, %get3A_39] : memref<256x128xf32, #tpu.memory_space<vmem>>, vector<256x128xf32>
    %dot_general3A = arith.constant dense<0.000000e+00> : vector<2048x128xf32>
    %dot_general3A_41 = tpu.matmul %max3A_30, %get3A_40, %dot_general3A {dimension_numbers = #tpu.dot_dimension_numbers<[1], [0], [0], [1], [0, 0, 1, 1], [], []>, transpose_lhs_hint = false} : vector<2048x256xf32>, vector<256x128xf32>, vector<2048x128xf32> -> vector<2048x128xf32>
    %mul3A_42 = vector.broadcast %rsqrt3A_37 : vector<2048x1xf32> to vector<2048x128xf32>
    %mul3A_43 = arith.mulf %dot_general3A_41, %mul3A_42 : vector<2048x128xf32>
    %swap3A = arith.constant 0 : index
    %swap3A_44 = arith.constant 0 : index
    %swap3A_45 = vector.load %arg8[%swap3A, %swap3A_44] : memref<2048x128xf32, #tpu.memory_space<vmem>>, vector<2048x128xf32>
    tpu.vector_store %arg8[%swap3A, %swap3A_44], %mul3A_43 {strides = array<i32>} : memref<2048x128xf32, #tpu.memory_space<vmem>>, vector<2048x128xf32>,
    return
  }
  func.func @transform_0(%arg0: i32, %arg1: i32) -> (i32, i32) {
    %c0_i32 = arith.constant 0 : i32
    %c0_i32_0 = arith.constant 0 : i32
    return %arg0, %c0_i32 : i32, i32
  }
  func.func @transform_1(%arg0: i32, %arg1: i32) -> (i32, i32) {
    %c0_i32 = arith.constant 0 : i32
    %c0_i32_0 = arith.constant 0 : i32
    return %c0_i32, %arg1 : i32, i32
  }
  func.func @transform_2(%arg0: i32, %arg1: i32) -> (i32, i32) {
    %c0_i32 = arith.constant 0 : i32
    %c0_i32_0 = arith.constant 0 : i32
    return %arg0, %c0_i32 : i32, i32
  }
  func.func @transform_3(%arg0: i32, %arg1: i32) -> (i32, i32) {
    %c0_i32 = arith.constant 0 : i32
    %c0_i32_0 = arith.constant 0 : i32
    %c0_i32_1 = arith.constant 0 : i32
    return %c0_i32, %c0_i32_0 : i32, i32
  }
  func.func @transform_4(%arg0: i32, %arg1: i32) -> (i32, i32) {
    %c0_i32 = arith.constant 0 : i32
    %c0_i32_0 = arith.constant 0 : i32
    %c0_i32_1 = arith.constant 0 : i32
    return %c0_i32, %c0_i32_0 : i32, i32
  }
  func.func @transform_5(%arg0: i32, %arg1: i32) -> (i32, i32) {
    %c0_i32 = arith.constant 0 : i32
    %c0_i32_0 = arith.constant 0 : i32
    %c0_i32_1 = arith.constant 0 : i32
    return %c0_i32, %c0_i32_0 : i32, i32
  }
  func.func @transform_6(%arg0: i32, %arg1: i32) -> (i32, i32) {
    %mul3A = arith.constant 5 : i32
    %mul3A_0 = arith.muli %arg1, %mul3A : i32
    %add3A = arith.addi %mul3A_0, %arg0 : i32
    %c0_i32 = arith.constant 0 : i32
    %c0_i32_1 = arith.constant 0 : i32
    return %add3A, %c0_i32 : i32, i32
  }
}

module attributes {stable_mosaic.version = 14 : i64} {
  func.func @_pool_kernel(%arg0: i32, %arg1: memref<2048x256xf32, #tpu.memory_space<vmem>>, %arg2: memref<8x256xf32, #tpu.memory_space<vmem>>, %arg3: memref<1x256xf32, #tpu.memory_space<vmem>>, %arg4: memref<1x256xf32, #tpu.memory_space<vmem>>, %arg5: memref<2048x1xi32, #tpu.memory_space<vmem>>, %arg6: memref<256x256xf32, #tpu.memory_space<vmem>>, %arg7: memref<256x256xf32, #tpu.memory_space<vmem>>, %arg8: memref<1x256xf32, #tpu.memory_space<vmem>>, %arg9: memref<256x128xf32, #tpu.memory_space<vmem>>, %arg10: memref<1x128xf32, #tpu.memory_space<vmem>>, %arg11: memref<64x128xf32, #tpu.memory_space<vmem>>, %arg12: memref<64x256xf32, #tpu.memory_space<vmem>>, %arg13: memref<64x128xf32, #tpu.memory_space<vmem>>) attributes {dimension_semantics = [#tpu.dimension_semantics<arbitrary>], iteration_bounds = array<i64: 5>, scalar_prefetch = 0 : i64, scratch_operands = 2 : i64, tpu.core_type = #tpu.core_type<tc>, window_params = [{transform_indices = @transform_0, window_bounds = array<i64: 2048, 256>}, {pipeline_mode = #tpu.pipeline_mode<synchronous>, transform_indices = @transform_1, window_bounds = array<i64: 8, 256>}, {pipeline_mode = #tpu.pipeline_mode<synchronous>, transform_indices = @transform_2, window_bounds = array<i64: 1, 256>}, {pipeline_mode = #tpu.pipeline_mode<synchronous>, transform_indices = @transform_3, window_bounds = array<i64: 1, 256>}, {transform_indices = @transform_4, window_bounds = array<i64: 2048, 1>}, {pipeline_mode = #tpu.pipeline_mode<synchronous>, transform_indices = @transform_5, window_bounds = array<i64: 256, 256>}, {pipeline_mode = #tpu.pipeline_mode<synchronous>, transform_indices = @transform_6, window_bounds = array<i64: 256, 256>}, {pipeline_mode = #tpu.pipeline_mode<synchronous>, transform_indices = @transform_7, window_bounds = array<i64: 1, 256>}, {pipeline_mode = #tpu.pipeline_mode<synchronous>, transform_indices = @transform_8, window_bounds = array<i64: 256, 128>}, {pipeline_mode = #tpu.pipeline_mode<synchronous>, transform_indices = @transform_9, window_bounds = array<i64: 1, 128>}, {pipeline_mode = #tpu.pipeline_mode<synchronous>, transform_indices = @transform_10, window_bounds = array<i64: 64, 128>}]} {
    %eq3A = arith.constant 0 : i32
    %eq3A_0 = arith.cmpi eq, %arg0, %eq3A : i32
    %convert_element_type3A = arith.extui %eq3A_0 : i1 to i32
    %cond3A = arith.constant 0 : i32
    %cond3A_1 = arith.cmpi ne, %convert_element_type3A, %cond3A : i32
    scf.if %cond3A_1 {
      %broadcast_in_dim3A_62 = arith.constant 0.000000e+00 : f32
      %broadcast_in_dim3A_63 = vector.broadcast %broadcast_in_dim3A_62 : f32 to vector<64x256xf32>
      %swap3A_64 = arith.constant 0 : index
      %swap3A_65 = arith.constant 0 : index
      %swap3A_66 = vector.load %arg12[%swap3A_64, %swap3A_65] : memref<64x256xf32, #tpu.memory_space<vmem>>, vector<64x256xf32>
      tpu.vector_store %arg12[%swap3A_64, %swap3A_65], %broadcast_in_dim3A_63 {strides = array<i32>} : memref<64x256xf32, #tpu.memory_space<vmem>>, vector<64x256xf32>,
      %broadcast_in_dim3A_67 = arith.constant 0.000000e+00 : f32
      %broadcast_in_dim3A_68 = vector.broadcast %broadcast_in_dim3A_67 : f32 to vector<64x128xf32>
      %swap3A_69 = arith.constant 0 : index
      %swap3A_70 = arith.constant 0 : index
      %swap3A_71 = vector.load %arg13[%swap3A_69, %swap3A_70] : memref<64x128xf32, #tpu.memory_space<vmem>>, vector<64x128xf32>
      tpu.vector_store %arg13[%swap3A_69, %swap3A_70], %broadcast_in_dim3A_68 {strides = array<i32>} : memref<64x128xf32, #tpu.memory_space<vmem>>, vector<64x128xf32>,
    } else {
    }
    %get3A = arith.constant 0 : index
    %get3A_2 = arith.constant 0 : index
    %get3A_3 = vector.load %arg2[%get3A, %get3A_2] : memref<8x256xf32, #tpu.memory_space<vmem>>, vector<1x256xf32>
    %mul3A = arith.constant 9.99999974E-5 : f32
    %mul3A_4 = vector.broadcast %mul3A : f32 to vector<1x256xf32>
    %mul3A_5 = arith.mulf %get3A_3, %mul3A_4 : vector<1x256xf32>
    %get3A_6 = arith.constant 1 : index
    %get3A_7 = arith.constant 0 : index
    %get3A_8 = vector.load %arg2[%get3A_6, %get3A_7] : memref<8x256xf32, #tpu.memory_space<vmem>>, vector<1x256xf32>
    %mul3A_9 = arith.constant 9.99999974E-5 : f32
    %mul3A_10 = vector.broadcast %mul3A_9 : f32 to vector<1x256xf32>
    %mul3A_11 = arith.mulf %get3A_8, %mul3A_10 : vector<1x256xf32>
    %mul3A_12 = arith.mulf %mul3A_5, %mul3A_5 : vector<1x256xf32>
    %sub3A = arith.subf %mul3A_11, %mul3A_12 : vector<1x256xf32>
    %get3A_13 = arith.constant 0 : index
    %get3A_14 = arith.constant 0 : index
    %get3A_15 = vector.load %arg3[%get3A_13, %get3A_14] : memref<1x256xf32, #tpu.memory_space<vmem>>, vector<1x256xf32>
    %add3A = arith.constant 9.99999974E-6 : f32
    %add3A_16 = vector.broadcast %add3A : f32 to vector<1x256xf32>
    %add3A_17 = arith.addf %sub3A, %add3A_16 : vector<1x256xf32>
    %rsqrt3A = math.rsqrt %add3A_17 : vector<1x256xf32>
    %mul3A_18 = arith.mulf %get3A_15, %rsqrt3A : vector<1x256xf32>
    %get3A_19 = arith.constant 0 : index
    %get3A_20 = arith.constant 0 : index
    %get3A_21 = vector.load %arg4[%get3A_19, %get3A_20] : memref<1x256xf32, #tpu.memory_space<vmem>>, vector<1x256xf32>
    %mul3A_22 = arith.mulf %mul3A_5, %mul3A_18 : vector<1x256xf32>
    %sub3A_23 = arith.subf %get3A_21, %mul3A_22 : vector<1x256xf32>
    %get3A_24 = arith.constant 0 : index
    %get3A_25 = arith.constant 0 : index
    %get3A_26 = vector.load %arg1[%get3A_24, %get3A_25] : memref<2048x256xf32, #tpu.memory_space<vmem>>, vector<2048x256xf32>
    %mul3A_27 = vector.broadcast %mul3A_18 : vector<1x256xf32> to vector<2048x256xf32>
    %mul3A_28 = arith.mulf %mul3A_27, %get3A_26 : vector<2048x256xf32>
    %add3A_29 = vector.broadcast %sub3A_23 : vector<1x256xf32> to vector<2048x256xf32>
    %add3A_30 = arith.addf %mul3A_28, %add3A_29 : vector<2048x256xf32>
    %max3A = arith.constant 0.000000e+00 : f32
    %max3A_31 = vector.broadcast %max3A : f32 to vector<2048x256xf32>
    %max3A_32 = arith.maximumf %add3A_30, %max3A_31 : vector<2048x256xf32>
    %iota3A = tpu.iota {dimensions = array<i32: 1>} : vector<2048x64xi32>
    %get3A_33 = arith.constant 0 : index
    %get3A_34 = arith.constant 0 : index
    %get3A_35 = vector.load %arg5[%get3A_33, %get3A_34] : memref<2048x1xi32, #tpu.memory_space<vmem>>, vector<2048x1xi32>
    %eq3A_36 = vector.broadcast %get3A_35 : vector<2048x1xi32> to vector<2048x64xi32>
    %eq3A_37 = arith.cmpi eq, %eq3A_36, %iota3A : vector<2048x64xi32>
    %convert_element_type3A_38 = arith.extui %eq3A_37 : vector<2048x64xi1> to vector<2048x64xi32>
    %convert_element_type3A_39 = arith.sitofp %convert_element_type3A_38 : vector<2048x64xi32> to vector<2048x64xf32>
    %get3A_40 = arith.constant 0 : index
    %get3A_41 = arith.constant 0 : index
    %get3A_42 = vector.load %arg12[%get3A_40, %get3A_41] : memref<64x256xf32, #tpu.memory_space<vmem>>, vector<64x256xf32>
    %dot_general3A = arith.constant dense<0.000000e+00> : vector<64x256xf32>
    %dot_general3A_43 = tpu.matmul %convert_element_type3A_39, %max3A_32, %dot_general3A {dimension_numbers = #tpu.dot_dimension_numbers<[0], [0], [1], [1], [0, 1, 1, 1], [], []>, transpose_lhs_hint = false} : vector<2048x64xf32>, vector<2048x256xf32>, vector<64x256xf32> -> vector<64x256xf32>
    %add3A_44 = arith.addf %get3A_42, %dot_general3A_43 : vector<64x256xf32>
    %swap3A = arith.constant 0 : index
    %swap3A_45 = arith.constant 0 : index
    %swap3A_46 = vector.load %arg12[%swap3A, %swap3A_45] : memref<64x256xf32, #tpu.memory_space<vmem>>, vector<64x256xf32>
    tpu.vector_store %arg12[%swap3A, %swap3A_45], %add3A_44 {strides = array<i32>} : memref<64x256xf32, #tpu.memory_space<vmem>>, vector<64x256xf32>,
    %get3A_47 = arith.constant 0 : index
    %get3A_48 = arith.constant 0 : index
    %get3A_49 = vector.load %arg13[%get3A_47, %get3A_48] : memref<64x128xf32, #tpu.memory_space<vmem>>, vector<64x1xf32>
    %broadcast_in_dim3A = arith.constant 1.000000e+00 : f32
    %broadcast_in_dim3A_50 = vector.broadcast %broadcast_in_dim3A : f32 to vector<2048x1xf32>
    %dot_general3A_51 = arith.constant dense<0.000000e+00> : vector<64x1xf32>
    %dot_general3A_52 = tpu.matmul %convert_element_type3A_39, %broadcast_in_dim3A_50, %dot_general3A_51 {dimension_numbers = #tpu.dot_dimension_numbers<[0], [0], [1], [1], [0, 1, 1, 1], [], []>, transpose_lhs_hint = false} : vector<2048x64xf32>, vector<2048x1xf32>, vector<64x1xf32> -> vector<64x1xf32>
    %add3A_53 = arith.addf %get3A_49, %dot_general3A_52 : vector<64x1xf32>
    %swap3A_54 = arith.constant 0 : index
    %swap3A_55 = arith.constant 0 : index
    %swap3A_56 = vector.load %arg13[%swap3A_54, %swap3A_55] : memref<64x128xf32, #tpu.memory_space<vmem>>, vector<64x1xf32>
    tpu.vector_store %arg13[%swap3A_54, %swap3A_55], %add3A_53 {strides = array<i32>} : memref<64x128xf32, #tpu.memory_space<vmem>>, vector<64x1xf32>,
    %eq3A_57 = arith.constant 4 : i32
    %eq3A_58 = arith.cmpi eq, %arg0, %eq3A_57 : i32
    %convert_element_type3A_59 = arith.extui %eq3A_58 : i1 to i32
    %cond3A_60 = arith.constant 0 : i32
    %cond3A_61 = arith.cmpi ne, %convert_element_type3A_59, %cond3A_60 : i32
    scf.if %cond3A_61 {
      %get3A_62 = arith.constant 0 : index
      %get3A_63 = arith.constant 0 : index
      %get3A_64 = vector.load %arg12[%get3A_62, %get3A_63] : memref<64x256xf32, #tpu.memory_space<vmem>>, vector<64x256xf32>
      %get3A_65 = arith.constant 0 : index
      %get3A_66 = arith.constant 0 : index
      %get3A_67 = vector.load %arg13[%get3A_65, %get3A_66] : memref<64x128xf32, #tpu.memory_space<vmem>>, vector<64x1xf32>
      %max3A_68 = arith.constant 1.000000e+00 : f32
      %max3A_69 = vector.broadcast %max3A_68 : f32 to vector<64x1xf32>
      %max3A_70 = arith.maximumf %get3A_67, %max3A_69 : vector<64x1xf32>
      %div3A = vector.broadcast %max3A_70 : vector<64x1xf32> to vector<64x256xf32>
      %div3A_71 = arith.divf %get3A_64, %div3A : vector<64x256xf32>
      %get3A_72 = arith.constant 0 : index
      %get3A_73 = arith.constant 0 : index
      %get3A_74 = vector.load %arg6[%get3A_72, %get3A_73] : memref<256x256xf32, #tpu.memory_space<vmem>>, vector<256x256xf32>
      %dot_general3A_75 = arith.constant dense<0.000000e+00> : vector<64x256xf32>
      %dot_general3A_76 = tpu.matmul %div3A_71, %get3A_74, %dot_general3A_75 {dimension_numbers = #tpu.dot_dimension_numbers<[1], [0], [0], [1], [0, 0, 1, 1], [], []>, transpose_lhs_hint = false} : vector<64x256xf32>, vector<256x256xf32>, vector<64x256xf32> -> vector<64x256xf32>
      %get3A_77 = arith.constant 0 : index
      %get3A_78 = arith.constant 0 : index
      %get3A_79 = vector.load %arg7[%get3A_77, %get3A_78] : memref<256x256xf32, #tpu.memory_space<vmem>>, vector<256x256xf32>
      %dot_general3A_80 = arith.constant dense<0.000000e+00> : vector<64x256xf32>
      %dot_general3A_81 = tpu.matmul %get3A_64, %get3A_79, %dot_general3A_80 {dimension_numbers = #tpu.dot_dimension_numbers<[1], [0], [0], [1], [0, 0, 1, 1], [], []>, transpose_lhs_hint = false} : vector<64x256xf32>, vector<256x256xf32>, vector<64x256xf32> -> vector<64x256xf32>
      %add3A_82 = arith.addf %dot_general3A_76, %dot_general3A_81 : vector<64x256xf32>
      %get3A_83 = arith.constant 0 : index
      %get3A_84 = arith.constant 0 : index
      %get3A_85 = vector.load %arg8[%get3A_83, %get3A_84] : memref<1x256xf32, #tpu.memory_space<vmem>>, vector<1x256xf32>
      %add3A_86 = vector.broadcast %get3A_85 : vector<1x256xf32> to vector<64x256xf32>
      %add3A_87 = arith.addf %add3A_82, %add3A_86 : vector<64x256xf32>
      %max3A_88 = arith.constant 0.000000e+00 : f32
      %max3A_89 = vector.broadcast %max3A_88 : f32 to vector<64x256xf32>
      %max3A_90 = arith.maximumf %add3A_87, %max3A_89 : vector<64x256xf32>
      %get3A_91 = arith.constant 0 : index
      %get3A_92 = arith.constant 0 : index
      %get3A_93 = vector.load %arg9[%get3A_91, %get3A_92] : memref<256x128xf32, #tpu.memory_space<vmem>>, vector<256x128xf32>
      %dot_general3A_94 = arith.constant dense<0.000000e+00> : vector<64x128xf32>
      %dot_general3A_95 = tpu.matmul %max3A_90, %get3A_93, %dot_general3A_94 {dimension_numbers = #tpu.dot_dimension_numbers<[1], [0], [0], [1], [0, 0, 1, 1], [], []>, transpose_lhs_hint = false} : vector<64x256xf32>, vector<256x128xf32>, vector<64x128xf32> -> vector<64x128xf32>
      %get3A_96 = arith.constant 0 : index
      %get3A_97 = arith.constant 0 : index
      %get3A_98 = vector.load %arg10[%get3A_96, %get3A_97] : memref<1x128xf32, #tpu.memory_space<vmem>>, vector<1x128xf32>
      %add3A_99 = vector.broadcast %get3A_98 : vector<1x128xf32> to vector<64x128xf32>
      %add3A_100 = arith.addf %dot_general3A_95, %add3A_99 : vector<64x128xf32>
      %swap3A_101 = arith.constant 0 : index
      %swap3A_102 = arith.constant 0 : index
      %swap3A_103 = vector.load %arg11[%swap3A_101, %swap3A_102] : memref<64x128xf32, #tpu.memory_space<vmem>>, vector<64x128xf32>
      tpu.vector_store %arg11[%swap3A_101, %swap3A_102], %add3A_100 {strides = array<i32>} : memref<64x128xf32, #tpu.memory_space<vmem>>, vector<64x128xf32>,
    } else {
    }
    return
  }
  func.func @transform_0(%arg0: i32) -> (i32, i32) {
    %c0_i32 = arith.constant 0 : i32
    %c0_i32_0 = arith.constant 0 : i32
    return %arg0, %c0_i32 : i32, i32
  }
  func.func @transform_1(%arg0: i32) -> (i32, i32) {
    %c0_i32 = arith.constant 0 : i32
    %c0_i32_0 = arith.constant 0 : i32
    %c0_i32_1 = arith.constant 0 : i32
    return %c0_i32, %c0_i32_0 : i32, i32
  }
  func.func @transform_2(%arg0: i32) -> (i32, i32) {
    %c0_i32 = arith.constant 0 : i32
    %c0_i32_0 = arith.constant 0 : i32
    %c0_i32_1 = arith.constant 0 : i32
    return %c0_i32, %c0_i32_0 : i32, i32
  }
  func.func @transform_3(%arg0: i32) -> (i32, i32) {
    %c0_i32 = arith.constant 0 : i32
    %c0_i32_0 = arith.constant 0 : i32
    %c0_i32_1 = arith.constant 0 : i32
    return %c0_i32, %c0_i32_0 : i32, i32
  }
  func.func @transform_4(%arg0: i32) -> (i32, i32) {
    %c0_i32 = arith.constant 0 : i32
    %c0_i32_0 = arith.constant 0 : i32
    return %arg0, %c0_i32 : i32, i32
  }
  func.func @transform_5(%arg0: i32) -> (i32, i32) {
    %c0_i32 = arith.constant 0 : i32
    %c0_i32_0 = arith.constant 0 : i32
    %c0_i32_1 = arith.constant 0 : i32
    return %c0_i32, %c0_i32_0 : i32, i32
  }
  func.func @transform_6(%arg0: i32) -> (i32, i32) {
    %c0_i32 = arith.constant 0 : i32
    %c0_i32_0 = arith.constant 0 : i32
    %c0_i32_1 = arith.constant 0 : i32
    return %c0_i32, %c0_i32_0 : i32, i32
  }
  func.func @transform_7(%arg0: i32) -> (i32, i32) {
    %c0_i32 = arith.constant 0 : i32
    %c0_i32_0 = arith.constant 0 : i32
    %c0_i32_1 = arith.constant 0 : i32
    return %c0_i32, %c0_i32_0 : i32, i32
  }
  func.func @transform_8(%arg0: i32) -> (i32, i32) {
    %c0_i32 = arith.constant 0 : i32
    %c0_i32_0 = arith.constant 0 : i32
    %c0_i32_1 = arith.constant 0 : i32
    return %c0_i32, %c0_i32_0 : i32, i32
  }
  func.func @transform_9(%arg0: i32) -> (i32, i32) {
    %c0_i32 = arith.constant 0 : i32
    %c0_i32_0 = arith.constant 0 : i32
    %c0_i32_1 = arith.constant 0 : i32
    return %c0_i32, %c0_i32_0 : i32, i32
  }
  func.func @transform_10(%arg0: i32) -> (i32, i32) {
    %c0_i32 = arith.constant 0 : i32
    %c0_i32_0 = arith.constant 0 : i32
    %c0_i32_1 = arith.constant 0 : i32
    return %c0_i32, %c0_i32_0 : i32, i32
  }
}

</mosaic_0001>

<sc_bundles>
// kernel: kernel.13.cloned.1.call-start
scs
__scs_entry_jumppad:
0x0: {  	(pc) =	sbr.rel $0x88, $3  }
0x1: {  	(tag) =	ssettag $0x0;
	lr =	simm.s32 $0x1  }
0x2: {  	[smem:$0x3F8E] =	sst lr;
	_ =	strace $0xD0000000  }
0x3: {  	_ = 	snop  }
0x4: {  	_ = 	snop  }
0x5: {  	_ = 	snop  }
0x6: {  	_ = 	snop  }
0x7: {  	_ = 	snop  }
__scs_overlays_trampoline_lowered:
0x8: {  	[smem:$0x3F9D] =	sst s0  }
0x9: {  	[smem:$0x3F9E] =	sst s1  }
0xa: {  	[smem:$0x3F9F] =	sst s2  }
0xb: {  	[smem:$0x3FA0] =	sst s3  }
0xc: {  	[smem:$0x3FA1] =	sst s4  }
0xd: {  	[smem:$0x3FA2] =	sst s5  }
0xe: {  	[smem:$0x3FA3] =	sst s6  }
0xf: {  	[smem:$0x3FA4] =	sst s7  }
0x10: {  	[smem:$0x3FA5] =	sst s8  }
0x11: {  	[smem:$0x3FA6] =	sst s9;
	s0 =	simm.s32 @!p0 $0x0  }
0x12: {  	s1 =	sld [smem:$0x3F8C];
	s0 =	simm.s32 @p0 $0x1  }
0x13: {  	[smem:$0x3FA7] =	sst s0;
	s0 =	simm.s32 @!p1 $0x0  }
0x14: {  	s2 =	sld [smem:$0x3F8B];
	s0 =	simm.s32 @p1 $0x1  }
0x15: {  	[smem:$0x3FA8] =	sst s0;
	s0 =	simm.s32 @!p2 $0x0  }
0x16: {  	s3 =	sld [smem:$0x3FDB];
	s0 =	simm.s32 @p2 $0x1  }
0x17: {  	s4 =	simm.s32 $0x1BF5;
	[smem:$0x3FAA] =	sst s0  }
0x18: {  	s0 =	sld [smem:$0x3F8D];
	_ =	swait.ge [sflag:s4], $0x0  }
0x19: {  	s7 =	sld [smem:$0x3F8E]  }
0x1a: {  	s8 =	sadd.s32 $0xFFFFE003, lr  }
0x1b: {  	s9 =	sadd.s32 $0xFFFFFEF7, lr;
	s5 =	simm.s32 $0xFFFFFFFF;
	p2 =	slt.u32 s8, $0xFFFFF086  }
0x1c: {  	p1 =	slt.u32 s9, $0xF7A;
	s5 =	simm.s32 @!p2 $0x0  }
0x1d: {  	s5 =	simm.s32 @p1 $0x1;
	p0 =	seq.s32 s7, s2  }
0x1e: {  	s7 =	smul.u32 @!p0 $0xF7A, s2;
	p2 =	seq.s32 @!p0 s5, $0x0  }
0x1f: {  	s9 =	smul.u32 $0xF7A, s1;
	s8 =	simm.s32 @!p0 $0x1BF5;
	p2 =	por !p2, p0  }
0x20: {  	[sflag:s8] =	ssyncset.s32 @!p0 $0xFFFFF086;
	s6 =	sadd.s32 @!p0 s3, s7;
	s7 =	simm.s32 @!p0 $0x108  }
0x21: {  	s3 =	sadd.s32 s3, s9;
	s6 =	sadd.s32 @!p0 $0x88, s6;
	s7 =	simm.s32 @p2 $0x1082  }
0x22: {  	[simem:s7], [sflag:s8] =	dma.local @!p0 [hbm:s6], $0xF7A  }
0x23: {  	s9 =	sor.u32 $0xD0000000, s2;
	s6 =	simm.s32 $0x108;
	_ =	swait.ge @!p0 [sflag:s8], $0x0  }
0x24: {  	s3 =	sadd.s32 $0x88, s3;
	s6 =	simm.s32 @!p1 $0x1082;
	[sflag:s4] =	ssyncset.s32 $0xFFFFF086  }
0x25: {  	[simem:s6], [sflag:s4] =	dma.local [hbm:s3], $0xF7A  }
0x26: {  	[smem:$0x3F8E] =	sst s1;
	(tag) =	ssettag s2;
	_ =	strace s9  }
0x27: {  	s1 =	sld [smem:$0x3F9E]  }
0x28: {  	s2 =	sld [smem:$0x3F9F]  }
0x29: {  	s4 =	sld [smem:$0x3FA1]  }
0x2a: {  	p0 =	seq.s32 s5, $0x0;
	s5 =	sld [smem:$0x3FA2]  }
0x2b: {  	s6 =	sld [smem:$0x3FA3]  }
0x2c: {  	s7 =	sld [smem:$0x3FA4]  }
0x2d: {  	s3 =	simm.s32 $0x108;
	s8 =	sld [smem:$0x3FA5]  }
0x2e: {  	s3 =	simm.s32 @!p0 $0x1082;
	s9 =	sld [smem:$0x3FA6]  }
0x2f: {  	lr =	sadd.s32 s0, s3;
	s0 =	sld [smem:$0x3F9D]  }
0x30: {  	s3 =	sld [smem:$0x3FA0]  }
0x31: {  	[smem:$0x3FA9] =	sst s10  }
0x32: {  	s10 =	sld [smem:$0x3FA7];
	_ =	sdelay $0x3  }
0x33: {  	p0 =	seq.s32 s10, $0x1;
	s10 =	sld [smem:$0x3FA9];
	_ =	sdelay $0x3  }
0x34: {  	[smem:$0x3FA9] =	sst s10  }
0x35: {  	s10 =	sld [smem:$0x3FA8];
	_ =	sdelay $0x3  }
0x36: {  	p1 =	seq.s32 s10, $0x1;
	s10 =	sld [smem:$0x3FA9];
	_ =	sdelay $0x3  }
0x37: {  	[smem:$0x3FA9] =	sst s10  }
0x38: {  	s10 =	sld [smem:$0x3FAA]  }
0x39: {  	_ = 	snop;
	(pc) =	sbr.ind lr, $3  }
0x3a: {  	_ = 	snop  }
0x3b: {  	_ = 	snop  }
0x3c: {  	p2 =	seq.s32 s10, $0x1;
	s10 =	sld [smem:$0x3FA9]  }
0x3d: {  	_ =	shalt  }
0x3e: {  	_ =	shalt  }
0x3f: {  	_ =	shalt  }
0x40: {  	_ =	shalt  }
0x41: {  	_ =	shalt  }
0x42: {  	_ =	shalt  }
0x43: {  	_ =	shalt  }
0x44: {  	_ =	shalt  }
0x45: {  	_ =	shalt  }
0x46: {  	_ =	shalt  }
0x47: {  	_ =	shalt  }
0x48: {  	_ =	shalt  }
0x49: {  	_ =	shalt  }
0x4a: {  	_ =	shalt  }
0x4b: {  	_ =	shalt  }
0x4c: {  	_ =	shalt  }
0x4d: {  	_ =	shalt  }
0x4e: {  	_ =	shalt  }
0x4f: {  	_ =	shalt  }
0x50: {  	_ =	shalt  }
0x51: {  	_ =	shalt  }
0x52: {  	_ =	shalt  }
0x53: {  	_ =	shalt  }
0x54: {  	_ =	shalt  }
0x55: {  	_ =	shalt  }
0x56: {  	_ =	shalt  }
0x57: {  	_ =	shalt  }
0x58: {  	_ =	shalt  }
0x59: {  	_ =	shalt  }
0x5a: {  	_ =	shalt  }
0x5b: {  	_ =	shalt  }
0x5c: {  	_ =	shalt  }
0x5d: {  	_ =	shalt  }
0x5e: {  	_ =	shalt  }
0x5f: {  	_ =	shalt  }
0x60: {  	_ =	shalt  }
0x61: {  	_ =	shalt  }
0x62: {  	_ =	shalt  }
0x63: {  	_ =	shalt  }
0x64: {  	_ =	shalt  }
0x65: {  	_ =	shalt  }
0x66: {  	_ =	shalt  }
0x67: {  	_ =	shalt  }
0x68: {  	_ =	shalt  }
0x69: {  	_ =	shalt  }
0x6a: {  	_ =	shalt  }
0x6b: {  	_ =	shalt  }
0x6c: {  	_ =	shalt  }
0x6d: {  	_ =	shalt  }
0x6e: {  	_ =	shalt  }
0x6f: {  	_ =	shalt  }
0x70: {  	_ =	shalt  }
0x71: {  	_ =	shalt  }
0x72: {  	_ =	shalt  }
0x73: {  	_ =	shalt  }
0x74: {  	_ =	shalt  }
0x75: {  	_ =	shalt  }
0x76: {  	_ =	shalt  }
0x77: {  	_ =	shalt  }
0x78: {  	_ =	shalt  }
0x79: {  	_ =	shalt  }
0x7a: {  	_ =	shalt  }
0x7b: {  	_ =	shalt  }
0x7c: {  	_ =	shalt  }
0x7d: {  	_ =	shalt  }
0x7e: {  	_ =	shalt  }
0x7f: {  	_ =	shalt  }
0x80: {  	_ =	shalt  }
0x81: {  	_ =	shalt  }
0x82: {  	_ =	shalt  }
0x83: {  	_ =	shalt  }
0x84: {  	_ =	shalt  }
0x85: {  	_ =	shalt  }
0x86: {  	_ =	shalt  }
0x87: {  	_ =	shalt  }
.Lfunc_end0:
.L_simem_size_0:
called_computation_lowered:
.L_overlay_start_0:
0x88: {  	s2 =	sld [smem:$0x3FD9]  }
0x89: {  	s3 =	sld [smem:$0x3FFE];
	_ =	sdelay $0x1  }
0x8a: {  	s1 =	srdreg.scid  }
0x8b: {  	s0 =	sand.u32 $0x1, s1  }
0x8c: {  	s16 =	sshll.u32 s0, $0xA;
	s2 =	sadd.s32 s3, s2  }
0x8d: {  	s2 =	sadd.s32 s2, s16  }
0x8e: {  	[smem:$0x3FB5] =	sst s2  }
0x8f: {  	_ = 	snop  }
0x90: {  	(tm) =	ssettm $0x1  }
0x91: {  	s17 =	sld [smem:$0x3FFB];
	_ =	sdelay $0x3  }
0x92: {  	_ =	strace s17  }
0x93: {  	s2 =	sld [smem:$0x3FFC];
	_ =	sdelay $0x3  }
0x94: {  	_ =	strace s2  }
0x95: {  	s2 =	sld [smem:$0x3FFD];
	_ =	sdelay $0x3  }
0x96: {  	_ =	strace s2  }
0x97: {  	_ =	strace $0x8FFFFFFF  }
0x98: {  	s18 =	sld [smem:$0x3FDB];
	_ =	sdelay $0x1  }
0x99: {  	s19 =	simm.s32 $_scs_section_size  }
0x9a: {  	s4 =	simm.s32 $_size__tile_overlayer_lowered;
	s5 =	simm.s32 $_tile_overlayer_lowered  }
0x9b: {  	s22 =	simm.s32 $0x1BFF;
	s21 =	sshll.u32 s5, $0x1;
	s2 =	sadd.s32 s19, s18  }
0x9c: {  	s6 =	simm.s32 $0x0;
	s20 =	sshll.u32 s4, $0x1;
	s4 =	sadd.s32 s21, s2  }
0x9d: {  	[timem:s6], [sflag:s22] =	dma.local [hbm:s4], s20  }
0x9e: {  	_ =	swait.ge [sflag:s22], s20  }
0x9f: {  	s3 =	ssub.s32 $0x0, s20;
	[sflag:s22] =	ssyncset.done $0x0  }
0xa0: {  	[sflag:s22] =	ssyncadd.s32 s3;
	_ =	sdelay $0x1  }
0xa1: {  	s23 =	simm.s32 $0x1B8B  }
0xa2: {  	_ =	swait.ge [sflag:s23], $0x1  }
0xa3: {  	[sflag:s23] =	ssyncset.done $0x0  }
0xa4: {  	s25 =	simm.s32 $0x1B8E;
	s24 =	sld [smem:$0x3FFE];
	[sflag:s23] =	ssyncadd.s32 $0xFFFFFFFF  }
0xa5: {  	s26 =	simm.s32 $execute0_lowered;
	[smem:$0x3FD2] =	sst s25  }
0xa6: {  	s4 =	sshll.u32 s26, $0x1;
	_ =	strace $0x80000046;
	[dreg:$0x1] =	wrdreg $0xFFFFFFFF  }
0xa7: {  	s28 =	simm.s32 $_size_execute0_lowered;
	s2 =	sadd.s32 s2, s4;
	[dreg:$0x0] =	wrdreg $0x0  }
0xa8: {  	s4 =	sshll.u32 s28, $0x1;
	[dreg:$0x2] =	wrdreg s2  }
0xa9: {  	[dreg:$0x3] =	wrdreg s4  }
0xaa: {  	[dreg:$0x4] =	wrdreg $0xC0  }
0xab: {  	_ =	task [dreg:s6], $0x5FFFF  }
0xac: {  	[dreg:$0x1] =	wrdreg $0xFFFFFFFF  }
0xad: {  	[dreg:$0x0] =	wrdreg $0x60  }
0xae: {  	[dreg:$0x2] =	wrdreg s24  }
0xaf: {  	[dreg:$0x3] =	wrdreg $0xA9000  }
0xb0: {  	[dreg:$0x4] =	wrdreg $0x9  }
0xb1: {  	_ =	task.clear_ibuf [dreg:s6], $0x5FFFF;
	_ =	strace $0x90000046  }
0xb2: {  	s29 =	simm.s32 $0x9;
	_ =	strace $0x80000048  }
0xb3: {  	_ =	swait.ge [sflag:s29], $0x1  }
0xb4: {  	[sflag:s29] =	ssyncadd.s32 $0xFFFFFFFF  }
0xb5: {  	_ =	strace $0x90000048  }
0xb6: {  	_ =	sfence  }
0xb7: {  	s30 =	sld [smem:$0x0];
	_ =	sdelay $0x2  }
0xb8: {  	s31 =	sshll.u32 s1, $0xD;
	s1 =	sshrl.u32 s1, $0x2  }
0xb9: {  	s3 =	sand.u32 $0x4000, s31;
	s1 =	sadd.s32 s1, s30  }
0xba: {  	s0 =	sor.u32 s3, s0;
	s1 =	sshll.u32 s1, $0x11  }
0xbb: {  	s0 =	sor.u32 s1, s0  }
0xbc: {  	s0 =	sadd.s32 $0x8F2B, s0  }
0xbd: {  	[sflag:s0] =	ssyncadd.remote.s32 $0x1  }
0xbe: {  	_ =	sfence.sel $0xFFFF  }
0xbf: {  	[dreg:$0x0] =	wrdreg $0xFFFFFFFF;
	(pc) =	sbr.abs _section_cstart, $3  }
0xc0: {  	[dreg:$0x1] =	wrdreg $0xFFFFFFFF  }
0xc1: {  	_ =	task.clear_ibuf [dreg:s6], $0x2FFFF;
	_ =	strace $0x9FFFFFFF  }
0xc2: {  	(tm) =	ssettm $0x7FFFFFFF  }
0xc3: {  	_ =	shalt  }
tec
execute0_lowered:
.L_overlay_start_1:
0x0: {  	(tag) =	ssettag $0x1  }
0x1: {  	s6 =	rddreg [dreg:$0x0]  }
0x2: {  	s2 =	rddreg [dreg:$0x1]  }
0x3: {  	s0 =	rddreg [dreg:$0x2]  }
0x4: {  	s3 =	simm.s32 $0x0;
	s1 =	stileid.u32;
	s5 =	srdreg.scid  }
0x5: {  	s15 =	simm.s32 $0x6900;
	s16 =	simm.s32 $0x2;
	s17 =	simm.s32 $0x2900  }
0x6: {  	s18 =	simm.s32 $0x80;
	s19 =	simm.s32 $0x2800;
	s4 =	smul.u32 $0x500, s1  }
0x7: {  	s21 =	simm.s32 $0x1;
	s22 =	simm.s32 $0x0;
	s7 =	smul.u32 $0x2800, s1  }
0x8: {  	[smem:$0x7FF] =	sst s3;
	s20 =	sand.u32 $0x1, s5;
	s10 =	smul.u32 $0x50000, s1  }
0x9: {  	s5 =	sadd.s32 $0x9A00, s6;
	_ =	strace $0x80000047;
	s9 =	ssub.s32 $0x2, s20  }
0xa: {  	p0 =	sne.s32 s20, $0x0;
	s20 =	simm.s32 $0x2880;
	s8 =	sadd.s32 s4, s6  }
.Ltmp0:
0xb: {  	s4 =	sadd.s32 $0xA200, s6;
	s11 =	sshrl.u32 s9, $0x1;
	(pc) =	sbr.rel .LBB2_1-.Ltmp0, $4  }
0xc: {  	s14 =	sadd.s32 s7, s6;
	s31 =	sshrl.u32 s10, $0x2;
	s6 =	smul.u32 $0x280, s1  }
0xd: {  	s9 =	ssub.s32 s9, s11;
	s7 =	sadd.s32 s31, s2;
	s8 =	sadd.s32 $0x4A00, s8  }
0xe: {  	s14 =	sadd.s32 $0xAA00, s14;
	s9 =	smax.u32 s9, $0x1;
	s10 =	sadd.s32 $0x4000, s7  }
0xf: {  	v0 =	vlaneseq.u32;
	s11 =	sadd.s32 $0x8000, s7;
	s12 =	sadd.s32 $0xC000, s7;
	s13 =	sadd.s32 $0x10000, s7  }
.LBB2_6:
0x10: {  	_ =	swait.ge [sflag:s21], $0x4000  }
0x11: {  	[sflag:s21] =	ssyncset.done $0x0  }
0x12: {  	[sflag:s21] =	ssyncadd.s32 $0xFFFFC000  }
0x13: {  	[hbm4b:s24+s3] =	stream.linear.scatter [tilespmem:s15], [sflag:$0x2], $0x4000, $0x38;
	[tilespmem:$0x1E900] =	vst v63  }
0x14: {  	_ =	swait.ge [sflag:s16], $0x4000  }
0x15: {  	[sflag:s16] =	ssyncset.done $0x0  }
0x16: {  	[sflag:s16] =	ssyncadd.s32 $0xFFFFC000  }
.LBB2_7:
0x17: {  	s22 =	sadd.s32 $0x1, s22  }
0x18: {  	p1 =	sne.s32 s22, s9  }
.Ltmp1:
0x19: {  	_ = 	snop;
	(pc) =	sbr.rel @!p1 .LBB2_8-.Ltmp1, $1  }
0x1a: {  	_ =	sdelay $0x3  }
.LBB2_1:
0x1b: {  	[tilespmem:s15], [sflag:$0x2] =	stream.linear.gather [hbm4b:s5+s3], $0x4000, $0x38;
	[tilespmem:$0x1E900] =	vst v63  }
0x1c: {  	_ =	swait.ge [sflag:s16], $0x4000  }
0x1d: {  	[sflag:s16] =	ssyncset.done $0x0  }
0x1e: {  	[sflag:s16] =	ssyncadd.s32 $0xFFFFC000  }
0x1f: {  	[spmem:s7] =	stream.linear.scatter [tilespmem:s15], [sflag:$0x2], $0x4000, $0x38;
	[tilespmem:$0x1E900] =	vst v63  }
0x20: {  	_ =	swait.ge [sflag:s16], $0x4000  }
0x21: {  	[sflag:s16] =	ssyncset.done $0x0  }
0x22: {  	[sflag:s16] =	ssyncadd.s32 $0xFFFFC000  }
0x23: {  	[spmem:s10] =	stream.linear.scatter [tilespmem:s15], [sflag:$0x2], $0x4000, $0x38;
	[tilespmem:$0x1E900] =	vst v63  }
0x24: {  	_ =	swait.ge [sflag:s16], $0x4000  }
0x25: {  	[sflag:s16] =	ssyncset.done $0x0  }
0x26: {  	[sflag:s16] =	ssyncadd.s32 $0xFFFFC000  }
0x27: {  	[spmem:s11] =	stream.linear.scatter [tilespmem:s15], [sflag:$0x2], $0x4000, $0x38;
	[tilespmem:$0x1E900] =	vst v63  }
0x28: {  	_ =	swait.ge [sflag:s16], $0x4000  }
0x29: {  	[sflag:s16] =	ssyncset.done $0x0  }
0x2a: {  	[sflag:s16] =	ssyncadd.s32 $0xFFFFC000  }
0x2b: {  	[spmem:s12] =	stream.linear.scatter [tilespmem:s15], [sflag:$0x2], $0x4000, $0x38;
	[tilespmem:$0x1E900] =	vst v63  }
0x2c: {  	_ =	swait.ge [sflag:s16], $0x4000  }
0x2d: {  	[sflag:s16] =	ssyncset.done $0x0  }
0x2e: {  	[sflag:s16] =	ssyncadd.s32 $0xFFFFC000  }
0x2f: {  	[spmem:s13] =	stream.linear.scatter [tilespmem:s15], [sflag:$0x2], $0x4000, $0x38;
	[tilespmem:$0x1E900] =	vst v63  }
0x30: {  	_ =	swait.ge [sflag:s16], $0x4000  }
0x31: {  	[sflag:s16] =	ssyncset.done $0x0  }
0x32: {  	[sflag:s16] =	ssyncadd.s32 $0xFFFFC000  }
0x33: {  	[tilespmem:s3], [sflag:$0x2] =	stream.linear.gather [hbm4b:s8+s3], $0x2800, $0x38;
	[tilespmem:$0x1E900] =	vst v63  }
0x34: {  	_ =	swait.ge [sflag:s16], $0x2800  }
0x35: {  	[sflag:s16] =	ssyncset.done $0x0  }
0x36: {  	[sflag:s16] =	ssyncadd.s32 $0xFFFFD800  }
0x37: {  	[tilespmem:s17], [sflag:$0x2] =	stream.linear.gather [hbm4b:s4+s3], $0x4000, $0x38;
	[tilespmem:$0x1E900] =	vst v63  }
0x38: {  	_ =	swait.ge [sflag:s16], $0x4000  }
0x39: {  	[sflag:s16] =	ssyncset.done $0x0  }
0x3a: {  	[sflag:s16] =	ssyncadd.s32 $0xFFFFC000  }
0x3b: {  	s23 =	simm.s32 $0x0;
	[bflag:$0x0] =	sbarrier.arrive $0xFFFF  }
0x3c: {  	v1 =	vld [tilespmem:s23+$0x0];
	_ =	sdelay $0x4  }
0x3d: {  	[tilespmem:$0x2800] =	vst v1  }
0x3e: {  	v1 =	vld [tilespmem:s23+$0x10];
	_ =	sdelay $0x4  }
0x3f: {  	[tilespmem:$0x2810] =	vst v1  }
0x40: {  	v1 =	vld [tilespmem:s23+$0x20];
	_ =	sdelay $0x4  }
0x41: {  	[tilespmem:$0x2820] =	vst v1  }
0x42: {  	v1 =	vld [tilespmem:s23+$0x30];
	_ =	sdelay $0x4  }
0x43: {  	[tilespmem:$0x2830] =	vst v1  }
0x44: {  	v1 =	vld [tilespmem:s23+$0x40];
	_ =	sdelay $0x4  }
0x45: {  	[tilespmem:$0x2840] =	vst v1  }
0x46: {  	v1 =	vld [tilespmem:s23+$0x50];
	_ =	sdelay $0x4  }
0x47: {  	[tilespmem:$0x2850] =	vst v1  }
0x48: {  	v1 =	vld [tilespmem:s23+$0x60];
	_ =	sdelay $0x4  }
0x49: {  	[tilespmem:$0x2860] =	vst v1  }
0x4a: {  	v1 =	vld [tilespmem:s23+$0x70];
	_ =	sdelay $0x4  }
0x4b: {  	[tilespmem:$0x2870] =	vst v1  }
0x4c: {  	[spmem:s2] =	stream.indirect.scatter.add.f32 [tilespmem:s17], [sflag:$0x2], $0x80, s19, s18, $0xb8;
	[tilespmem:$0x1E900] =	vst v63  }
0x4d: {  	_ =	swait.ge [sflag:s16], $0x4000  }
0x4e: {  	s25 =	simm.s32 $0x400;
	s23 =	simm.s32 $0x200;
	[sflag:s16] =	ssyncset.done $0x0  }
.LBB2_2:
0x4f: {  	s26 =	sshra.s32 s23, $0x2  }
0x50: {  	[sflag:s16] =	ssyncadd.s32 $0xFFFFC000;
	s23 =	smov.u32 s25;
	s24 =	sadd.s32 $0x200, s25  }
0x51: {  	p1 =	sne.s32 s25, $0x9E00;
	v1 =	vld [tilespmem:s26+$0x0];
	_ =	sdelay $0x4  }
0x52: {  	[tilespmem:$0x2800] =	vst v1  }
0x53: {  	v1 =	vld [tilespmem:s26+$0x10];
	_ =	sdelay $0x4  }
0x54: {  	[tilespmem:$0x2810] =	vst v1  }
0x55: {  	v1 =	vld [tilespmem:s26+$0x20];
	_ =	sdelay $0x4  }
0x56: {  	[tilespmem:$0x2820] =	vst v1  }
0x57: {  	v1 =	vld [tilespmem:s26+$0x30];
	_ =	sdelay $0x4  }
0x58: {  	[tilespmem:$0x2830] =	vst v1  }
0x59: {  	v1 =	vld [tilespmem:s26+$0x40];
	_ =	sdelay $0x4  }
0x5a: {  	[tilespmem:$0x2840] =	vst v1  }
0x5b: {  	v1 =	vld [tilespmem:s26+$0x50];
	_ =	sdelay $0x4  }
0x5c: {  	[tilespmem:$0x2850] =	vst v1  }
0x5d: {  	v1 =	vld [tilespmem:s26+$0x60];
	_ =	sdelay $0x4  }
0x5e: {  	[tilespmem:$0x2860] =	vst v1  }
0x5f: {  	v1 =	vld [tilespmem:s26+$0x70];
	_ =	sdelay $0x3  }
.Ltmp2:
0x60: {  	(pc) =	sbr.rel @p1 .LBB2_2-.Ltmp2, $4  }
0x61: {  	[tilespmem:$0x2870] =	vst v1  }
0x62: {  	[spmem:s2] =	stream.indirect.scatter.add.f32 [tilespmem:s17], [sflag:$0x2], $0x80, s19, s18, $0xb8;
	[tilespmem:$0x1E900] =	vst v63  }
0x63: {  	_ =	swait.ge [sflag:s16], $0x4000  }
0x64: {  	s25 =	smov.u32 s24;
	[sflag:s16] =	ssyncset.done $0x0  }
0x65: {  	s23 =	sshra.s32 s23, $0x2;
	[sflag:s16] =	ssyncadd.s32 $0xFFFFC000  }
0x66: {  	v1 =	vld [tilespmem:s23+$0x0];
	_ =	sdelay $0x4  }
0x67: {  	[tilespmem:$0x2800] =	vst v1  }
0x68: {  	v1 =	vld [tilespmem:s23+$0x10];
	_ =	sdelay $0x4  }
0x69: {  	[tilespmem:$0x2810] =	vst v1  }
0x6a: {  	v1 =	vld [tilespmem:s23+$0x20];
	_ =	sdelay $0x4  }
0x6b: {  	[tilespmem:$0x2820] =	vst v1  }
0x6c: {  	v1 =	vld [tilespmem:s23+$0x30];
	_ =	sdelay $0x4  }
0x6d: {  	[tilespmem:$0x2830] =	vst v1  }
0x6e: {  	v1 =	vld [tilespmem:s23+$0x40];
	_ =	sdelay $0x4  }
0x6f: {  	[tilespmem:$0x2840] =	vst v1  }
0x70: {  	v1 =	vld [tilespmem:s23+$0x50];
	_ =	sdelay $0x4  }
0x71: {  	[tilespmem:$0x2850] =	vst v1  }
0x72: {  	v1 =	vld [tilespmem:s23+$0x60];
	_ =	sdelay $0x4  }
0x73: {  	[tilespmem:$0x2860] =	vst v1  }
0x74: {  	v1 =	vld [tilespmem:s23+$0x70];
	_ =	sdelay $0x4  }
0x75: {  	[tilespmem:$0x2870] =	vst v1  }
0x76: {  	[spmem:s2] =	stream.indirect.scatter.add.f32 [tilespmem:s17], [sflag:$0x2], $0x80, s19, s18, $0xb8;
	[tilespmem:$0x1E900] =	vst v63  }
.Ltmp3:
0x77: {  	_ =	swait.ge [sflag:s16], $0x4000;
	(pc) =	sbr.rel @p0 .LBB2_7-.Ltmp3, $3  }
0x78: {  	[sflag:s16] =	ssyncset.done $0x0  }
0x79: {  	[sflag:s16] =	ssyncadd.s32 $0xFFFFC000  }
0x7a: {  	[bflag:$0x0] =	sbarrier.arrive $0xFFFF;
	_ =	sdelay $0x1  }
0x7b: {  	s23 =	sadd.s32 $0x0, s6  }
0x7c: {  	v1 =	vor.u32 s23, v0;
	s24 =	sadd.s32 $0x10, s23  }
0x7d: {  	s25 =	sadd.s32 $0x20, s23;
	[tilespmem:$0x2880] =	vst v1;
	v1 =	vor.u32 s24, v0  }
0x7e: {  	s28 =	sadd.s32 $0x70, s23;
	v2 =	vor.u32 s25, v0;
	[tilespmem:$0x2890] =	vst v1  }
0x7f: {  	s30 =	sadd.s32 $0x40, s23;
	v1 =	vor.u32 s28, v0;
	[tilespmem:$0x28A0] =	vst v2  }
0x80: {  	s29 =	sadd.s32 $0x50, s23;
	v2 =	vor.u32 s30, v0;
	[tilespmem:$0x28F0] =	vst v1  }
0x81: {  	s31 =	sadd.s32 $0x60, s23;
	s23 =	sadd.s32 $0x30, s23;
	v1 =	vor.u32 s29, v0;
	[tilespmem:$0x28C0] =	vst v2  }
0x82: {  	v2 =	vor.u32 s23, v0;
	[tilespmem:$0x28D0] =	vst v1  }
0x83: {  	v1 =	vor.u32 s31, v0;
	[tilespmem:$0x28B0] =	vst v2  }
0x84: {  	s25 =	smov.u32 s14;
	s24 =	smov.u32 s14;
	s23 =	simm.s32 $0x80;
	[tilespmem:$0x28E0] =	vst v1  }
0x85: {  	[tilespmem:s15], [sflag:$0x1] =	stream.indirect.gather [spmem:s2], $0x80, s20, s18, $0xb8;
	[tilespmem:$0x1E900] =	vst v63  }
.LBB2_5:
0x86: {  	p1 =	sne.s32 s23, $0x200;
	_ =	swait.ge [sflag:s21], $0x4000;
	s25 =	sadd.s32 $0x800, s25  }
0x87: {  	s26 =	smov.u32 s23;
	s23 =	sadd.s32 $0x80, s23;
	[sflag:s21] =	ssyncset.done $0x0  }
0x88: {  	[sflag:s21] =	ssyncadd.s32 $0xFFFFC000  }
0x89: {  	[hbm4b:s24+s3] =	stream.linear.scatter [tilespmem:s15], [sflag:$0x2], $0x4000, $0x38;
	[tilespmem:$0x1E900] =	vst v63  }
0x8a: {  	s24 =	smov.u32 s25;
	_ =	swait.ge [sflag:s16], $0x4000  }
0x8b: {  	s26 =	sadd.s32 s26, s6;
	[sflag:s16] =	ssyncset.done $0x0  }
0x8c: {  	v1 =	vor.u32 s26, v0;
	s28 =	sadd.s32 $0x10, s26;
	s29 =	sadd.s32 $0x20, s26;
	[sflag:s16] =	ssyncadd.s32 $0xFFFFC000  }
0x8d: {  	s30 =	sadd.s32 $0x70, s26;
	v2 =	vor.u32 s29, v0;
	s29 =	sadd.s32 $0x50, s26;
	[tilespmem:$0x2880] =	vst v1;
	v1 =	vor.u32 s28, v0;
	s28 =	sadd.s32 $0x40, s26  }
0x8e: {  	s31 =	sadd.s32 $0x30, s26;
	v4 =	vor.u32 s30, v0;
	v3 =	vor.u32 s29, v0;
	s26 =	sadd.s32 $0x60, s26;
	[tilespmem:$0x2890] =	vst v1;
	v1 =	vor.u32 s28, v0  }
0x8f: {  	v5 =	vor.u32 s31, v0;
	v6 =	vor.u32 s26, v0;
	[tilespmem:$0x28F0] =	vst v4  }
0x90: {  	[tilespmem:$0x28A0] =	vst v2  }
.Ltmp4:
0x91: {  	[tilespmem:$0x28D0] =	vst v3;
	(pc) =	sbr.rel @p1 .LBB2_5-.Ltmp4, $4  }
0x92: {  	[tilespmem:$0x28C0] =	vst v1  }
0x93: {  	[tilespmem:$0x28E0] =	vst v6  }
0x94: {  	[tilespmem:$0x28B0] =	vst v5  }
0x95: {  	[tilespmem:s15], [sflag:$0x1] =	stream.indirect.gather [spmem:s2], $0x80, s20, s18, $0xb8;
	[tilespmem:$0x1E900] =	vst v63  }
.Ltmp5:
0x96: {  	_ = 	snop;
	(pc) =	sbr.rel .LBB2_6-.Ltmp5, $1  }
0x97: {  	_ =	sdelay $0x3  }
.LBB2_8:
0x98: {  	_ =	sfence.sel $0x180000  }
0x99: {  	[bflag:$0x0] =	sbarrier.arrive $0xFFFF  }
0x9a: {  	p0 =	sne.s32 s1, $0x0;
	_ =	strace $0x90000047  }
0x9b: {  	s0 =	sadd.s32 @!p0 $0x100000, s0;
	[bflag:$0x2] =	sbarrier.arrive $0xFFFF  }
0x9c: {  	[sflag:s0] =	ssyncadd.tile.s32 @!p0 $0x1;
	_ =	shalt  }
.Lfunc_end2:
_tile_overlayer_lowered:
.L_overlay_start_2:
0x9d: {  	(tag) =	ssettag $0x2  }
0x9e: {  	s0 =	rddreg [dreg:$0x0];
	s2 =	stileid.u32  }
0x9f: {  	s1 =	rddreg [dreg:$0x1];
	p0 =	sne.s32 s2, $0x0  }
0xa0: {  	s3 =	rddreg [dreg:$0x2];
	[bflag:$0x3] =	sbarrier.arrive $0xFFFF;
	s2 =	simm.s32 @!p0 $0x1C02  }
0xa1: {  	[timem:s3], [sflag:s2] =	dma.local @!p0 [hbm:s0], s1  }
0xa2: {  	s0 =	simm.s32 @!p0 $0x2  }
0xa3: {  	_ =	swait.ge @!p0 [sflag:s0], s1  }
0xa4: {  	s1 =	ssub.s32 @!p0 $0x0, s1;
	[sflag:s0] =	ssyncset.done @!p0 $0x0  }
0xa5: {  	[sflag:s0] =	ssyncadd.s32 @!p0 s1  }
0xa6: {  	[bflag:$0x3] =	sbarrier.arrive $0xFFFF  }
0xa7: {  	_ =	shalt  }

// kernel: kernel.16.cloned.1.call-start
scs
__scs_entry_jumppad:
0x0: {  	(pc) =	sbr.rel $0x88, $3  }
0x1: {  	(tag) =	ssettag $0x0;
	lr =	simm.s32 $0x1  }
0x2: {  	[smem:$0x3F8E] =	sst lr;
	_ =	strace $0xD0000000  }
0x3: {  	_ = 	snop  }
0x4: {  	_ = 	snop  }
0x5: {  	_ = 	snop  }
0x6: {  	_ = 	snop  }
0x7: {  	_ = 	snop  }
__scs_overlays_trampoline_lowered:
0x8: {  	[smem:$0x3F9D] =	sst s0  }
0x9: {  	[smem:$0x3F9E] =	sst s1  }
0xa: {  	[smem:$0x3F9F] =	sst s2  }
0xb: {  	[smem:$0x3FA0] =	sst s3  }
0xc: {  	[smem:$0x3FA1] =	sst s4  }
0xd: {  	[smem:$0x3FA2] =	sst s5  }
0xe: {  	[smem:$0x3FA3] =	sst s6  }
0xf: {  	[smem:$0x3FA4] =	sst s7  }
0x10: {  	[smem:$0x3FA5] =	sst s8  }
0x11: {  	[smem:$0x3FA6] =	sst s9;
	s0 =	simm.s32 @!p0 $0x0  }
0x12: {  	s1 =	sld [smem:$0x3F8C];
	s0 =	simm.s32 @p0 $0x1  }
0x13: {  	[smem:$0x3FA7] =	sst s0;
	s0 =	simm.s32 @!p1 $0x0  }
0x14: {  	s2 =	sld [smem:$0x3F8B];
	s0 =	simm.s32 @p1 $0x1  }
0x15: {  	[smem:$0x3FA8] =	sst s0;
	s0 =	simm.s32 @!p2 $0x0  }
0x16: {  	s3 =	sld [smem:$0x3FDB];
	s0 =	simm.s32 @p2 $0x1  }
0x17: {  	s4 =	simm.s32 $0x1BF5;
	[smem:$0x3FAA] =	sst s0  }
0x18: {  	s0 =	sld [smem:$0x3F8D];
	_ =	swait.ge [sflag:s4], $0x0  }
0x19: {  	s7 =	sld [smem:$0x3F8E]  }
0x1a: {  	s8 =	sadd.s32 $0xFFFFE003, lr  }
0x1b: {  	s9 =	sadd.s32 $0xFFFFFEF7, lr;
	s5 =	simm.s32 $0xFFFFFFFF;
	p2 =	slt.u32 s8, $0xFFFFF086  }
0x1c: {  	p1 =	slt.u32 s9, $0xF7A;
	s5 =	simm.s32 @!p2 $0x0  }
0x1d: {  	s5 =	simm.s32 @p1 $0x1;
	p0 =	seq.s32 s7, s2  }
0x1e: {  	s7 =	smul.u32 @!p0 $0xF7A, s2;
	p2 =	seq.s32 @!p0 s5, $0x0  }
0x1f: {  	s9 =	smul.u32 $0xF7A, s1;
	s8 =	simm.s32 @!p0 $0x1BF5;
	p2 =	por !p2, p0  }
0x20: {  	[sflag:s8] =	ssyncset.s32 @!p0 $0xFFFFF086;
	s6 =	sadd.s32 @!p0 s3, s7;
	s7 =	simm.s32 @!p0 $0x108  }
0x21: {  	s3 =	sadd.s32 s3, s9;
	s6 =	sadd.s32 @!p0 $0x88, s6;
	s7 =	simm.s32 @p2 $0x1082  }
0x22: {  	[simem:s7], [sflag:s8] =	dma.local @!p0 [hbm:s6], $0xF7A  }
0x23: {  	s9 =	sor.u32 $0xD0000000, s2;
	s6 =	simm.s32 $0x108;
	_ =	swait.ge @!p0 [sflag:s8], $0x0  }
0x24: {  	s3 =	sadd.s32 $0x88, s3;
	s6 =	simm.s32 @!p1 $0x1082;
	[sflag:s4] =	ssyncset.s32 $0xFFFFF086  }
0x25: {  	[simem:s6], [sflag:s4] =	dma.local [hbm:s3], $0xF7A  }
0x26: {  	[smem:$0x3F8E] =	sst s1;
	(tag) =	ssettag s2;
	_ =	strace s9  }
0x27: {  	s1 =	sld [smem:$0x3F9E]  }
0x28: {  	s2 =	sld [smem:$0x3F9F]  }
0x29: {  	s4 =	sld [smem:$0x3FA1]  }
0x2a: {  	p0 =	seq.s32 s5, $0x0;
	s5 =	sld [smem:$0x3FA2]  }
0x2b: {  	s6 =	sld [smem:$0x3FA3]  }
0x2c: {  	s7 =	sld [smem:$0x3FA4]  }
0x2d: {  	s3 =	simm.s32 $0x108;
	s8 =	sld [smem:$0x3FA5]  }
0x2e: {  	s3 =	simm.s32 @!p0 $0x1082;
	s9 =	sld [smem:$0x3FA6]  }
0x2f: {  	lr =	sadd.s32 s0, s3;
	s0 =	sld [smem:$0x3F9D]  }
0x30: {  	s3 =	sld [smem:$0x3FA0]  }
0x31: {  	[smem:$0x3FA9] =	sst s10  }
0x32: {  	s10 =	sld [smem:$0x3FA7];
	_ =	sdelay $0x3  }
0x33: {  	p0 =	seq.s32 s10, $0x1;
	s10 =	sld [smem:$0x3FA9];
	_ =	sdelay $0x3  }
0x34: {  	[smem:$0x3FA9] =	sst s10  }
0x35: {  	s10 =	sld [smem:$0x3FA8];
	_ =	sdelay $0x3  }
0x36: {  	p1 =	seq.s32 s10, $0x1;
	s10 =	sld [smem:$0x3FA9];
	_ =	sdelay $0x3  }
0x37: {  	[smem:$0x3FA9] =	sst s10  }
0x38: {  	s10 =	sld [smem:$0x3FAA]  }
0x39: {  	_ = 	snop;
	(pc) =	sbr.ind lr, $3  }
0x3a: {  	_ = 	snop  }
0x3b: {  	_ = 	snop  }
0x3c: {  	p2 =	seq.s32 s10, $0x1;
	s10 =	sld [smem:$0x3FA9]  }
0x3d: {  	_ =	shalt  }
0x3e: {  	_ =	shalt  }
0x3f: {  	_ =	shalt  }
0x40: {  	_ =	shalt  }
0x41: {  	_ =	shalt  }
0x42: {  	_ =	shalt  }
0x43: {  	_ =	shalt  }
0x44: {  	_ =	shalt  }
0x45: {  	_ =	shalt  }
0x46: {  	_ =	shalt  }
0x47: {  	_ =	shalt  }
0x48: {  	_ =	shalt  }
0x49: {  	_ =	shalt  }
0x4a: {  	_ =	shalt  }
0x4b: {  	_ =	shalt  }
0x4c: {  	_ =	shalt  }
0x4d: {  	_ =	shalt  }
0x4e: {  	_ =	shalt  }
0x4f: {  	_ =	shalt  }
0x50: {  	_ =	shalt  }
0x51: {  	_ =	shalt  }
0x52: {  	_ =	shalt  }
0x53: {  	_ =	shalt  }
0x54: {  	_ =	shalt  }
0x55: {  	_ =	shalt  }
0x56: {  	_ =	shalt  }
0x57: {  	_ =	shalt  }
0x58: {  	_ =	shalt  }
0x59: {  	_ =	shalt  }
0x5a: {  	_ =	shalt  }
0x5b: {  	_ =	shalt  }
0x5c: {  	_ =	shalt  }
0x5d: {  	_ =	shalt  }
0x5e: {  	_ =	shalt  }
0x5f: {  	_ =	shalt  }
0x60: {  	_ =	shalt  }
0x61: {  	_ =	shalt  }
0x62: {  	_ =	shalt  }
0x63: {  	_ =	shalt  }
0x64: {  	_ =	shalt  }
0x65: {  	_ =	shalt  }
0x66: {  	_ =	shalt  }
0x67: {  	_ =	shalt  }
0x68: {  	_ =	shalt  }
0x69: {  	_ =	shalt  }
0x6a: {  	_ =	shalt  }
0x6b: {  	_ =	shalt  }
0x6c: {  	_ =	shalt  }
0x6d: {  	_ =	shalt  }
0x6e: {  	_ =	shalt  }
0x6f: {  	_ =	shalt  }
0x70: {  	_ =	shalt  }
0x71: {  	_ =	shalt  }
0x72: {  	_ =	shalt  }
0x73: {  	_ =	shalt  }
0x74: {  	_ =	shalt  }
0x75: {  	_ =	shalt  }
0x76: {  	_ =	shalt  }
0x77: {  	_ =	shalt  }
0x78: {  	_ =	shalt  }
0x79: {  	_ =	shalt  }
0x7a: {  	_ =	shalt  }
0x7b: {  	_ =	shalt  }
0x7c: {  	_ =	shalt  }
0x7d: {  	_ =	shalt  }
0x7e: {  	_ =	shalt  }
0x7f: {  	_ =	shalt  }
0x80: {  	_ =	shalt  }
0x81: {  	_ =	shalt  }
0x82: {  	_ =	shalt  }
0x83: {  	_ =	shalt  }
0x84: {  	_ =	shalt  }
0x85: {  	_ =	shalt  }
0x86: {  	_ =	shalt  }
0x87: {  	_ =	shalt  }
.Lfunc_end0:
.L_simem_size_0:
called_computation.1_lowered:
.L_overlay_start_0:
0x88: {  	s2 =	sld [smem:$0x3FD9]  }
0x89: {  	s3 =	sld [smem:$0x3FFE];
	_ =	sdelay $0x1  }
0x8a: {  	s1 =	srdreg.scid  }
0x8b: {  	s0 =	sand.u32 $0x1, s1  }
0x8c: {  	s16 =	sshll.u32 s0, $0xA;
	s2 =	sadd.s32 s3, s2  }
0x8d: {  	s2 =	sadd.s32 s2, s16  }
0x8e: {  	[smem:$0x3FB5] =	sst s2  }
0x8f: {  	_ = 	snop  }
0x90: {  	(tm) =	ssettm $0x1  }
0x91: {  	s17 =	sld [smem:$0x3FFB];
	_ =	sdelay $0x3  }
0x92: {  	_ =	strace s17  }
0x93: {  	s2 =	sld [smem:$0x3FFC];
	_ =	sdelay $0x3  }
0x94: {  	_ =	strace s2  }
0x95: {  	s2 =	sld [smem:$0x3FFD];
	_ =	sdelay $0x3  }
0x96: {  	_ =	strace s2  }
0x97: {  	_ =	strace $0x8FFFFFFF  }
0x98: {  	s18 =	sld [smem:$0x3FDB];
	_ =	sdelay $0x1  }
0x99: {  	s19 =	simm.s32 $_scs_section_size  }
0x9a: {  	s4 =	simm.s32 $_size__tile_overlayer_lowered;
	s5 =	simm.s32 $_tile_overlayer_lowered  }
0x9b: {  	s22 =	simm.s32 $0x1BFF;
	s21 =	sshll.u32 s5, $0x1;
	s2 =	sadd.s32 s19, s18  }
0x9c: {  	s6 =	simm.s32 $0x0;
	s20 =	sshll.u32 s4, $0x1;
	s4 =	sadd.s32 s21, s2  }
0x9d: {  	[timem:s6], [sflag:s22] =	dma.local [hbm:s4], s20  }
0x9e: {  	_ =	swait.ge [sflag:s22], s20  }
0x9f: {  	s3 =	ssub.s32 $0x0, s20;
	[sflag:s22] =	ssyncset.done $0x0  }
0xa0: {  	[sflag:s22] =	ssyncadd.s32 s3;
	_ =	sdelay $0x1  }
0xa1: {  	s23 =	simm.s32 $0x1B8B  }
0xa2: {  	_ =	swait.ge [sflag:s23], $0x1  }
0xa3: {  	[sflag:s23] =	ssyncset.done $0x0  }
0xa4: {  	s25 =	simm.s32 $0x1B8E;
	s24 =	sld [smem:$0x3FFE];
	[sflag:s23] =	ssyncadd.s32 $0xFFFFFFFF  }
0xa5: {  	s26 =	simm.s32 $execute0_lowered;
	[smem:$0x3FD2] =	sst s25  }
0xa6: {  	s4 =	sshll.u32 s26, $0x1;
	_ =	strace $0x80000049;
	[dreg:$0x1] =	wrdreg $0xFFFFFFFF  }
0xa7: {  	s28 =	simm.s32 $_size_execute0_lowered;
	s2 =	sadd.s32 s2, s4;
	[dreg:$0x0] =	wrdreg $0x0  }
0xa8: {  	s4 =	sshll.u32 s28, $0x1;
	[dreg:$0x2] =	wrdreg s2  }
0xa9: {  	[dreg:$0x3] =	wrdreg s4  }
0xaa: {  	[dreg:$0x4] =	wrdreg $0xC0  }
0xab: {  	_ =	task [dreg:s6], $0x5FFFF  }
0xac: {  	[dreg:$0x1] =	wrdreg $0xFFFFFFFF  }
0xad: {  	[dreg:$0x0] =	wrdreg $0x60  }
0xae: {  	[dreg:$0x2] =	wrdreg s24  }
0xaf: {  	[dreg:$0x3] =	wrdreg $0x91800  }
0xb0: {  	[dreg:$0x4] =	wrdreg $0x9  }
0xb1: {  	_ =	task.clear_ibuf [dreg:s6], $0x5FFFF;
	_ =	strace $0x90000049  }
0xb2: {  	s29 =	simm.s32 $0x9;
	_ =	strace $0x8000004B  }
0xb3: {  	_ =	swait.ge [sflag:s29], $0x1  }
0xb4: {  	[sflag:s29] =	ssyncadd.s32 $0xFFFFFFFF  }
0xb5: {  	_ =	strace $0x9000004B  }
0xb6: {  	_ =	sfence  }
0xb7: {  	s30 =	sld [smem:$0x0];
	_ =	sdelay $0x2  }
0xb8: {  	s31 =	sshll.u32 s1, $0xD;
	s1 =	sshrl.u32 s1, $0x2  }
0xb9: {  	s3 =	sand.u32 $0x4000, s31;
	s1 =	sadd.s32 s1, s30  }
0xba: {  	s0 =	sor.u32 s3, s0;
	s1 =	sshll.u32 s1, $0x11  }
0xbb: {  	s0 =	sor.u32 s1, s0  }
0xbc: {  	s0 =	sadd.s32 $0x8F2B, s0  }
0xbd: {  	[sflag:s0] =	ssyncadd.remote.s32 $0x1  }
0xbe: {  	_ =	sfence.sel $0xFFFF  }
0xbf: {  	[dreg:$0x0] =	wrdreg $0xFFFFFFFF;
	(pc) =	sbr.abs _section_cstart, $3  }
0xc0: {  	[dreg:$0x1] =	wrdreg $0xFFFFFFFF  }
0xc1: {  	_ =	task.clear_ibuf [dreg:s6], $0x2FFFF;
	_ =	strace $0x9FFFFFFF  }
0xc2: {  	(tm) =	ssettm $0x7FFFFFFF  }
0xc3: {  	_ =	shalt  }
tec
execute0_lowered:
.L_overlay_start_1:
0x0: {  	(tag) =	ssettag $0x1  }
0x1: {  	s0 =	srdreg.scid;
	s7 =	rddreg [dreg:$0x0]  }
0x2: {  	s28 =	stileid.u32;
	s2 =	rddreg [dreg:$0x1];
	s3 =	simm.s32 $0x0  }
0x3: {  	s16 =	simm.s32 $0x5180;
	s17 =	simm.s32 $0x2;
	s18 =	simm.s32 $0x2800  }
0x4: {  	s19 =	simm.s32 $0x80;
	s20 =	simm.s32 $0x5000;
	s21 =	simm.s32 $0x1  }
0x5: {  	s22 =	simm.s32 $0x5080;
	s23 =	simm.s32 $0x5100;
	s8 =	smul.u32 $0x500, s28  }
0x6: {  	s24 =	simm.s32 $0x0;
	s6 =	sand.u32 $0x1, s0;
	s29 =	smul.u32 $0x50000, s28  }
0x7: {  	[smem:$0x7FF] =	sst s3;
	s14 =	smul.u32 $0x2800, s28;
	s1 =	sshll.u32 s6, $0x4  }
0x8: {  	_ =	strace $0x8000004A;
	s9 =	smul.u32 $0x28000, s6;
	s30 =	ssub.s32 $0x2, s6  }
0x9: {  	s6 =	smul.u32 $0x280, s28;
	s4 =	sor.u32 s28, s1;
	s11 =	sadd.s32 s8, s7  }
0xa: {  	s31 =	sshrl.u32 s30, $0x1;
	s8 =	sshrl.u32 s29, $0x2;
	s5 =	smul.u32 $0x500, s4  }
0xb: {  	s4 =	sadd.s32 $0xA200, s7;
	s13 =	sadd.s32 s9, s7;
	s12 =	ssub.s32 s30, s31  }
0xc: {  	s9 =	sadd.s32 $0x4A00, s11;
	s15 =	sadd.s32 s14, s13;
	s10 =	sadd.s32 s5, s7  }
0xd: {  	s5 =	sadd.s32 $0x9A00, s7;
	s7 =	sadd.s32 s8, s2;
	s15 =	sadd.s32 $0x8CA00, s15  }
0xe: {  	s8 =	sadd.s32 $0x82A00, s10;
	s10 =	smax.u32 s12, $0x1;
	s11 =	sadd.s32 $0x4000, s7  }
0xf: {  	v0 =	vlaneseq.u32;
	s12 =	sadd.s32 $0x8000, s7;
	s13 =	sadd.s32 $0xC000, s7;
	s14 =	sadd.s32 $0x10000, s7  }
.LBB2_1:
0x10: {  	[tilespmem:s16], [sflag:$0x2] =	stream.linear.gather [hbm4b:s5+s3], $0x4000, $0x38;
	[tilespmem:$0x1D180] =	vst v63  }
0x11: {  	_ =	swait.ge [sflag:s17], $0x4000  }
0x12: {  	[sflag:s17] =	ssyncset.done $0x0  }
0x13: {  	[sflag:s17] =	ssyncadd.s32 $0xFFFFC000  }
0x14: {  	[spmem:s7] =	stream.linear.scatter [tilespmem:s16], [sflag:$0x2], $0x4000, $0x38;
	[tilespmem:$0x1D180] =	vst v63  }
0x15: {  	_ =	swait.ge [sflag:s17], $0x4000  }
0x16: {  	[sflag:s17] =	ssyncset.done $0x0  }
0x17: {  	[sflag:s17] =	ssyncadd.s32 $0xFFFFC000  }
0x18: {  	[spmem:s11] =	stream.linear.scatter [tilespmem:s16], [sflag:$0x2], $0x4000, $0x38;
	[tilespmem:$0x1D180] =	vst v63  }
0x19: {  	_ =	swait.ge [sflag:s17], $0x4000  }
0x1a: {  	[sflag:s17] =	ssyncset.done $0x0  }
0x1b: {  	[sflag:s17] =	ssyncadd.s32 $0xFFFFC000  }
0x1c: {  	[spmem:s12] =	stream.linear.scatter [tilespmem:s16], [sflag:$0x2], $0x4000, $0x38;
	[tilespmem:$0x1D180] =	vst v63  }
0x1d: {  	_ =	swait.ge [sflag:s17], $0x4000  }
0x1e: {  	[sflag:s17] =	ssyncset.done $0x0  }
0x1f: {  	[sflag:s17] =	ssyncadd.s32 $0xFFFFC000  }
0x20: {  	[spmem:s13] =	stream.linear.scatter [tilespmem:s16], [sflag:$0x2], $0x4000, $0x38;
	[tilespmem:$0x1D180] =	vst v63  }
0x21: {  	_ =	swait.ge [sflag:s17], $0x4000  }
0x22: {  	[sflag:s17] =	ssyncset.done $0x0  }
0x23: {  	[sflag:s17] =	ssyncadd.s32 $0xFFFFC000  }
0x24: {  	[spmem:s14] =	stream.linear.scatter [tilespmem:s16], [sflag:$0x2], $0x4000, $0x38;
	[tilespmem:$0x1D180] =	vst v63  }
0x25: {  	_ =	swait.ge [sflag:s17], $0x4000  }
0x26: {  	[sflag:s17] =	ssyncset.done $0x0  }
0x27: {  	[sflag:s17] =	ssyncadd.s32 $0xFFFFC000  }
0x28: {  	[tilespmem:s3], [sflag:$0x2] =	stream.linear.gather [hbm4b:s8+s3], $0x2800, $0x38;
	[tilespmem:$0x1D180] =	vst v63  }
0x29: {  	_ =	swait.ge [sflag:s17], $0x2800  }
0x2a: {  	[sflag:s17] =	ssyncset.done $0x0  }
0x2b: {  	[sflag:s17] =	ssyncadd.s32 $0xFFFFD800  }
0x2c: {  	[tilespmem:s18], [sflag:$0x2] =	stream.linear.gather [hbm4b:s9+s3], $0x2800, $0x38;
	[tilespmem:$0x1D180] =	vst v63  }
0x2d: {  	_ =	swait.ge [sflag:s17], $0x2800  }
0x2e: {  	[sflag:s17] =	ssyncset.done $0x0  }
0x2f: {  	[sflag:s17] =	ssyncadd.s32 $0xFFFFD800  }
0x30: {  	s25 =	simm.s32 $0x0;
	[bflag:$0x0] =	sbarrier.arrive $0xFFFF  }
0x31: {  	v1 =	vld [tilespmem:s25+$0x0];
	_ =	sdelay $0x4  }
0x32: {  	[tilespmem:$0x5000] =	vst v1  }
0x33: {  	v1 =	vld [tilespmem:s25+$0x2800];
	_ =	sdelay $0x4  }
0x34: {  	[tilespmem:$0x5080] =	vst v1  }
0x35: {  	v1 =	vld [tilespmem:s25+$0x10];
	_ =	sdelay $0x4  }
0x36: {  	[tilespmem:$0x5010] =	vst v1  }
0x37: {  	v1 =	vld [tilespmem:s25+$0x2810];
	_ =	sdelay $0x4  }
0x38: {  	[tilespmem:$0x5090] =	vst v1  }
0x39: {  	v1 =	vld [tilespmem:s25+$0x20];
	_ =	sdelay $0x4  }
0x3a: {  	[tilespmem:$0x5020] =	vst v1  }
0x3b: {  	v1 =	vld [tilespmem:s25+$0x2820];
	_ =	sdelay $0x4  }
0x3c: {  	[tilespmem:$0x50A0] =	vst v1  }
0x3d: {  	v1 =	vld [tilespmem:s25+$0x30];
	_ =	sdelay $0x4  }
0x3e: {  	[tilespmem:$0x5030] =	vst v1  }
0x3f: {  	v1 =	vld [tilespmem:s25+$0x2830];
	_ =	sdelay $0x4  }
0x40: {  	[tilespmem:$0x50B0] =	vst v1  }
0x41: {  	v1 =	vld [tilespmem:s25+$0x40];
	_ =	sdelay $0x4  }
0x42: {  	[tilespmem:$0x5040] =	vst v1  }
0x43: {  	v1 =	vld [tilespmem:s25+$0x2840];
	_ =	sdelay $0x4  }
0x44: {  	[tilespmem:$0x50C0] =	vst v1  }
0x45: {  	v1 =	vld [tilespmem:s25+$0x50];
	_ =	sdelay $0x4  }
0x46: {  	[tilespmem:$0x5050] =	vst v1  }
0x47: {  	v1 =	vld [tilespmem:s25+$0x2850];
	_ =	sdelay $0x4  }
0x48: {  	[tilespmem:$0x50D0] =	vst v1  }
0x49: {  	v1 =	vld [tilespmem:s25+$0x60];
	_ =	sdelay $0x4  }
0x4a: {  	[tilespmem:$0x5060] =	vst v1  }
0x4b: {  	v1 =	vld [tilespmem:s25+$0x2860];
	_ =	sdelay $0x4  }
0x4c: {  	[tilespmem:$0x50E0] =	vst v1  }
0x4d: {  	v1 =	vld [tilespmem:s25+$0x70];
	_ =	sdelay $0x4  }
0x4e: {  	[tilespmem:$0x5070] =	vst v1  }
0x4f: {  	v1 =	vld [tilespmem:s25+$0x2870];
	_ =	sdelay $0x4  }
0x50: {  	[tilespmem:$0x50F0] =	vst v1  }
0x51: {  	[tilespmem:s16], [sflag:$0x1] =	stream.indirect.gather [hbm4b:s4+s19], $0x80, s20, s19, $0xb8;
	[tilespmem:$0x1D180] =	vst v63  }
0x52: {  	_ =	swait.ge [sflag:s21], $0x4000  }
0x53: {  	[sflag:s21] =	ssyncset.done $0x0  }
0x54: {  	[sflag:s21] =	ssyncadd.s32 $0xFFFFC000  }
0x55: {  	[spmem:s2] =	stream.indirect.scatter.add.f32 [tilespmem:s16], [sflag:$0x2], $0x80, s22, s19, $0xb8;
	[tilespmem:$0x1D180] =	vst v63  }
0x56: {  	_ =	swait.ge [sflag:s17], $0x4000  }
0x57: {  	s29 =	simm.s32 $0x400;
	s25 =	simm.s32 $0x200;
	[sflag:s17] =	ssyncset.done $0x0  }
.LBB2_2:
0x58: {  	s28 =	sshra.s32 s25, $0x2  }
0x59: {  	[sflag:s17] =	ssyncadd.s32 $0xFFFFC000;
	s25 =	smov.u32 s29;
	s26 =	sadd.s32 $0x200, s29  }
0x5a: {  	p0 =	sne.s32 s29, $0x9E00;
	v1 =	vld [tilespmem:s28+$0x0];
	_ =	sdelay $0x4  }
0x5b: {  	[tilespmem:$0x5000] =	vst v1  }
0x5c: {  	v1 =	vld [tilespmem:s28+$0x2800];
	_ =	sdelay $0x4  }
0x5d: {  	[tilespmem:$0x5080] =	vst v1  }
0x5e: {  	v1 =	vld [tilespmem:s28+$0x10];
	_ =	sdelay $0x4  }
0x5f: {  	[tilespmem:$0x5010] =	vst v1  }
0x60: {  	v1 =	vld [tilespmem:s28+$0x2810];
	_ =	sdelay $0x4  }
0x61: {  	[tilespmem:$0x5090] =	vst v1  }
0x62: {  	v1 =	vld [tilespmem:s28+$0x20];
	_ =	sdelay $0x4  }
0x63: {  	[tilespmem:$0x5020] =	vst v1  }
0x64: {  	v1 =	vld [tilespmem:s28+$0x2820];
	_ =	sdelay $0x4  }
0x65: {  	[tilespmem:$0x50A0] =	vst v1  }
0x66: {  	v1 =	vld [tilespmem:s28+$0x30];
	_ =	sdelay $0x4  }
0x67: {  	[tilespmem:$0x5030] =	vst v1  }
0x68: {  	v1 =	vld [tilespmem:s28+$0x2830];
	_ =	sdelay $0x4  }
0x69: {  	[tilespmem:$0x50B0] =	vst v1  }
0x6a: {  	v1 =	vld [tilespmem:s28+$0x40];
	_ =	sdelay $0x4  }
0x6b: {  	[tilespmem:$0x5040] =	vst v1  }
0x6c: {  	v1 =	vld [tilespmem:s28+$0x2840];
	_ =	sdelay $0x4  }
0x6d: {  	[tilespmem:$0x50C0] =	vst v1  }
0x6e: {  	v1 =	vld [tilespmem:s28+$0x50];
	_ =	sdelay $0x4  }
0x6f: {  	[tilespmem:$0x5050] =	vst v1  }
0x70: {  	v1 =	vld [tilespmem:s28+$0x2850];
	_ =	sdelay $0x4  }
0x71: {  	[tilespmem:$0x50D0] =	vst v1  }
0x72: {  	v1 =	vld [tilespmem:s28+$0x60];
	_ =	sdelay $0x4  }
0x73: {  	[tilespmem:$0x5060] =	vst v1  }
0x74: {  	v1 =	vld [tilespmem:s28+$0x2860];
	_ =	sdelay $0x4  }
0x75: {  	[tilespmem:$0x50E0] =	vst v1  }
0x76: {  	v1 =	vld [tilespmem:s28+$0x70];
	_ =	sdelay $0x4  }
0x77: {  	[tilespmem:$0x5070] =	vst v1  }
0x78: {  	v1 =	vld [tilespmem:s28+$0x2870];
	_ =	sdelay $0x4  }
0x79: {  	[tilespmem:$0x50F0] =	vst v1  }
0x7a: {  	[tilespmem:s16], [sflag:$0x1] =	stream.indirect.gather [hbm4b:s4+s19], $0x80, s20, s19, $0xb8;
	[tilespmem:$0x1D180] =	vst v63  }
0x7b: {  	_ =	swait.ge [sflag:s21], $0x4000  }
.Ltmp0:
0x7c: {  	[sflag:s21] =	ssyncset.done $0x0;
	(pc) =	sbr.rel @p0 .LBB2_2-.Ltmp0, $4  }
0x7d: {  	[sflag:s21] =	ssyncadd.s32 $0xFFFFC000  }
0x7e: {  	[spmem:s2] =	stream.indirect.scatter.add.f32 [tilespmem:s16], [sflag:$0x2], $0x80, s22, s19, $0xb8;
	[tilespmem:$0x1D180] =	vst v63  }
0x7f: {  	_ =	swait.ge [sflag:s17], $0x4000  }
0x80: {  	s29 =	smov.u32 s26;
	[sflag:s17] =	ssyncset.done $0x0  }
0x81: {  	s25 =	sshra.s32 s25, $0x2;
	[sflag:s17] =	ssyncadd.s32 $0xFFFFC000  }
0x82: {  	v1 =	vld [tilespmem:s25+$0x0];
	_ =	sdelay $0x4  }
0x83: {  	[tilespmem:$0x5000] =	vst v1  }
0x84: {  	v1 =	vld [tilespmem:s25+$0x2800];
	_ =	sdelay $0x4  }
0x85: {  	[tilespmem:$0x5080] =	vst v1  }
0x86: {  	v1 =	vld [tilespmem:s25+$0x10];
	_ =	sdelay $0x4  }
0x87: {  	[tilespmem:$0x5010] =	vst v1  }
0x88: {  	v1 =	vld [tilespmem:s25+$0x2810];
	_ =	sdelay $0x4  }
0x89: {  	[tilespmem:$0x5090] =	vst v1  }
0x8a: {  	v1 =	vld [tilespmem:s25+$0x20];
	_ =	sdelay $0x4  }
0x8b: {  	[tilespmem:$0x5020] =	vst v1  }
0x8c: {  	v1 =	vld [tilespmem:s25+$0x2820];
	_ =	sdelay $0x4  }
0x8d: {  	[tilespmem:$0x50A0] =	vst v1  }
0x8e: {  	v1 =	vld [tilespmem:s25+$0x30];
	_ =	sdelay $0x4  }
0x8f: {  	[tilespmem:$0x5030] =	vst v1  }
0x90: {  	v1 =	vld [tilespmem:s25+$0x2830];
	_ =	sdelay $0x4  }
0x91: {  	[tilespmem:$0x50B0] =	vst v1  }
0x92: {  	v1 =	vld [tilespmem:s25+$0x40];
	_ =	sdelay $0x4  }
0x93: {  	[tilespmem:$0x5040] =	vst v1  }
0x94: {  	v1 =	vld [tilespmem:s25+$0x2840];
	_ =	sdelay $0x4  }
0x95: {  	[tilespmem:$0x50C0] =	vst v1  }
0x96: {  	v1 =	vld [tilespmem:s25+$0x50];
	_ =	sdelay $0x4  }
0x97: {  	[tilespmem:$0x5050] =	vst v1  }
0x98: {  	v1 =	vld [tilespmem:s25+$0x2850];
	_ =	sdelay $0x4  }
0x99: {  	[tilespmem:$0x50D0] =	vst v1  }
0x9a: {  	v1 =	vld [tilespmem:s25+$0x60];
	_ =	sdelay $0x4  }
0x9b: {  	[tilespmem:$0x5060] =	vst v1  }
0x9c: {  	v1 =	vld [tilespmem:s25+$0x2860];
	_ =	sdelay $0x4  }
0x9d: {  	[tilespmem:$0x50E0] =	vst v1  }
0x9e: {  	v1 =	vld [tilespmem:s25+$0x70];
	_ =	sdelay $0x4  }
0x9f: {  	[tilespmem:$0x5070] =	vst v1  }
0xa0: {  	v1 =	vld [tilespmem:s25+$0x2870];
	_ =	sdelay $0x4  }
0xa1: {  	[tilespmem:$0x50F0] =	vst v1  }
0xa2: {  	[tilespmem:s16], [sflag:$0x1] =	stream.indirect.gather [hbm4b:s4+s19], $0x80, s20, s19, $0xb8;
	[tilespmem:$0x1D180] =	vst v63  }
0xa3: {  	_ =	swait.ge [sflag:s21], $0x4000  }
0xa4: {  	[sflag:s21] =	ssyncset.done $0x0  }
0xa5: {  	[sflag:s21] =	ssyncadd.s32 $0xFFFFC000  }
0xa6: {  	[spmem:s2] =	stream.indirect.scatter.add.f32 [tilespmem:s16], [sflag:$0x2], $0x80, s22, s19, $0xb8;
	[tilespmem:$0x1D180] =	vst v63  }
0xa7: {  	_ =	swait.ge [sflag:s17], $0x4000  }
0xa8: {  	[sflag:s17] =	ssyncset.done $0x0  }
0xa9: {  	s1 =	sadd.s32 $0x0, s6;
	[sflag:s17] =	ssyncadd.s32 $0xFFFFC000  }
0xaa: {  	s28 =	sadd.s32 $0x20, s1;
	v1 =	vor.u32 s1, v0;
	[bflag:$0x0] =	sbarrier.arrive $0xFFFF  }
0xab: {  	s26 =	sadd.s32 $0x10, s1;
	v2 =	vor.u32 s28, v0;
	[tilespmem:$0x5100] =	vst v1  }
0xac: {  	s28 =	sadd.s32 $0x40, s1;
	v1 =	vor.u32 s26, v0;
	[tilespmem:$0x5120] =	vst v2  }
0xad: {  	s29 =	sadd.s32 $0x70, s1;
	v2 =	vor.u32 s28, v0;
	[tilespmem:$0x5110] =	vst v1  }
0xae: {  	s25 =	sadd.s32 $0x30, s1;
	v1 =	vor.u32 s29, v0;
	[tilespmem:$0x5140] =	vst v2  }
0xaf: {  	s30 =	sadd.s32 $0x50, s1;
	v2 =	vor.u32 s25, v0;
	[tilespmem:$0x5170] =	vst v1  }
0xb0: {  	s31 =	sadd.s32 $0x60, s1;
	v1 =	vor.u32 s30, v0;
	[tilespmem:$0x5130] =	vst v2  }
0xb1: {  	[tilespmem:$0x5150] =	vst v1;
	v1 =	vor.u32 s31, v0  }
0xb2: {  	s28 =	smov.u32 s15;
	s26 =	smov.u32 s15;
	s25 =	simm.s32 $0x80;
	[tilespmem:$0x5160] =	vst v1  }
0xb3: {  	[tilespmem:s16], [sflag:$0x1] =	stream.indirect.gather [spmem:s2], $0x80, s23, s19, $0xb8;
	[tilespmem:$0x1D180] =	vst v63  }
.LBB2_4:
0xb4: {  	p0 =	sne.s32 s25, $0x200;
	_ =	swait.ge [sflag:s21], $0x4000;
	s28 =	sadd.s32 $0x800, s28  }
0xb5: {  	s29 =	smov.u32 s25;
	s25 =	sadd.s32 $0x80, s25;
	[sflag:s21] =	ssyncset.done $0x0  }
0xb6: {  	[sflag:s21] =	ssyncadd.s32 $0xFFFFC000  }
0xb7: {  	[hbm4b:s26+s3] =	stream.linear.scatter [tilespmem:s16], [sflag:$0x2], $0x4000, $0x38;
	[tilespmem:$0x1D180] =	vst v63  }
0xb8: {  	s26 =	smov.u32 s28;
	_ =	swait.ge [sflag:s17], $0x4000  }
0xb9: {  	s29 =	sadd.s32 s29, s6;
	[sflag:s17] =	ssyncset.done $0x0  }
0xba: {  	v1 =	vor.u32 s29, v0;
	s30 =	sadd.s32 $0x10, s29;
	s31 =	sadd.s32 $0x20, s29;
	[sflag:s17] =	ssyncadd.s32 $0xFFFFC000  }
0xbb: {  	s1 =	sadd.s32 $0x70, s29;
	v2 =	vor.u32 s31, v0;
	s31 =	sadd.s32 $0x50, s29;
	[tilespmem:$0x5100] =	vst v1;
	v1 =	vor.u32 s30, v0;
	s30 =	sadd.s32 $0x40, s29  }
0xbc: {  	s0 =	sadd.s32 $0x30, s29;
	v4 =	vor.u32 s1, v0;
	v3 =	vor.u32 s31, v0;
	s29 =	sadd.s32 $0x60, s29;
	[tilespmem:$0x5110] =	vst v1;
	v1 =	vor.u32 s30, v0  }
0xbd: {  	v5 =	vor.u32 s0, v0;
	v6 =	vor.u32 s29, v0;
	[tilespmem:$0x5170] =	vst v4  }
0xbe: {  	[tilespmem:$0x5120] =	vst v2  }
.Ltmp1:
0xbf: {  	[tilespmem:$0x5150] =	vst v3;
	(pc) =	sbr.rel @p0 .LBB2_4-.Ltmp1, $4  }
0xc0: {  	[tilespmem:$0x5140] =	vst v1  }
0xc1: {  	[tilespmem:$0x5160] =	vst v6  }
0xc2: {  	[tilespmem:$0x5130] =	vst v5  }
0xc3: {  	[tilespmem:s16], [sflag:$0x1] =	stream.indirect.gather [spmem:s2], $0x80, s23, s19, $0xb8;
	[tilespmem:$0x1D180] =	vst v63  }
0xc4: {  	_ =	swait.ge [sflag:s21], $0x4000;
	s24 =	sadd.s32 $0x1, s24  }
0xc5: {  	[sflag:s21] =	ssyncset.done $0x0;
	p0 =	sne.s32 s24, s10  }
.Ltmp2:
0xc6: {  	[sflag:s21] =	ssyncadd.s32 $0xFFFFC000;
	(pc) =	sbr.rel @p0 .LBB2_1-.Ltmp2, $4  }
0xc7: {  	[hbm4b:s26+s3] =	stream.linear.scatter [tilespmem:s16], [sflag:$0x2], $0x4000, $0x38;
	[tilespmem:$0x1D180] =	vst v63  }
0xc8: {  	_ =	swait.ge [sflag:s17], $0x4000  }
0xc9: {  	[sflag:s17] =	ssyncset.done $0x0  }
0xca: {  	[sflag:s17] =	ssyncadd.s32 $0xFFFFC000  }
0xcb: {  	_ =	sfence.sel $0x180000  }
0xcc: {  	[bflag:$0x0] =	sbarrier.arrive $0xFFFF  }
0xcd: {  	_ =	strace $0x9000004A  }
0xce: {  	s0 =	stileid.u32;
	[bflag:$0x2] =	sbarrier.arrive $0xFFFF  }
0xcf: {  	p0 =	sne.s32 s0, $0x0;
	s0 =	rddreg [dreg:$0x2]  }
0xd0: {  	s0 =	sadd.s32 @!p0 $0x100000, s0  }
0xd1: {  	[sflag:s0] =	ssyncadd.tile.s32 @!p0 $0x1;
	_ =	shalt  }
.Lfunc_end2:
_tile_overlayer_lowered:
.L_overlay_start_2:
0xd2: {  	(tag) =	ssettag $0x2  }
0xd3: {  	s0 =	rddreg [dreg:$0x0];
	s2 =	stileid.u32  }
0xd4: {  	s1 =	rddreg [dreg:$0x1];
	p0 =	sne.s32 s2, $0x0  }
0xd5: {  	s3 =	rddreg [dreg:$0x2];
	[bflag:$0x3] =	sbarrier.arrive $0xFFFF;
	s2 =	simm.s32 @!p0 $0x1C02  }
0xd6: {  	[timem:s3], [sflag:s2] =	dma.local @!p0 [hbm:s0], s1  }
0xd7: {  	s0 =	simm.s32 @!p0 $0x2  }
0xd8: {  	_ =	swait.ge @!p0 [sflag:s0], s1  }
0xd9: {  	s1 =	ssub.s32 @!p0 $0x0, s1;
	[sflag:s0] =	ssyncset.done @!p0 $0x0  }
0xda: {  	[sflag:s0] =	ssyncadd.s32 @!p0 s1  }
0xdb: {  	[bflag:$0x3] =	sbarrier.arrive $0xFFFF  }
0xdc: {  	_ =	shalt  }

// kernel: kernel.19.cloned.1.call-start
scs
__scs_entry_jumppad:
0x0: {  	(pc) =	sbr.rel $0x88, $3  }
0x1: {  	(tag) =	ssettag $0x0;
	lr =	simm.s32 $0x1  }
0x2: {  	[smem:$0x3F8E] =	sst lr;
	_ =	strace $0xD0000000  }
0x3: {  	_ = 	snop  }
0x4: {  	_ = 	snop  }
0x5: {  	_ = 	snop  }
0x6: {  	_ = 	snop  }
0x7: {  	_ = 	snop  }
__scs_overlays_trampoline_lowered:
0x8: {  	[smem:$0x3F9D] =	sst s0  }
0x9: {  	[smem:$0x3F9E] =	sst s1  }
0xa: {  	[smem:$0x3F9F] =	sst s2  }
0xb: {  	[smem:$0x3FA0] =	sst s3  }
0xc: {  	[smem:$0x3FA1] =	sst s4  }
0xd: {  	[smem:$0x3FA2] =	sst s5  }
0xe: {  	[smem:$0x3FA3] =	sst s6  }
0xf: {  	[smem:$0x3FA4] =	sst s7  }
0x10: {  	[smem:$0x3FA5] =	sst s8  }
0x11: {  	[smem:$0x3FA6] =	sst s9;
	s0 =	simm.s32 @!p0 $0x0  }
0x12: {  	s1 =	sld [smem:$0x3F8C];
	s0 =	simm.s32 @p0 $0x1  }
0x13: {  	[smem:$0x3FA7] =	sst s0;
	s0 =	simm.s32 @!p1 $0x0  }
0x14: {  	s2 =	sld [smem:$0x3F8B];
	s0 =	simm.s32 @p1 $0x1  }
0x15: {  	[smem:$0x3FA8] =	sst s0;
	s0 =	simm.s32 @!p2 $0x0  }
0x16: {  	s3 =	sld [smem:$0x3FDB];
	s0 =	simm.s32 @p2 $0x1  }
0x17: {  	s4 =	simm.s32 $0x1BF5;
	[smem:$0x3FAA] =	sst s0  }
0x18: {  	s0 =	sld [smem:$0x3F8D];
	_ =	swait.ge [sflag:s4], $0x0  }
0x19: {  	s7 =	sld [smem:$0x3F8E]  }
0x1a: {  	s8 =	sadd.s32 $0xFFFFE003, lr  }
0x1b: {  	s9 =	sadd.s32 $0xFFFFFEF7, lr;
	s5 =	simm.s32 $0xFFFFFFFF;
	p2 =	slt.u32 s8, $0xFFFFF086  }
0x1c: {  	p1 =	slt.u32 s9, $0xF7A;
	s5 =	simm.s32 @!p2 $0x0  }
0x1d: {  	s5 =	simm.s32 @p1 $0x1;
	p0 =	seq.s32 s7, s2  }
0x1e: {  	s7 =	smul.u32 @!p0 $0xF7A, s2;
	p2 =	seq.s32 @!p0 s5, $0x0  }
0x1f: {  	s9 =	smul.u32 $0xF7A, s1;
	s8 =	simm.s32 @!p0 $0x1BF5;
	p2 =	por !p2, p0  }
0x20: {  	[sflag:s8] =	ssyncset.s32 @!p0 $0xFFFFF086;
	s6 =	sadd.s32 @!p0 s3, s7;
	s7 =	simm.s32 @!p0 $0x108  }
0x21: {  	s3 =	sadd.s32 s3, s9;
	s6 =	sadd.s32 @!p0 $0x88, s6;
	s7 =	simm.s32 @p2 $0x1082  }
0x22: {  	[simem:s7], [sflag:s8] =	dma.local @!p0 [hbm:s6], $0xF7A  }
0x23: {  	s9 =	sor.u32 $0xD0000000, s2;
	s6 =	simm.s32 $0x108;
	_ =	swait.ge @!p0 [sflag:s8], $0x0  }
0x24: {  	s3 =	sadd.s32 $0x88, s3;
	s6 =	simm.s32 @!p1 $0x1082;
	[sflag:s4] =	ssyncset.s32 $0xFFFFF086  }
0x25: {  	[simem:s6], [sflag:s4] =	dma.local [hbm:s3], $0xF7A  }
0x26: {  	[smem:$0x3F8E] =	sst s1;
	(tag) =	ssettag s2;
	_ =	strace s9  }
0x27: {  	s1 =	sld [smem:$0x3F9E]  }
0x28: {  	s2 =	sld [smem:$0x3F9F]  }
0x29: {  	s4 =	sld [smem:$0x3FA1]  }
0x2a: {  	p0 =	seq.s32 s5, $0x0;
	s5 =	sld [smem:$0x3FA2]  }
0x2b: {  	s6 =	sld [smem:$0x3FA3]  }
0x2c: {  	s7 =	sld [smem:$0x3FA4]  }
0x2d: {  	s3 =	simm.s32 $0x108;
	s8 =	sld [smem:$0x3FA5]  }
0x2e: {  	s3 =	simm.s32 @!p0 $0x1082;
	s9 =	sld [smem:$0x3FA6]  }
0x2f: {  	lr =	sadd.s32 s0, s3;
	s0 =	sld [smem:$0x3F9D]  }
0x30: {  	s3 =	sld [smem:$0x3FA0]  }
0x31: {  	[smem:$0x3FA9] =	sst s10  }
0x32: {  	s10 =	sld [smem:$0x3FA7];
	_ =	sdelay $0x3  }
0x33: {  	p0 =	seq.s32 s10, $0x1;
	s10 =	sld [smem:$0x3FA9];
	_ =	sdelay $0x3  }
0x34: {  	[smem:$0x3FA9] =	sst s10  }
0x35: {  	s10 =	sld [smem:$0x3FA8];
	_ =	sdelay $0x3  }
0x36: {  	p1 =	seq.s32 s10, $0x1;
	s10 =	sld [smem:$0x3FA9];
	_ =	sdelay $0x3  }
0x37: {  	[smem:$0x3FA9] =	sst s10  }
0x38: {  	s10 =	sld [smem:$0x3FAA]  }
0x39: {  	_ = 	snop;
	(pc) =	sbr.ind lr, $3  }
0x3a: {  	_ = 	snop  }
0x3b: {  	_ = 	snop  }
0x3c: {  	p2 =	seq.s32 s10, $0x1;
	s10 =	sld [smem:$0x3FA9]  }
0x3d: {  	_ =	shalt  }
0x3e: {  	_ =	shalt  }
0x3f: {  	_ =	shalt  }
0x40: {  	_ =	shalt  }
0x41: {  	_ =	shalt  }
0x42: {  	_ =	shalt  }
0x43: {  	_ =	shalt  }
0x44: {  	_ =	shalt  }
0x45: {  	_ =	shalt  }
0x46: {  	_ =	shalt  }
0x47: {  	_ =	shalt  }
0x48: {  	_ =	shalt  }
0x49: {  	_ =	shalt  }
0x4a: {  	_ =	shalt  }
0x4b: {  	_ =	shalt  }
0x4c: {  	_ =	shalt  }
0x4d: {  	_ =	shalt  }
0x4e: {  	_ =	shalt  }
0x4f: {  	_ =	shalt  }
0x50: {  	_ =	shalt  }
0x51: {  	_ =	shalt  }
0x52: {  	_ =	shalt  }
0x53: {  	_ =	shalt  }
0x54: {  	_ =	shalt  }
0x55: {  	_ =	shalt  }
0x56: {  	_ =	shalt  }
0x57: {  	_ =	shalt  }
0x58: {  	_ =	shalt  }
0x59: {  	_ =	shalt  }
0x5a: {  	_ =	shalt  }
0x5b: {  	_ =	shalt  }
0x5c: {  	_ =	shalt  }
0x5d: {  	_ =	shalt  }
0x5e: {  	_ =	shalt  }
0x5f: {  	_ =	shalt  }
0x60: {  	_ =	shalt  }
0x61: {  	_ =	shalt  }
0x62: {  	_ =	shalt  }
0x63: {  	_ =	shalt  }
0x64: {  	_ =	shalt  }
0x65: {  	_ =	shalt  }
0x66: {  	_ =	shalt  }
0x67: {  	_ =	shalt  }
0x68: {  	_ =	shalt  }
0x69: {  	_ =	shalt  }
0x6a: {  	_ =	shalt  }
0x6b: {  	_ =	shalt  }
0x6c: {  	_ =	shalt  }
0x6d: {  	_ =	shalt  }
0x6e: {  	_ =	shalt  }
0x6f: {  	_ =	shalt  }
0x70: {  	_ =	shalt  }
0x71: {  	_ =	shalt  }
0x72: {  	_ =	shalt  }
0x73: {  	_ =	shalt  }
0x74: {  	_ =	shalt  }
0x75: {  	_ =	shalt  }
0x76: {  	_ =	shalt  }
0x77: {  	_ =	shalt  }
0x78: {  	_ =	shalt  }
0x79: {  	_ =	shalt  }
0x7a: {  	_ =	shalt  }
0x7b: {  	_ =	shalt  }
0x7c: {  	_ =	shalt  }
0x7d: {  	_ =	shalt  }
0x7e: {  	_ =	shalt  }
0x7f: {  	_ =	shalt  }
0x80: {  	_ =	shalt  }
0x81: {  	_ =	shalt  }
0x82: {  	_ =	shalt  }
0x83: {  	_ =	shalt  }
0x84: {  	_ =	shalt  }
0x85: {  	_ =	shalt  }
0x86: {  	_ =	shalt  }
0x87: {  	_ =	shalt  }
.Lfunc_end0:
.L_simem_size_0:
called_computation.2_lowered:
.L_overlay_start_0:
0x88: {  	s2 =	sld [smem:$0x3FD9]  }
0x89: {  	s3 =	sld [smem:$0x3FFE];
	_ =	sdelay $0x1  }
0x8a: {  	s1 =	srdreg.scid  }
0x8b: {  	s0 =	sand.u32 $0x1, s1  }
0x8c: {  	s16 =	sshll.u32 s0, $0xA;
	s2 =	sadd.s32 s3, s2  }
0x8d: {  	s2 =	sadd.s32 s2, s16  }
0x8e: {  	[smem:$0x3FB5] =	sst s2  }
0x8f: {  	_ = 	snop  }
0x90: {  	(tm) =	ssettm $0x1  }
0x91: {  	s17 =	sld [smem:$0x3FFB];
	_ =	sdelay $0x3  }
0x92: {  	_ =	strace s17  }
0x93: {  	s2 =	sld [smem:$0x3FFC];
	_ =	sdelay $0x3  }
0x94: {  	_ =	strace s2  }
0x95: {  	s2 =	sld [smem:$0x3FFD];
	_ =	sdelay $0x3  }
0x96: {  	_ =	strace s2  }
0x97: {  	_ =	strace $0x8FFFFFFF  }
0x98: {  	s18 =	sld [smem:$0x3FDB];
	_ =	sdelay $0x1  }
0x99: {  	s19 =	simm.s32 $_scs_section_size  }
0x9a: {  	s4 =	simm.s32 $_size__tile_overlayer_lowered;
	s5 =	simm.s32 $_tile_overlayer_lowered  }
0x9b: {  	s22 =	simm.s32 $0x1BFF;
	s21 =	sshll.u32 s5, $0x1;
	s2 =	sadd.s32 s19, s18  }
0x9c: {  	s6 =	simm.s32 $0x0;
	s20 =	sshll.u32 s4, $0x1;
	s4 =	sadd.s32 s21, s2  }
0x9d: {  	[timem:s6], [sflag:s22] =	dma.local [hbm:s4], s20  }
0x9e: {  	_ =	swait.ge [sflag:s22], s20  }
0x9f: {  	s3 =	ssub.s32 $0x0, s20;
	[sflag:s22] =	ssyncset.done $0x0  }
0xa0: {  	[sflag:s22] =	ssyncadd.s32 s3;
	_ =	sdelay $0x1  }
0xa1: {  	s23 =	simm.s32 $0x1B8B  }
0xa2: {  	_ =	swait.ge [sflag:s23], $0x1  }
0xa3: {  	[sflag:s23] =	ssyncset.done $0x0  }
0xa4: {  	s25 =	simm.s32 $0x1B8E;
	s24 =	sld [smem:$0x3FFE];
	[sflag:s23] =	ssyncadd.s32 $0xFFFFFFFF  }
0xa5: {  	s26 =	simm.s32 $execute0_lowered;
	[smem:$0x3FD2] =	sst s25  }
0xa6: {  	s4 =	sshll.u32 s26, $0x1;
	_ =	strace $0x8000004C;
	[dreg:$0x1] =	wrdreg $0xFFFFFFFF  }
0xa7: {  	s28 =	simm.s32 $_size_execute0_lowered;
	s2 =	sadd.s32 s2, s4;
	[dreg:$0x0] =	wrdreg $0x0  }
0xa8: {  	s4 =	sshll.u32 s28, $0x1;
	[dreg:$0x2] =	wrdreg s2  }
0xa9: {  	[dreg:$0x3] =	wrdreg s4  }
0xaa: {  	[dreg:$0x4] =	wrdreg $0xC0  }
0xab: {  	_ =	task [dreg:s6], $0x5FFFF  }
0xac: {  	[dreg:$0x1] =	wrdreg $0xFFFFFFFF  }
0xad: {  	[dreg:$0x0] =	wrdreg $0x60  }
0xae: {  	[dreg:$0x2] =	wrdreg s24  }
0xaf: {  	[dreg:$0x3] =	wrdreg $0x91800  }
0xb0: {  	[dreg:$0x4] =	wrdreg $0x9  }
0xb1: {  	_ =	task.clear_ibuf [dreg:s6], $0x5FFFF;
	_ =	strace $0x9000004C  }
0xb2: {  	s29 =	simm.s32 $0x9;
	_ =	strace $0x8000004E  }
0xb3: {  	_ =	swait.ge [sflag:s29], $0x1  }
0xb4: {  	[sflag:s29] =	ssyncadd.s32 $0xFFFFFFFF  }
0xb5: {  	_ =	strace $0x9000004E  }
0xb6: {  	_ =	sfence  }
0xb7: {  	s30 =	sld [smem:$0x0];
	_ =	sdelay $0x2  }
0xb8: {  	s31 =	sshll.u32 s1, $0xD;
	s1 =	sshrl.u32 s1, $0x2  }
0xb9: {  	s3 =	sand.u32 $0x4000, s31;
	s1 =	sadd.s32 s1, s30  }
0xba: {  	s0 =	sor.u32 s3, s0;
	s1 =	sshll.u32 s1, $0x11  }
0xbb: {  	s0 =	sor.u32 s1, s0  }
0xbc: {  	s0 =	sadd.s32 $0x8F2B, s0  }
0xbd: {  	[sflag:s0] =	ssyncadd.remote.s32 $0x1  }
0xbe: {  	_ =	sfence.sel $0xFFFF  }
0xbf: {  	[dreg:$0x0] =	wrdreg $0xFFFFFFFF;
	(pc) =	sbr.abs _section_cstart, $3  }
0xc0: {  	[dreg:$0x1] =	wrdreg $0xFFFFFFFF  }
0xc1: {  	_ =	task.clear_ibuf [dreg:s6], $0x2FFFF;
	_ =	strace $0x9FFFFFFF  }
0xc2: {  	(tm) =	ssettm $0x7FFFFFFF  }
0xc3: {  	_ =	shalt  }
tec
execute0_lowered:
.L_overlay_start_1:
0x0: {  	(tag) =	ssettag $0x1  }
0x1: {  	s0 =	srdreg.scid;
	s7 =	rddreg [dreg:$0x0]  }
0x2: {  	s28 =	stileid.u32;
	s2 =	rddreg [dreg:$0x1];
	s3 =	simm.s32 $0x0  }
0x3: {  	s16 =	simm.s32 $0x5180;
	s17 =	simm.s32 $0x2;
	s18 =	simm.s32 $0x2800  }
0x4: {  	s19 =	simm.s32 $0x80;
	s20 =	simm.s32 $0x5000;
	s21 =	simm.s32 $0x1  }
0x5: {  	s22 =	simm.s32 $0x5080;
	s23 =	simm.s32 $0x5100;
	s8 =	smul.u32 $0x500, s28  }
0x6: {  	s24 =	simm.s32 $0x0;
	s6 =	sand.u32 $0x1, s0;
	s29 =	smul.u32 $0x50000, s28  }
0x7: {  	[smem:$0x7FF] =	sst s3;
	s14 =	smul.u32 $0x2800, s28;
	s1 =	sshll.u32 s6, $0x4  }
0x8: {  	_ =	strace $0x8000004D;
	s9 =	smul.u32 $0x28000, s6;
	s30 =	ssub.s32 $0x2, s6  }
0x9: {  	s6 =	smul.u32 $0x280, s28;
	s4 =	sor.u32 s28, s1;
	s11 =	sadd.s32 s8, s7  }
0xa: {  	s31 =	sshrl.u32 s30, $0x1;
	s8 =	sshrl.u32 s29, $0x2;
	s5 =	smul.u32 $0x500, s4  }
0xb: {  	s4 =	sadd.s32 $0xA200, s7;
	s13 =	sadd.s32 s9, s7;
	s12 =	ssub.s32 s30, s31  }
0xc: {  	s9 =	sadd.s32 $0x4A00, s11;
	s15 =	sadd.s32 s14, s13;
	s10 =	sadd.s32 s5, s7  }
0xd: {  	s5 =	sadd.s32 $0x9A00, s7;
	s7 =	sadd.s32 s8, s2;
	s15 =	sadd.s32 $0x8CA00, s15  }
0xe: {  	s8 =	sadd.s32 $0x82A00, s10;
	s10 =	smax.u32 s12, $0x1;
	s11 =	sadd.s32 $0x4000, s7  }
0xf: {  	v0 =	vlaneseq.u32;
	s12 =	sadd.s32 $0x8000, s7;
	s13 =	sadd.s32 $0xC000, s7;
	s14 =	sadd.s32 $0x10000, s7  }
.LBB2_1:
0x10: {  	[tilespmem:s16], [sflag:$0x2] =	stream.linear.gather [hbm4b:s5+s3], $0x4000, $0x38;
	[tilespmem:$0x1D180] =	vst v63  }
0x11: {  	_ =	swait.ge [sflag:s17], $0x4000  }
0x12: {  	[sflag:s17] =	ssyncset.done $0x0  }
0x13: {  	[sflag:s17] =	ssyncadd.s32 $0xFFFFC000  }
0x14: {  	[spmem:s7] =	stream.linear.scatter [tilespmem:s16], [sflag:$0x2], $0x4000, $0x38;
	[tilespmem:$0x1D180] =	vst v63  }
0x15: {  	_ =	swait.ge [sflag:s17], $0x4000  }
0x16: {  	[sflag:s17] =	ssyncset.done $0x0  }
0x17: {  	[sflag:s17] =	ssyncadd.s32 $0xFFFFC000  }
0x18: {  	[spmem:s11] =	stream.linear.scatter [tilespmem:s16], [sflag:$0x2], $0x4000, $0x38;
	[tilespmem:$0x1D180] =	vst v63  }
0x19: {  	_ =	swait.ge [sflag:s17], $0x4000  }
0x1a: {  	[sflag:s17] =	ssyncset.done $0x0  }
0x1b: {  	[sflag:s17] =	ssyncadd.s32 $0xFFFFC000  }
0x1c: {  	[spmem:s12] =	stream.linear.scatter [tilespmem:s16], [sflag:$0x2], $0x4000, $0x38;
	[tilespmem:$0x1D180] =	vst v63  }
0x1d: {  	_ =	swait.ge [sflag:s17], $0x4000  }
0x1e: {  	[sflag:s17] =	ssyncset.done $0x0  }
0x1f: {  	[sflag:s17] =	ssyncadd.s32 $0xFFFFC000  }
0x20: {  	[spmem:s13] =	stream.linear.scatter [tilespmem:s16], [sflag:$0x2], $0x4000, $0x38;
	[tilespmem:$0x1D180] =	vst v63  }
0x21: {  	_ =	swait.ge [sflag:s17], $0x4000  }
0x22: {  	[sflag:s17] =	ssyncset.done $0x0  }
0x23: {  	[sflag:s17] =	ssyncadd.s32 $0xFFFFC000  }
0x24: {  	[spmem:s14] =	stream.linear.scatter [tilespmem:s16], [sflag:$0x2], $0x4000, $0x38;
	[tilespmem:$0x1D180] =	vst v63  }
0x25: {  	_ =	swait.ge [sflag:s17], $0x4000  }
0x26: {  	[sflag:s17] =	ssyncset.done $0x0  }
0x27: {  	[sflag:s17] =	ssyncadd.s32 $0xFFFFC000  }
0x28: {  	[tilespmem:s3], [sflag:$0x2] =	stream.linear.gather [hbm4b:s8+s3], $0x2800, $0x38;
	[tilespmem:$0x1D180] =	vst v63  }
0x29: {  	_ =	swait.ge [sflag:s17], $0x2800  }
0x2a: {  	[sflag:s17] =	ssyncset.done $0x0  }
0x2b: {  	[sflag:s17] =	ssyncadd.s32 $0xFFFFD800  }
0x2c: {  	[tilespmem:s18], [sflag:$0x2] =	stream.linear.gather [hbm4b:s9+s3], $0x2800, $0x38;
	[tilespmem:$0x1D180] =	vst v63  }
0x2d: {  	_ =	swait.ge [sflag:s17], $0x2800  }
0x2e: {  	[sflag:s17] =	ssyncset.done $0x0  }
0x2f: {  	[sflag:s17] =	ssyncadd.s32 $0xFFFFD800  }
0x30: {  	s25 =	simm.s32 $0x0;
	[bflag:$0x0] =	sbarrier.arrive $0xFFFF  }
0x31: {  	v1 =	vld [tilespmem:s25+$0x0];
	_ =	sdelay $0x4  }
0x32: {  	[tilespmem:$0x5000] =	vst v1  }
0x33: {  	v1 =	vld [tilespmem:s25+$0x2800];
	_ =	sdelay $0x4  }
0x34: {  	[tilespmem:$0x5080] =	vst v1  }
0x35: {  	v1 =	vld [tilespmem:s25+$0x10];
	_ =	sdelay $0x4  }
0x36: {  	[tilespmem:$0x5010] =	vst v1  }
0x37: {  	v1 =	vld [tilespmem:s25+$0x2810];
	_ =	sdelay $0x4  }
0x38: {  	[tilespmem:$0x5090] =	vst v1  }
0x39: {  	v1 =	vld [tilespmem:s25+$0x20];
	_ =	sdelay $0x4  }
0x3a: {  	[tilespmem:$0x5020] =	vst v1  }
0x3b: {  	v1 =	vld [tilespmem:s25+$0x2820];
	_ =	sdelay $0x4  }
0x3c: {  	[tilespmem:$0x50A0] =	vst v1  }
0x3d: {  	v1 =	vld [tilespmem:s25+$0x30];
	_ =	sdelay $0x4  }
0x3e: {  	[tilespmem:$0x5030] =	vst v1  }
0x3f: {  	v1 =	vld [tilespmem:s25+$0x2830];
	_ =	sdelay $0x4  }
0x40: {  	[tilespmem:$0x50B0] =	vst v1  }
0x41: {  	v1 =	vld [tilespmem:s25+$0x40];
	_ =	sdelay $0x4  }
0x42: {  	[tilespmem:$0x5040] =	vst v1  }
0x43: {  	v1 =	vld [tilespmem:s25+$0x2840];
	_ =	sdelay $0x4  }
0x44: {  	[tilespmem:$0x50C0] =	vst v1  }
0x45: {  	v1 =	vld [tilespmem:s25+$0x50];
	_ =	sdelay $0x4  }
0x46: {  	[tilespmem:$0x5050] =	vst v1  }
0x47: {  	v1 =	vld [tilespmem:s25+$0x2850];
	_ =	sdelay $0x4  }
0x48: {  	[tilespmem:$0x50D0] =	vst v1  }
0x49: {  	v1 =	vld [tilespmem:s25+$0x60];
	_ =	sdelay $0x4  }
0x4a: {  	[tilespmem:$0x5060] =	vst v1  }
0x4b: {  	v1 =	vld [tilespmem:s25+$0x2860];
	_ =	sdelay $0x4  }
0x4c: {  	[tilespmem:$0x50E0] =	vst v1  }
0x4d: {  	v1 =	vld [tilespmem:s25+$0x70];
	_ =	sdelay $0x4  }
0x4e: {  	[tilespmem:$0x5070] =	vst v1  }
0x4f: {  	v1 =	vld [tilespmem:s25+$0x2870];
	_ =	sdelay $0x4  }
0x50: {  	[tilespmem:$0x50F0] =	vst v1  }
0x51: {  	[tilespmem:s16], [sflag:$0x1] =	stream.indirect.gather [hbm4b:s4+s19], $0x80, s20, s19, $0xb8;
	[tilespmem:$0x1D180] =	vst v63  }
0x52: {  	_ =	swait.ge [sflag:s21], $0x4000  }
0x53: {  	[sflag:s21] =	ssyncset.done $0x0  }
0x54: {  	[sflag:s21] =	ssyncadd.s32 $0xFFFFC000  }
0x55: {  	[spmem:s2] =	stream.indirect.scatter.add.f32 [tilespmem:s16], [sflag:$0x2], $0x80, s22, s19, $0xb8;
	[tilespmem:$0x1D180] =	vst v63  }
0x56: {  	_ =	swait.ge [sflag:s17], $0x4000  }
0x57: {  	s29 =	simm.s32 $0x400;
	s25 =	simm.s32 $0x200;
	[sflag:s17] =	ssyncset.done $0x0  }
.LBB2_2:
0x58: {  	s28 =	sshra.s32 s25, $0x2  }
0x59: {  	[sflag:s17] =	ssyncadd.s32 $0xFFFFC000;
	s25 =	smov.u32 s29;
	s26 =	sadd.s32 $0x200, s29  }
0x5a: {  	p0 =	sne.s32 s29, $0x9E00;
	v1 =	vld [tilespmem:s28+$0x0];
	_ =	sdelay $0x4  }
0x5b: {  	[tilespmem:$0x5000] =	vst v1  }
0x5c: {  	v1 =	vld [tilespmem:s28+$0x2800];
	_ =	sdelay $0x4  }
0x5d: {  	[tilespmem:$0x5080] =	vst v1  }
0x5e: {  	v1 =	vld [tilespmem:s28+$0x10];
	_ =	sdelay $0x4  }
0x5f: {  	[tilespmem:$0x5010] =	vst v1  }
0x60: {  	v1 =	vld [tilespmem:s28+$0x2810];
	_ =	sdelay $0x4  }
0x61: {  	[tilespmem:$0x5090] =	vst v1  }
0x62: {  	v1 =	vld [tilespmem:s28+$0x20];
	_ =	sdelay $0x4  }
0x63: {  	[tilespmem:$0x5020] =	vst v1  }
0x64: {  	v1 =	vld [tilespmem:s28+$0x2820];
	_ =	sdelay $0x4  }
0x65: {  	[tilespmem:$0x50A0] =	vst v1  }
0x66: {  	v1 =	vld [tilespmem:s28+$0x30];
	_ =	sdelay $0x4  }
0x67: {  	[tilespmem:$0x5030] =	vst v1  }
0x68: {  	v1 =	vld [tilespmem:s28+$0x2830];
	_ =	sdelay $0x4  }
0x69: {  	[tilespmem:$0x50B0] =	vst v1  }
0x6a: {  	v1 =	vld [tilespmem:s28+$0x40];
	_ =	sdelay $0x4  }
0x6b: {  	[tilespmem:$0x5040] =	vst v1  }
0x6c: {  	v1 =	vld [tilespmem:s28+$0x2840];
	_ =	sdelay $0x4  }
0x6d: {  	[tilespmem:$0x50C0] =	vst v1  }
0x6e: {  	v1 =	vld [tilespmem:s28+$0x50];
	_ =	sdelay $0x4  }
0x6f: {  	[tilespmem:$0x5050] =	vst v1  }
0x70: {  	v1 =	vld [tilespmem:s28+$0x2850];
	_ =	sdelay $0x4  }
0x71: {  	[tilespmem:$0x50D0] =	vst v1  }
0x72: {  	v1 =	vld [tilespmem:s28+$0x60];
	_ =	sdelay $0x4  }
0x73: {  	[tilespmem:$0x5060] =	vst v1  }
0x74: {  	v1 =	vld [tilespmem:s28+$0x2860];
	_ =	sdelay $0x4  }
0x75: {  	[tilespmem:$0x50E0] =	vst v1  }
0x76: {  	v1 =	vld [tilespmem:s28+$0x70];
	_ =	sdelay $0x4  }
0x77: {  	[tilespmem:$0x5070] =	vst v1  }
0x78: {  	v1 =	vld [tilespmem:s28+$0x2870];
	_ =	sdelay $0x4  }
0x79: {  	[tilespmem:$0x50F0] =	vst v1  }
0x7a: {  	[tilespmem:s16], [sflag:$0x1] =	stream.indirect.gather [hbm4b:s4+s19], $0x80, s20, s19, $0xb8;
	[tilespmem:$0x1D180] =	vst v63  }
0x7b: {  	_ =	swait.ge [sflag:s21], $0x4000  }
.Ltmp0:
0x7c: {  	[sflag:s21] =	ssyncset.done $0x0;
	(pc) =	sbr.rel @p0 .LBB2_2-.Ltmp0, $4  }
0x7d: {  	[sflag:s21] =	ssyncadd.s32 $0xFFFFC000  }
0x7e: {  	[spmem:s2] =	stream.indirect.scatter.add.f32 [tilespmem:s16], [sflag:$0x2], $0x80, s22, s19, $0xb8;
	[tilespmem:$0x1D180] =	vst v63  }
0x7f: {  	_ =	swait.ge [sflag:s17], $0x4000  }
0x80: {  	s29 =	smov.u32 s26;
	[sflag:s17] =	ssyncset.done $0x0  }
0x81: {  	s25 =	sshra.s32 s25, $0x2;
	[sflag:s17] =	ssyncadd.s32 $0xFFFFC000  }
0x82: {  	v1 =	vld [tilespmem:s25+$0x0];
	_ =	sdelay $0x4  }
0x83: {  	[tilespmem:$0x5000] =	vst v1  }
0x84: {  	v1 =	vld [tilespmem:s25+$0x2800];
	_ =	sdelay $0x4  }
0x85: {  	[tilespmem:$0x5080] =	vst v1  }
0x86: {  	v1 =	vld [tilespmem:s25+$0x10];
	_ =	sdelay $0x4  }
0x87: {  	[tilespmem:$0x5010] =	vst v1  }
0x88: {  	v1 =	vld [tilespmem:s25+$0x2810];
	_ =	sdelay $0x4  }
0x89: {  	[tilespmem:$0x5090] =	vst v1  }
0x8a: {  	v1 =	vld [tilespmem:s25+$0x20];
	_ =	sdelay $0x4  }
0x8b: {  	[tilespmem:$0x5020] =	vst v1  }
0x8c: {  	v1 =	vld [tilespmem:s25+$0x2820];
	_ =	sdelay $0x4  }
0x8d: {  	[tilespmem:$0x50A0] =	vst v1  }
0x8e: {  	v1 =	vld [tilespmem:s25+$0x30];
	_ =	sdelay $0x4  }
0x8f: {  	[tilespmem:$0x5030] =	vst v1  }
0x90: {  	v1 =	vld [tilespmem:s25+$0x2830];
	_ =	sdelay $0x4  }
0x91: {  	[tilespmem:$0x50B0] =	vst v1  }
0x92: {  	v1 =	vld [tilespmem:s25+$0x40];
	_ =	sdelay $0x4  }
0x93: {  	[tilespmem:$0x5040] =	vst v1  }
0x94: {  	v1 =	vld [tilespmem:s25+$0x2840];
	_ =	sdelay $0x4  }
0x95: {  	[tilespmem:$0x50C0] =	vst v1  }
0x96: {  	v1 =	vld [tilespmem:s25+$0x50];
	_ =	sdelay $0x4  }
0x97: {  	[tilespmem:$0x5050] =	vst v1  }
0x98: {  	v1 =	vld [tilespmem:s25+$0x2850];
	_ =	sdelay $0x4  }
0x99: {  	[tilespmem:$0x50D0] =	vst v1  }
0x9a: {  	v1 =	vld [tilespmem:s25+$0x60];
	_ =	sdelay $0x4  }
0x9b: {  	[tilespmem:$0x5060] =	vst v1  }
0x9c: {  	v1 =	vld [tilespmem:s25+$0x2860];
	_ =	sdelay $0x4  }
0x9d: {  	[tilespmem:$0x50E0] =	vst v1  }
0x9e: {  	v1 =	vld [tilespmem:s25+$0x70];
	_ =	sdelay $0x4  }
0x9f: {  	[tilespmem:$0x5070] =	vst v1  }
0xa0: {  	v1 =	vld [tilespmem:s25+$0x2870];
	_ =	sdelay $0x4  }
0xa1: {  	[tilespmem:$0x50F0] =	vst v1  }
0xa2: {  	[tilespmem:s16], [sflag:$0x1] =	stream.indirect.gather [hbm4b:s4+s19], $0x80, s20, s19, $0xb8;
	[tilespmem:$0x1D180] =	vst v63  }
0xa3: {  	_ =	swait.ge [sflag:s21], $0x4000  }
0xa4: {  	[sflag:s21] =	ssyncset.done $0x0  }
0xa5: {  	[sflag:s21] =	ssyncadd.s32 $0xFFFFC000  }
0xa6: {  	[spmem:s2] =	stream.indirect.scatter.add.f32 [tilespmem:s16], [sflag:$0x2], $0x80, s22, s19, $0xb8;
	[tilespmem:$0x1D180] =	vst v63  }
0xa7: {  	_ =	swait.ge [sflag:s17], $0x4000  }
0xa8: {  	[sflag:s17] =	ssyncset.done $0x0  }
0xa9: {  	s1 =	sadd.s32 $0x0, s6;
	[sflag:s17] =	ssyncadd.s32 $0xFFFFC000  }
0xaa: {  	s28 =	sadd.s32 $0x20, s1;
	v1 =	vor.u32 s1, v0;
	[bflag:$0x0] =	sbarrier.arrive $0xFFFF  }
0xab: {  	s26 =	sadd.s32 $0x10, s1;
	v2 =	vor.u32 s28, v0;
	[tilespmem:$0x5100] =	vst v1  }
0xac: {  	s28 =	sadd.s32 $0x40, s1;
	v1 =	vor.u32 s26, v0;
	[tilespmem:$0x5120] =	vst v2  }
0xad: {  	s29 =	sadd.s32 $0x70, s1;
	v2 =	vor.u32 s28, v0;
	[tilespmem:$0x5110] =	vst v1  }
0xae: {  	s25 =	sadd.s32 $0x30, s1;
	v1 =	vor.u32 s29, v0;
	[tilespmem:$0x5140] =	vst v2  }
0xaf: {  	s30 =	sadd.s32 $0x50, s1;
	v2 =	vor.u32 s25, v0;
	[tilespmem:$0x5170] =	vst v1  }
0xb0: {  	s31 =	sadd.s32 $0x60, s1;
	v1 =	vor.u32 s30, v0;
	[tilespmem:$0x5130] =	vst v2  }
0xb1: {  	[tilespmem:$0x5150] =	vst v1;
	v1 =	vor.u32 s31, v0  }
0xb2: {  	s28 =	smov.u32 s15;
	s26 =	smov.u32 s15;
	s25 =	simm.s32 $0x80;
	[tilespmem:$0x5160] =	vst v1  }
0xb3: {  	[tilespmem:s16], [sflag:$0x1] =	stream.indirect.gather [spmem:s2], $0x80, s23, s19, $0xb8;
	[tilespmem:$0x1D180] =	vst v63  }
.LBB2_4:
0xb4: {  	p0 =	sne.s32 s25, $0x200;
	_ =	swait.ge [sflag:s21], $0x4000;
	s28 =	sadd.s32 $0x800, s28  }
0xb5: {  	s29 =	smov.u32 s25;
	s25 =	sadd.s32 $0x80, s25;
	[sflag:s21] =	ssyncset.done $0x0  }
0xb6: {  	[sflag:s21] =	ssyncadd.s32 $0xFFFFC000  }
0xb7: {  	[hbm4b:s26+s3] =	stream.linear.scatter [tilespmem:s16], [sflag:$0x2], $0x4000, $0x38;
	[tilespmem:$0x1D180] =	vst v63  }
0xb8: {  	s26 =	smov.u32 s28;
	_ =	swait.ge [sflag:s17], $0x4000  }
0xb9: {  	s29 =	sadd.s32 s29, s6;
	[sflag:s17] =	ssyncset.done $0x0  }
0xba: {  	v1 =	vor.u32 s29, v0;
	s30 =	sadd.s32 $0x10, s29;
	s31 =	sadd.s32 $0x20, s29;
	[sflag:s17] =	ssyncadd.s32 $0xFFFFC000  }
0xbb: {  	s1 =	sadd.s32 $0x70, s29;
	v2 =	vor.u32 s31, v0;
	s31 =	sadd.s32 $0x50, s29;
	[tilespmem:$0x5100] =	vst v1;
	v1 =	vor.u32 s30, v0;
	s30 =	sadd.s32 $0x40, s29  }
0xbc: {  	s0 =	sadd.s32 $0x30, s29;
	v4 =	vor.u32 s1, v0;
	v3 =	vor.u32 s31, v0;
	s29 =	sadd.s32 $0x60, s29;
	[tilespmem:$0x5110] =	vst v1;
	v1 =	vor.u32 s30, v0  }
0xbd: {  	v5 =	vor.u32 s0, v0;
	v6 =	vor.u32 s29, v0;
	[tilespmem:$0x5170] =	vst v4  }
0xbe: {  	[tilespmem:$0x5120] =	vst v2  }
.Ltmp1:
0xbf: {  	[tilespmem:$0x5150] =	vst v3;
	(pc) =	sbr.rel @p0 .LBB2_4-.Ltmp1, $4  }
0xc0: {  	[tilespmem:$0x5140] =	vst v1  }
0xc1: {  	[tilespmem:$0x5160] =	vst v6  }
0xc2: {  	[tilespmem:$0x5130] =	vst v5  }
0xc3: {  	[tilespmem:s16], [sflag:$0x1] =	stream.indirect.gather [spmem:s2], $0x80, s23, s19, $0xb8;
	[tilespmem:$0x1D180] =	vst v63  }
0xc4: {  	_ =	swait.ge [sflag:s21], $0x4000;
	s24 =	sadd.s32 $0x1, s24  }
0xc5: {  	[sflag:s21] =	ssyncset.done $0x0;
	p0 =	sne.s32 s24, s10  }
.Ltmp2:
0xc6: {  	[sflag:s21] =	ssyncadd.s32 $0xFFFFC000;
	(pc) =	sbr.rel @p0 .LBB2_1-.Ltmp2, $4  }
0xc7: {  	[hbm4b:s26+s3] =	stream.linear.scatter [tilespmem:s16], [sflag:$0x2], $0x4000, $0x38;
	[tilespmem:$0x1D180] =	vst v63  }
0xc8: {  	_ =	swait.ge [sflag:s17], $0x4000  }
0xc9: {  	[sflag:s17] =	ssyncset.done $0x0  }
0xca: {  	[sflag:s17] =	ssyncadd.s32 $0xFFFFC000  }
0xcb: {  	_ =	sfence.sel $0x180000  }
0xcc: {  	[bflag:$0x0] =	sbarrier.arrive $0xFFFF  }
0xcd: {  	_ =	strace $0x9000004D  }
0xce: {  	s0 =	stileid.u32;
	[bflag:$0x2] =	sbarrier.arrive $0xFFFF  }
0xcf: {  	p0 =	sne.s32 s0, $0x0;
	s0 =	rddreg [dreg:$0x2]  }
0xd0: {  	s0 =	sadd.s32 @!p0 $0x100000, s0  }
0xd1: {  	[sflag:s0] =	ssyncadd.tile.s32 @!p0 $0x1;
	_ =	shalt  }
.Lfunc_end2:
_tile_overlayer_lowered:
.L_overlay_start_2:
0xd2: {  	(tag) =	ssettag $0x2  }
0xd3: {  	s0 =	rddreg [dreg:$0x0];
	s2 =	stileid.u32  }
0xd4: {  	s1 =	rddreg [dreg:$0x1];
	p0 =	sne.s32 s2, $0x0  }
0xd5: {  	s3 =	rddreg [dreg:$0x2];
	[bflag:$0x3] =	sbarrier.arrive $0xFFFF;
	s2 =	simm.s32 @!p0 $0x1C02  }
0xd6: {  	[timem:s3], [sflag:s2] =	dma.local @!p0 [hbm:s0], s1  }
0xd7: {  	s0 =	simm.s32 @!p0 $0x2  }
0xd8: {  	_ =	swait.ge @!p0 [sflag:s0], s1  }
0xd9: {  	s1 =	ssub.s32 @!p0 $0x0, s1;
	[sflag:s0] =	ssyncset.done @!p0 $0x0  }
0xda: {  	[sflag:s0] =	ssyncadd.s32 @!p0 s1  }
0xdb: {  	[bflag:$0x3] =	sbarrier.arrive $0xFFFF  }
0xdc: {  	_ =	shalt  }

// kernel: kernel.22.cloned.1.call-start
scs
__scs_entry_jumppad:
0x0: {  	(pc) =	sbr.rel $0x88, $3  }
0x1: {  	(tag) =	ssettag $0x0;
	lr =	simm.s32 $0x1  }
0x2: {  	[smem:$0x3F8E] =	sst lr;
	_ =	strace $0xD0000000  }
0x3: {  	_ = 	snop  }
0x4: {  	_ = 	snop  }
0x5: {  	_ = 	snop  }
0x6: {  	_ = 	snop  }
0x7: {  	_ = 	snop  }
__scs_overlays_trampoline_lowered:
0x8: {  	[smem:$0x3F9D] =	sst s0  }
0x9: {  	[smem:$0x3F9E] =	sst s1  }
0xa: {  	[smem:$0x3F9F] =	sst s2  }
0xb: {  	[smem:$0x3FA0] =	sst s3  }
0xc: {  	[smem:$0x3FA1] =	sst s4  }
0xd: {  	[smem:$0x3FA2] =	sst s5  }
0xe: {  	[smem:$0x3FA3] =	sst s6  }
0xf: {  	[smem:$0x3FA4] =	sst s7  }
0x10: {  	[smem:$0x3FA5] =	sst s8  }
0x11: {  	[smem:$0x3FA6] =	sst s9;
	s0 =	simm.s32 @!p0 $0x0  }
0x12: {  	s1 =	sld [smem:$0x3F8C];
	s0 =	simm.s32 @p0 $0x1  }
0x13: {  	[smem:$0x3FA7] =	sst s0;
	s0 =	simm.s32 @!p1 $0x0  }
0x14: {  	s2 =	sld [smem:$0x3F8B];
	s0 =	simm.s32 @p1 $0x1  }
0x15: {  	[smem:$0x3FA8] =	sst s0;
	s0 =	simm.s32 @!p2 $0x0  }
0x16: {  	s3 =	sld [smem:$0x3FDB];
	s0 =	simm.s32 @p2 $0x1  }
0x17: {  	s4 =	simm.s32 $0x1BF5;
	[smem:$0x3FAA] =	sst s0  }
0x18: {  	s0 =	sld [smem:$0x3F8D];
	_ =	swait.ge [sflag:s4], $0x0  }
0x19: {  	s7 =	sld [smem:$0x3F8E]  }
0x1a: {  	s8 =	sadd.s32 $0xFFFFE003, lr  }
0x1b: {  	s9 =	sadd.s32 $0xFFFFFEF7, lr;
	s5 =	simm.s32 $0xFFFFFFFF;
	p2 =	slt.u32 s8, $0xFFFFF086  }
0x1c: {  	p1 =	slt.u32 s9, $0xF7A;
	s5 =	simm.s32 @!p2 $0x0  }
0x1d: {  	s5 =	simm.s32 @p1 $0x1;
	p0 =	seq.s32 s7, s2  }
0x1e: {  	s7 =	smul.u32 @!p0 $0xF7A, s2;
	p2 =	seq.s32 @!p0 s5, $0x0  }
0x1f: {  	s9 =	smul.u32 $0xF7A, s1;
	s8 =	simm.s32 @!p0 $0x1BF5;
	p2 =	por !p2, p0  }
0x20: {  	[sflag:s8] =	ssyncset.s32 @!p0 $0xFFFFF086;
	s6 =	sadd.s32 @!p0 s3, s7;
	s7 =	simm.s32 @!p0 $0x108  }
0x21: {  	s3 =	sadd.s32 s3, s9;
	s6 =	sadd.s32 @!p0 $0x88, s6;
	s7 =	simm.s32 @p2 $0x1082  }
0x22: {  	[simem:s7], [sflag:s8] =	dma.local @!p0 [hbm:s6], $0xF7A  }
0x23: {  	s9 =	sor.u32 $0xD0000000, s2;
	s6 =	simm.s32 $0x108;
	_ =	swait.ge @!p0 [sflag:s8], $0x0  }
0x24: {  	s3 =	sadd.s32 $0x88, s3;
	s6 =	simm.s32 @!p1 $0x1082;
	[sflag:s4] =	ssyncset.s32 $0xFFFFF086  }
0x25: {  	[simem:s6], [sflag:s4] =	dma.local [hbm:s3], $0xF7A  }
0x26: {  	[smem:$0x3F8E] =	sst s1;
	(tag) =	ssettag s2;
	_ =	strace s9  }
0x27: {  	s1 =	sld [smem:$0x3F9E]  }
0x28: {  	s2 =	sld [smem:$0x3F9F]  }
0x29: {  	s4 =	sld [smem:$0x3FA1]  }
0x2a: {  	p0 =	seq.s32 s5, $0x0;
	s5 =	sld [smem:$0x3FA2]  }
0x2b: {  	s6 =	sld [smem:$0x3FA3]  }
0x2c: {  	s7 =	sld [smem:$0x3FA4]  }
0x2d: {  	s3 =	simm.s32 $0x108;
	s8 =	sld [smem:$0x3FA5]  }
0x2e: {  	s3 =	simm.s32 @!p0 $0x1082;
	s9 =	sld [smem:$0x3FA6]  }
0x2f: {  	lr =	sadd.s32 s0, s3;
	s0 =	sld [smem:$0x3F9D]  }
0x30: {  	s3 =	sld [smem:$0x3FA0]  }
0x31: {  	[smem:$0x3FA9] =	sst s10  }
0x32: {  	s10 =	sld [smem:$0x3FA7];
	_ =	sdelay $0x3  }
0x33: {  	p0 =	seq.s32 s10, $0x1;
	s10 =	sld [smem:$0x3FA9];
	_ =	sdelay $0x3  }
0x34: {  	[smem:$0x3FA9] =	sst s10  }
0x35: {  	s10 =	sld [smem:$0x3FA8];
	_ =	sdelay $0x3  }
0x36: {  	p1 =	seq.s32 s10, $0x1;
	s10 =	sld [smem:$0x3FA9];
	_ =	sdelay $0x3  }
0x37: {  	[smem:$0x3FA9] =	sst s10  }
0x38: {  	s10 =	sld [smem:$0x3FAA]  }
0x39: {  	_ = 	snop;
	(pc) =	sbr.ind lr, $3  }
0x3a: {  	_ = 	snop  }
0x3b: {  	_ = 	snop  }
0x3c: {  	p2 =	seq.s32 s10, $0x1;
	s10 =	sld [smem:$0x3FA9]  }
0x3d: {  	_ =	shalt  }
0x3e: {  	_ =	shalt  }
0x3f: {  	_ =	shalt  }
0x40: {  	_ =	shalt  }
0x41: {  	_ =	shalt  }
0x42: {  	_ =	shalt  }
0x43: {  	_ =	shalt  }
0x44: {  	_ =	shalt  }
0x45: {  	_ =	shalt  }
0x46: {  	_ =	shalt  }
0x47: {  	_ =	shalt  }
0x48: {  	_ =	shalt  }
0x49: {  	_ =	shalt  }
0x4a: {  	_ =	shalt  }
0x4b: {  	_ =	shalt  }
0x4c: {  	_ =	shalt  }
0x4d: {  	_ =	shalt  }
0x4e: {  	_ =	shalt  }
0x4f: {  	_ =	shalt  }
0x50: {  	_ =	shalt  }
0x51: {  	_ =	shalt  }
0x52: {  	_ =	shalt  }
0x53: {  	_ =	shalt  }
0x54: {  	_ =	shalt  }
0x55: {  	_ =	shalt  }
0x56: {  	_ =	shalt  }
0x57: {  	_ =	shalt  }
0x58: {  	_ =	shalt  }
0x59: {  	_ =	shalt  }
0x5a: {  	_ =	shalt  }
0x5b: {  	_ =	shalt  }
0x5c: {  	_ =	shalt  }
0x5d: {  	_ =	shalt  }
0x5e: {  	_ =	shalt  }
0x5f: {  	_ =	shalt  }
0x60: {  	_ =	shalt  }
0x61: {  	_ =	shalt  }
0x62: {  	_ =	shalt  }
0x63: {  	_ =	shalt  }
0x64: {  	_ =	shalt  }
0x65: {  	_ =	shalt  }
0x66: {  	_ =	shalt  }
0x67: {  	_ =	shalt  }
0x68: {  	_ =	shalt  }
0x69: {  	_ =	shalt  }
0x6a: {  	_ =	shalt  }
0x6b: {  	_ =	shalt  }
0x6c: {  	_ =	shalt  }
0x6d: {  	_ =	shalt  }
0x6e: {  	_ =	shalt  }
0x6f: {  	_ =	shalt  }
0x70: {  	_ =	shalt  }
0x71: {  	_ =	shalt  }
0x72: {  	_ =	shalt  }
0x73: {  	_ =	shalt  }
0x74: {  	_ =	shalt  }
0x75: {  	_ =	shalt  }
0x76: {  	_ =	shalt  }
0x77: {  	_ =	shalt  }
0x78: {  	_ =	shalt  }
0x79: {  	_ =	shalt  }
0x7a: {  	_ =	shalt  }
0x7b: {  	_ =	shalt  }
0x7c: {  	_ =	shalt  }
0x7d: {  	_ =	shalt  }
0x7e: {  	_ =	shalt  }
0x7f: {  	_ =	shalt  }
0x80: {  	_ =	shalt  }
0x81: {  	_ =	shalt  }
0x82: {  	_ =	shalt  }
0x83: {  	_ =	shalt  }
0x84: {  	_ =	shalt  }
0x85: {  	_ =	shalt  }
0x86: {  	_ =	shalt  }
0x87: {  	_ =	shalt  }
.Lfunc_end0:
.L_simem_size_0:
called_computation.3_lowered:
.L_overlay_start_0:
0x88: {  	s2 =	sld [smem:$0x3FD9]  }
0x89: {  	s3 =	sld [smem:$0x3FFE];
	_ =	sdelay $0x1  }
0x8a: {  	s1 =	srdreg.scid  }
0x8b: {  	s0 =	sand.u32 $0x1, s1  }
0x8c: {  	s16 =	sshll.u32 s0, $0xA;
	s2 =	sadd.s32 s3, s2  }
0x8d: {  	s2 =	sadd.s32 s2, s16  }
0x8e: {  	[smem:$0x3FB5] =	sst s2  }
0x8f: {  	_ = 	snop  }
0x90: {  	(tm) =	ssettm $0x1  }
0x91: {  	s17 =	sld [smem:$0x3FFB];
	_ =	sdelay $0x3  }
0x92: {  	_ =	strace s17  }
0x93: {  	s2 =	sld [smem:$0x3FFC];
	_ =	sdelay $0x3  }
0x94: {  	_ =	strace s2  }
0x95: {  	s2 =	sld [smem:$0x3FFD];
	_ =	sdelay $0x3  }
0x96: {  	_ =	strace s2  }
0x97: {  	_ =	strace $0x8FFFFFFF  }
0x98: {  	s18 =	sld [smem:$0x3FDB];
	_ =	sdelay $0x1  }
0x99: {  	s19 =	simm.s32 $_scs_section_size  }
0x9a: {  	s4 =	simm.s32 $_size__tile_overlayer_lowered;
	s5 =	simm.s32 $_tile_overlayer_lowered  }
0x9b: {  	s22 =	simm.s32 $0x1BFF;
	s21 =	sshll.u32 s5, $0x1;
	s2 =	sadd.s32 s19, s18  }
0x9c: {  	s6 =	simm.s32 $0x0;
	s20 =	sshll.u32 s4, $0x1;
	s4 =	sadd.s32 s21, s2  }
0x9d: {  	[timem:s6], [sflag:s22] =	dma.local [hbm:s4], s20  }
0x9e: {  	_ =	swait.ge [sflag:s22], s20  }
0x9f: {  	s3 =	ssub.s32 $0x0, s20;
	[sflag:s22] =	ssyncset.done $0x0  }
0xa0: {  	[sflag:s22] =	ssyncadd.s32 s3;
	_ =	sdelay $0x1  }
0xa1: {  	s23 =	simm.s32 $0x1B8B  }
0xa2: {  	_ =	swait.ge [sflag:s23], $0x1  }
0xa3: {  	[sflag:s23] =	ssyncset.done $0x0  }
0xa4: {  	s25 =	simm.s32 $0x1B8E;
	s24 =	sld [smem:$0x3FFE];
	[sflag:s23] =	ssyncadd.s32 $0xFFFFFFFF  }
0xa5: {  	s26 =	simm.s32 $execute0_lowered;
	[smem:$0x3FD2] =	sst s25  }
0xa6: {  	s4 =	sshll.u32 s26, $0x1;
	_ =	strace $0x8000004F;
	[dreg:$0x1] =	wrdreg $0xFFFFFFFF  }
0xa7: {  	s28 =	simm.s32 $_size_execute0_lowered;
	s2 =	sadd.s32 s2, s4;
	[dreg:$0x0] =	wrdreg $0x0  }
0xa8: {  	s4 =	sshll.u32 s28, $0x1;
	[dreg:$0x2] =	wrdreg s2  }
0xa9: {  	[dreg:$0x3] =	wrdreg s4  }
0xaa: {  	[dreg:$0x4] =	wrdreg $0xC0  }
0xab: {  	_ =	task [dreg:s6], $0x5FFFF  }
0xac: {  	[dreg:$0x1] =	wrdreg $0xFFFFFFFF  }
0xad: {  	[dreg:$0x0] =	wrdreg $0x60  }
0xae: {  	[dreg:$0x2] =	wrdreg s24  }
0xaf: {  	[dreg:$0x3] =	wrdreg $0x91800  }
0xb0: {  	[dreg:$0x4] =	wrdreg $0x9  }
0xb1: {  	_ =	task.clear_ibuf [dreg:s6], $0x5FFFF;
	_ =	strace $0x9000004F  }
0xb2: {  	s29 =	simm.s32 $0x9;
	_ =	strace $0x80000051  }
0xb3: {  	_ =	swait.ge [sflag:s29], $0x1  }
0xb4: {  	[sflag:s29] =	ssyncadd.s32 $0xFFFFFFFF  }
0xb5: {  	_ =	strace $0x90000051  }
0xb6: {  	_ =	sfence  }
0xb7: {  	s30 =	sld [smem:$0x0];
	_ =	sdelay $0x2  }
0xb8: {  	s31 =	sshll.u32 s1, $0xD;
	s1 =	sshrl.u32 s1, $0x2  }
0xb9: {  	s3 =	sand.u32 $0x4000, s31;
	s1 =	sadd.s32 s1, s30  }
0xba: {  	s0 =	sor.u32 s3, s0;
	s1 =	sshll.u32 s1, $0x11  }
0xbb: {  	s0 =	sor.u32 s1, s0  }
0xbc: {  	s0 =	sadd.s32 $0x8F2B, s0  }
0xbd: {  	[sflag:s0] =	ssyncadd.remote.s32 $0x1  }
0xbe: {  	_ =	sfence.sel $0xFFFF  }
0xbf: {  	[dreg:$0x0] =	wrdreg $0xFFFFFFFF;
	(pc) =	sbr.abs _section_cstart, $3  }
0xc0: {  	[dreg:$0x1] =	wrdreg $0xFFFFFFFF  }
0xc1: {  	_ =	task.clear_ibuf [dreg:s6], $0x2FFFF;
	_ =	strace $0x9FFFFFFF  }
0xc2: {  	(tm) =	ssettm $0x7FFFFFFF  }
0xc3: {  	_ =	shalt  }
tec
execute0_lowered:
.L_overlay_start_1:
0x0: {  	(tag) =	ssettag $0x1  }
0x1: {  	s0 =	srdreg.scid;
	s7 =	rddreg [dreg:$0x0]  }
0x2: {  	s28 =	stileid.u32;
	s2 =	rddreg [dreg:$0x1];
	s3 =	simm.s32 $0x0  }
0x3: {  	s16 =	simm.s32 $0x5180;
	s17 =	simm.s32 $0x2;
	s18 =	simm.s32 $0x2800  }
0x4: {  	s19 =	simm.s32 $0x80;
	s20 =	simm.s32 $0x5000;
	s21 =	simm.s32 $0x1  }
0x5: {  	s22 =	simm.s32 $0x5080;
	s23 =	simm.s32 $0x5100;
	s8 =	smul.u32 $0x500, s28  }
0x6: {  	s24 =	simm.s32 $0x0;
	s6 =	sand.u32 $0x1, s0;
	s29 =	smul.u32 $0x50000, s28  }
0x7: {  	[smem:$0x7FF] =	sst s3;
	s14 =	smul.u32 $0x2800, s28;
	s1 =	sshll.u32 s6, $0x4  }
0x8: {  	_ =	strace $0x80000050;
	s9 =	smul.u32 $0x28000, s6;
	s30 =	ssub.s32 $0x2, s6  }
0x9: {  	s6 =	smul.u32 $0x280, s28;
	s4 =	sor.u32 s28, s1;
	s11 =	sadd.s32 s8, s7  }
0xa: {  	s31 =	sshrl.u32 s30, $0x1;
	s8 =	sshrl.u32 s29, $0x2;
	s5 =	smul.u32 $0x500, s4  }
0xb: {  	s4 =	sadd.s32 $0xA200, s7;
	s13 =	sadd.s32 s9, s7;
	s12 =	ssub.s32 s30, s31  }
0xc: {  	s9 =	sadd.s32 $0x4A00, s11;
	s15 =	sadd.s32 s14, s13;
	s10 =	sadd.s32 s5, s7  }
0xd: {  	s5 =	sadd.s32 $0x9A00, s7;
	s7 =	sadd.s32 s8, s2;
	s15 =	sadd.s32 $0x8CA00, s15  }
0xe: {  	s8 =	sadd.s32 $0x82A00, s10;
	s10 =	smax.u32 s12, $0x1;
	s11 =	sadd.s32 $0x4000, s7  }
0xf: {  	v0 =	vlaneseq.u32;
	s12 =	sadd.s32 $0x8000, s7;
	s13 =	sadd.s32 $0xC000, s7;
	s14 =	sadd.s32 $0x10000, s7  }
.LBB2_1:
0x10: {  	[tilespmem:s16], [sflag:$0x2] =	stream.linear.gather [hbm4b:s5+s3], $0x4000, $0x38;
	[tilespmem:$0x1D180] =	vst v63  }
0x11: {  	_ =	swait.ge [sflag:s17], $0x4000  }
0x12: {  	[sflag:s17] =	ssyncset.done $0x0  }
0x13: {  	[sflag:s17] =	ssyncadd.s32 $0xFFFFC000  }
0x14: {  	[spmem:s7] =	stream.linear.scatter [tilespmem:s16], [sflag:$0x2], $0x4000, $0x38;
	[tilespmem:$0x1D180] =	vst v63  }
0x15: {  	_ =	swait.ge [sflag:s17], $0x4000  }
0x16: {  	[sflag:s17] =	ssyncset.done $0x0  }
0x17: {  	[sflag:s17] =	ssyncadd.s32 $0xFFFFC000  }
0x18: {  	[spmem:s11] =	stream.linear.scatter [tilespmem:s16], [sflag:$0x2], $0x4000, $0x38;
	[tilespmem:$0x1D180] =	vst v63  }
0x19: {  	_ =	swait.ge [sflag:s17], $0x4000  }
0x1a: {  	[sflag:s17] =	ssyncset.done $0x0  }
0x1b: {  	[sflag:s17] =	ssyncadd.s32 $0xFFFFC000  }
0x1c: {  	[spmem:s12] =	stream.linear.scatter [tilespmem:s16], [sflag:$0x2], $0x4000, $0x38;
	[tilespmem:$0x1D180] =	vst v63  }
0x1d: {  	_ =	swait.ge [sflag:s17], $0x4000  }
0x1e: {  	[sflag:s17] =	ssyncset.done $0x0  }
0x1f: {  	[sflag:s17] =	ssyncadd.s32 $0xFFFFC000  }
0x20: {  	[spmem:s13] =	stream.linear.scatter [tilespmem:s16], [sflag:$0x2], $0x4000, $0x38;
	[tilespmem:$0x1D180] =	vst v63  }
0x21: {  	_ =	swait.ge [sflag:s17], $0x4000  }
0x22: {  	[sflag:s17] =	ssyncset.done $0x0  }
0x23: {  	[sflag:s17] =	ssyncadd.s32 $0xFFFFC000  }
0x24: {  	[spmem:s14] =	stream.linear.scatter [tilespmem:s16], [sflag:$0x2], $0x4000, $0x38;
	[tilespmem:$0x1D180] =	vst v63  }
0x25: {  	_ =	swait.ge [sflag:s17], $0x4000  }
0x26: {  	[sflag:s17] =	ssyncset.done $0x0  }
0x27: {  	[sflag:s17] =	ssyncadd.s32 $0xFFFFC000  }
0x28: {  	[tilespmem:s3], [sflag:$0x2] =	stream.linear.gather [hbm4b:s8+s3], $0x2800, $0x38;
	[tilespmem:$0x1D180] =	vst v63  }
0x29: {  	_ =	swait.ge [sflag:s17], $0x2800  }
0x2a: {  	[sflag:s17] =	ssyncset.done $0x0  }
0x2b: {  	[sflag:s17] =	ssyncadd.s32 $0xFFFFD800  }
0x2c: {  	[tilespmem:s18], [sflag:$0x2] =	stream.linear.gather [hbm4b:s9+s3], $0x2800, $0x38;
	[tilespmem:$0x1D180] =	vst v63  }
0x2d: {  	_ =	swait.ge [sflag:s17], $0x2800  }
0x2e: {  	[sflag:s17] =	ssyncset.done $0x0  }
0x2f: {  	[sflag:s17] =	ssyncadd.s32 $0xFFFFD800  }
0x30: {  	s25 =	simm.s32 $0x0;
	[bflag:$0x0] =	sbarrier.arrive $0xFFFF  }
0x31: {  	v1 =	vld [tilespmem:s25+$0x0];
	_ =	sdelay $0x4  }
0x32: {  	[tilespmem:$0x5000] =	vst v1  }
0x33: {  	v1 =	vld [tilespmem:s25+$0x2800];
	_ =	sdelay $0x4  }
0x34: {  	[tilespmem:$0x5080] =	vst v1  }
0x35: {  	v1 =	vld [tilespmem:s25+$0x10];
	_ =	sdelay $0x4  }
0x36: {  	[tilespmem:$0x5010] =	vst v1  }
0x37: {  	v1 =	vld [tilespmem:s25+$0x2810];
	_ =	sdelay $0x4  }
0x38: {  	[tilespmem:$0x5090] =	vst v1  }
0x39: {  	v1 =	vld [tilespmem:s25+$0x20];
	_ =	sdelay $0x4  }
0x3a: {  	[tilespmem:$0x5020] =	vst v1  }
0x3b: {  	v1 =	vld [tilespmem:s25+$0x2820];
	_ =	sdelay $0x4  }
0x3c: {  	[tilespmem:$0x50A0] =	vst v1  }
0x3d: {  	v1 =	vld [tilespmem:s25+$0x30];
	_ =	sdelay $0x4  }
0x3e: {  	[tilespmem:$0x5030] =	vst v1  }
0x3f: {  	v1 =	vld [tilespmem:s25+$0x2830];
	_ =	sdelay $0x4  }
0x40: {  	[tilespmem:$0x50B0] =	vst v1  }
0x41: {  	v1 =	vld [tilespmem:s25+$0x40];
	_ =	sdelay $0x4  }
0x42: {  	[tilespmem:$0x5040] =	vst v1  }
0x43: {  	v1 =	vld [tilespmem:s25+$0x2840];
	_ =	sdelay $0x4  }
0x44: {  	[tilespmem:$0x50C0] =	vst v1  }
0x45: {  	v1 =	vld [tilespmem:s25+$0x50];
	_ =	sdelay $0x4  }
0x46: {  	[tilespmem:$0x5050] =	vst v1  }
0x47: {  	v1 =	vld [tilespmem:s25+$0x2850];
	_ =	sdelay $0x4  }
0x48: {  	[tilespmem:$0x50D0] =	vst v1  }
0x49: {  	v1 =	vld [tilespmem:s25+$0x60];
	_ =	sdelay $0x4  }
0x4a: {  	[tilespmem:$0x5060] =	vst v1  }
0x4b: {  	v1 =	vld [tilespmem:s25+$0x2860];
	_ =	sdelay $0x4  }
0x4c: {  	[tilespmem:$0x50E0] =	vst v1  }
0x4d: {  	v1 =	vld [tilespmem:s25+$0x70];
	_ =	sdelay $0x4  }
0x4e: {  	[tilespmem:$0x5070] =	vst v1  }
0x4f: {  	v1 =	vld [tilespmem:s25+$0x2870];
	_ =	sdelay $0x4  }
0x50: {  	[tilespmem:$0x50F0] =	vst v1  }
0x51: {  	[tilespmem:s16], [sflag:$0x1] =	stream.indirect.gather [hbm4b:s4+s19], $0x80, s20, s19, $0xb8;
	[tilespmem:$0x1D180] =	vst v63  }
0x52: {  	_ =	swait.ge [sflag:s21], $0x4000  }
0x53: {  	[sflag:s21] =	ssyncset.done $0x0  }
0x54: {  	[sflag:s21] =	ssyncadd.s32 $0xFFFFC000  }
0x55: {  	[spmem:s2] =	stream.indirect.scatter.add.f32 [tilespmem:s16], [sflag:$0x2], $0x80, s22, s19, $0xb8;
	[tilespmem:$0x1D180] =	vst v63  }
0x56: {  	_ =	swait.ge [sflag:s17], $0x4000  }
0x57: {  	s29 =	simm.s32 $0x400;
	s25 =	simm.s32 $0x200;
	[sflag:s17] =	ssyncset.done $0x0  }
.LBB2_2:
0x58: {  	s28 =	sshra.s32 s25, $0x2  }
0x59: {  	[sflag:s17] =	ssyncadd.s32 $0xFFFFC000;
	s25 =	smov.u32 s29;
	s26 =	sadd.s32 $0x200, s29  }
0x5a: {  	p0 =	sne.s32 s29, $0x9E00;
	v1 =	vld [tilespmem:s28+$0x0];
	_ =	sdelay $0x4  }
0x5b: {  	[tilespmem:$0x5000] =	vst v1  }
0x5c: {  	v1 =	vld [tilespmem:s28+$0x2800];
	_ =	sdelay $0x4  }
0x5d: {  	[tilespmem:$0x5080] =	vst v1  }
0x5e: {  	v1 =	vld [tilespmem:s28+$0x10];
	_ =	sdelay $0x4  }
0x5f: {  	[tilespmem:$0x5010] =	vst v1  }
0x60: {  	v1 =	vld [tilespmem:s28+$0x2810];
	_ =	sdelay $0x4  }
0x61: {  	[tilespmem:$0x5090] =	vst v1  }
0x62: {  	v1 =	vld [tilespmem:s28+$0x20];
	_ =	sdelay $0x4  }
0x63: {  	[tilespmem:$0x5020] =	vst v1  }
0x64: {  	v1 =	vld [tilespmem:s28+$0x2820];
	_ =	sdelay $0x4  }
0x65: {  	[tilespmem:$0x50A0] =	vst v1  }
0x66: {  	v1 =	vld [tilespmem:s28+$0x30];
	_ =	sdelay $0x4  }
0x67: {  	[tilespmem:$0x5030] =	vst v1  }
0x68: {  	v1 =	vld [tilespmem:s28+$0x2830];
	_ =	sdelay $0x4  }
0x69: {  	[tilespmem:$0x50B0] =	vst v1  }
0x6a: {  	v1 =	vld [tilespmem:s28+$0x40];
	_ =	sdelay $0x4  }
0x6b: {  	[tilespmem:$0x5040] =	vst v1  }
0x6c: {  	v1 =	vld [tilespmem:s28+$0x2840];
	_ =	sdelay $0x4  }
0x6d: {  	[tilespmem:$0x50C0] =	vst v1  }
0x6e: {  	v1 =	vld [tilespmem:s28+$0x50];
	_ =	sdelay $0x4  }
0x6f: {  	[tilespmem:$0x5050] =	vst v1  }
0x70: {  	v1 =	vld [tilespmem:s28+$0x2850];
	_ =	sdelay $0x4  }
0x71: {  	[tilespmem:$0x50D0] =	vst v1  }
0x72: {  	v1 =	vld [tilespmem:s28+$0x60];
	_ =	sdelay $0x4  }
0x73: {  	[tilespmem:$0x5060] =	vst v1  }
0x74: {  	v1 =	vld [tilespmem:s28+$0x2860];
	_ =	sdelay $0x4  }
0x75: {  	[tilespmem:$0x50E0] =	vst v1  }
0x76: {  	v1 =	vld [tilespmem:s28+$0x70];
	_ =	sdelay $0x4  }
0x77: {  	[tilespmem:$0x5070] =	vst v1  }
0x78: {  	v1 =	vld [tilespmem:s28+$0x2870];
	_ =	sdelay $0x4  }
0x79: {  	[tilespmem:$0x50F0] =	vst v1  }
0x7a: {  	[tilespmem:s16], [sflag:$0x1] =	stream.indirect.gather [hbm4b:s4+s19], $0x80, s20, s19, $0xb8;
	[tilespmem:$0x1D180] =	vst v63  }
0x7b: {  	_ =	swait.ge [sflag:s21], $0x4000  }
.Ltmp0:
0x7c: {  	[sflag:s21] =	ssyncset.done $0x0;
	(pc) =	sbr.rel @p0 .LBB2_2-.Ltmp0, $4  }
0x7d: {  	[sflag:s21] =	ssyncadd.s32 $0xFFFFC000  }
0x7e: {  	[spmem:s2] =	stream.indirect.scatter.add.f32 [tilespmem:s16], [sflag:$0x2], $0x80, s22, s19, $0xb8;
	[tilespmem:$0x1D180] =	vst v63  }
0x7f: {  	_ =	swait.ge [sflag:s17], $0x4000  }
0x80: {  	s29 =	smov.u32 s26;
	[sflag:s17] =	ssyncset.done $0x0  }
0x81: {  	s25 =	sshra.s32 s25, $0x2;
	[sflag:s17] =	ssyncadd.s32 $0xFFFFC000  }
0x82: {  	v1 =	vld [tilespmem:s25+$0x0];
	_ =	sdelay $0x4  }
0x83: {  	[tilespmem:$0x5000] =	vst v1  }
0x84: {  	v1 =	vld [tilespmem:s25+$0x2800];
	_ =	sdelay $0x4  }
0x85: {  	[tilespmem:$0x5080] =	vst v1  }
0x86: {  	v1 =	vld [tilespmem:s25+$0x10];
	_ =	sdelay $0x4  }
0x87: {  	[tilespmem:$0x5010] =	vst v1  }
0x88: {  	v1 =	vld [tilespmem:s25+$0x2810];
	_ =	sdelay $0x4  }
0x89: {  	[tilespmem:$0x5090] =	vst v1  }
0x8a: {  	v1 =	vld [tilespmem:s25+$0x20];
	_ =	sdelay $0x4  }
0x8b: {  	[tilespmem:$0x5020] =	vst v1  }
0x8c: {  	v1 =	vld [tilespmem:s25+$0x2820];
	_ =	sdelay $0x4  }
0x8d: {  	[tilespmem:$0x50A0] =	vst v1  }
0x8e: {  	v1 =	vld [tilespmem:s25+$0x30];
	_ =	sdelay $0x4  }
0x8f: {  	[tilespmem:$0x5030] =	vst v1  }
0x90: {  	v1 =	vld [tilespmem:s25+$0x2830];
	_ =	sdelay $0x4  }
0x91: {  	[tilespmem:$0x50B0] =	vst v1  }
0x92: {  	v1 =	vld [tilespmem:s25+$0x40];
	_ =	sdelay $0x4  }
0x93: {  	[tilespmem:$0x5040] =	vst v1  }
0x94: {  	v1 =	vld [tilespmem:s25+$0x2840];
	_ =	sdelay $0x4  }
0x95: {  	[tilespmem:$0x50C0] =	vst v1  }
0x96: {  	v1 =	vld [tilespmem:s25+$0x50];
	_ =	sdelay $0x4  }
0x97: {  	[tilespmem:$0x5050] =	vst v1  }
0x98: {  	v1 =	vld [tilespmem:s25+$0x2850];
	_ =	sdelay $0x4  }
0x99: {  	[tilespmem:$0x50D0] =	vst v1  }
0x9a: {  	v1 =	vld [tilespmem:s25+$0x60];
	_ =	sdelay $0x4  }
0x9b: {  	[tilespmem:$0x5060] =	vst v1  }
0x9c: {  	v1 =	vld [tilespmem:s25+$0x2860];
	_ =	sdelay $0x4  }
0x9d: {  	[tilespmem:$0x50E0] =	vst v1  }
0x9e: {  	v1 =	vld [tilespmem:s25+$0x70];
	_ =	sdelay $0x4  }
0x9f: {  	[tilespmem:$0x5070] =	vst v1  }
0xa0: {  	v1 =	vld [tilespmem:s25+$0x2870];
	_ =	sdelay $0x4  }
0xa1: {  	[tilespmem:$0x50F0] =	vst v1  }
0xa2: {  	[tilespmem:s16], [sflag:$0x1] =	stream.indirect.gather [hbm4b:s4+s19], $0x80, s20, s19, $0xb8;
	[tilespmem:$0x1D180] =	vst v63  }
0xa3: {  	_ =	swait.ge [sflag:s21], $0x4000  }
0xa4: {  	[sflag:s21] =	ssyncset.done $0x0  }
0xa5: {  	[sflag:s21] =	ssyncadd.s32 $0xFFFFC000  }
0xa6: {  	[spmem:s2] =	stream.indirect.scatter.add.f32 [tilespmem:s16], [sflag:$0x2], $0x80, s22, s19, $0xb8;
	[tilespmem:$0x1D180] =	vst v63  }
0xa7: {  	_ =	swait.ge [sflag:s17], $0x4000  }
0xa8: {  	[sflag:s17] =	ssyncset.done $0x0  }
0xa9: {  	s1 =	sadd.s32 $0x0, s6;
	[sflag:s17] =	ssyncadd.s32 $0xFFFFC000  }
0xaa: {  	s28 =	sadd.s32 $0x20, s1;
	v1 =	vor.u32 s1, v0;
	[bflag:$0x0] =	sbarrier.arrive $0xFFFF  }
0xab: {  	s26 =	sadd.s32 $0x10, s1;
	v2 =	vor.u32 s28, v0;
	[tilespmem:$0x5100] =	vst v1  }
0xac: {  	s28 =	sadd.s32 $0x40, s1;
	v1 =	vor.u32 s26, v0;
	[tilespmem:$0x5120] =	vst v2  }
0xad: {  	s29 =	sadd.s32 $0x70, s1;
	v2 =	vor.u32 s28, v0;
	[tilespmem:$0x5110] =	vst v1  }
0xae: {  	s25 =	sadd.s32 $0x30, s1;
	v1 =	vor.u32 s29, v0;
	[tilespmem:$0x5140] =	vst v2  }
0xaf: {  	s30 =	sadd.s32 $0x50, s1;
	v2 =	vor.u32 s25, v0;
	[tilespmem:$0x5170] =	vst v1  }
0xb0: {  	s31 =	sadd.s32 $0x60, s1;
	v1 =	vor.u32 s30, v0;
	[tilespmem:$0x5130] =	vst v2  }
0xb1: {  	[tilespmem:$0x5150] =	vst v1;
	v1 =	vor.u32 s31, v0  }
0xb2: {  	s28 =	smov.u32 s15;
	s26 =	smov.u32 s15;
	s25 =	simm.s32 $0x80;
	[tilespmem:$0x5160] =	vst v1  }
0xb3: {  	[tilespmem:s16], [sflag:$0x1] =	stream.indirect.gather [spmem:s2], $0x80, s23, s19, $0xb8;
	[tilespmem:$0x1D180] =	vst v63  }
.LBB2_4:
0xb4: {  	p0 =	sne.s32 s25, $0x200;
	_ =	swait.ge [sflag:s21], $0x4000;
	s28 =	sadd.s32 $0x800, s28  }
0xb5: {  	s29 =	smov.u32 s25;
	s25 =	sadd.s32 $0x80, s25;
	[sflag:s21] =	ssyncset.done $0x0  }
0xb6: {  	[sflag:s21] =	ssyncadd.s32 $0xFFFFC000  }
0xb7: {  	[hbm4b:s26+s3] =	stream.linear.scatter [tilespmem:s16], [sflag:$0x2], $0x4000, $0x38;
	[tilespmem:$0x1D180] =	vst v63  }
0xb8: {  	s26 =	smov.u32 s28;
	_ =	swait.ge [sflag:s17], $0x4000  }
0xb9: {  	s29 =	sadd.s32 s29, s6;
	[sflag:s17] =	ssyncset.done $0x0  }
0xba: {  	v1 =	vor.u32 s29, v0;
	s30 =	sadd.s32 $0x10, s29;
	s31 =	sadd.s32 $0x20, s29;
	[sflag:s17] =	ssyncadd.s32 $0xFFFFC000  }
0xbb: {  	s1 =	sadd.s32 $0x70, s29;
	v2 =	vor.u32 s31, v0;
	s31 =	sadd.s32 $0x50, s29;
	[tilespmem:$0x5100] =	vst v1;
	v1 =	vor.u32 s30, v0;
	s30 =	sadd.s32 $0x40, s29  }
0xbc: {  	s0 =	sadd.s32 $0x30, s29;
	v4 =	vor.u32 s1, v0;
	v3 =	vor.u32 s31, v0;
	s29 =	sadd.s32 $0x60, s29;
	[tilespmem:$0x5110] =	vst v1;
	v1 =	vor.u32 s30, v0  }
0xbd: {  	v5 =	vor.u32 s0, v0;
	v6 =	vor.u32 s29, v0;
	[tilespmem:$0x5170] =	vst v4  }
0xbe: {  	[tilespmem:$0x5120] =	vst v2  }
.Ltmp1:
0xbf: {  	[tilespmem:$0x5150] =	vst v3;
	(pc) =	sbr.rel @p0 .LBB2_4-.Ltmp1, $4  }
0xc0: {  	[tilespmem:$0x5140] =	vst v1  }
0xc1: {  	[tilespmem:$0x5160] =	vst v6  }
0xc2: {  	[tilespmem:$0x5130] =	vst v5  }
0xc3: {  	[tilespmem:s16], [sflag:$0x1] =	stream.indirect.gather [spmem:s2], $0x80, s23, s19, $0xb8;
	[tilespmem:$0x1D180] =	vst v63  }
0xc4: {  	_ =	swait.ge [sflag:s21], $0x4000;
	s24 =	sadd.s32 $0x1, s24  }
0xc5: {  	[sflag:s21] =	ssyncset.done $0x0;
	p0 =	sne.s32 s24, s10  }
.Ltmp2:
0xc6: {  	[sflag:s21] =	ssyncadd.s32 $0xFFFFC000;
	(pc) =	sbr.rel @p0 .LBB2_1-.Ltmp2, $4  }
0xc7: {  	[hbm4b:s26+s3] =	stream.linear.scatter [tilespmem:s16], [sflag:$0x2], $0x4000, $0x38;
	[tilespmem:$0x1D180] =	vst v63  }
0xc8: {  	_ =	swait.ge [sflag:s17], $0x4000  }
0xc9: {  	[sflag:s17] =	ssyncset.done $0x0  }
0xca: {  	[sflag:s17] =	ssyncadd.s32 $0xFFFFC000  }
0xcb: {  	_ =	sfence.sel $0x180000  }
0xcc: {  	[bflag:$0x0] =	sbarrier.arrive $0xFFFF  }
0xcd: {  	_ =	strace $0x90000050  }
0xce: {  	s0 =	stileid.u32;
	[bflag:$0x2] =	sbarrier.arrive $0xFFFF  }
0xcf: {  	p0 =	sne.s32 s0, $0x0;
	s0 =	rddreg [dreg:$0x2]  }
0xd0: {  	s0 =	sadd.s32 @!p0 $0x100000, s0  }
0xd1: {  	[sflag:s0] =	ssyncadd.tile.s32 @!p0 $0x1;
	_ =	shalt  }
.Lfunc_end2:
_tile_overlayer_lowered:
.L_overlay_start_2:
0xd2: {  	(tag) =	ssettag $0x2  }
0xd3: {  	s0 =	rddreg [dreg:$0x0];
	s2 =	stileid.u32  }
0xd4: {  	s1 =	rddreg [dreg:$0x1];
	p0 =	sne.s32 s2, $0x0  }
0xd5: {  	s3 =	rddreg [dreg:$0x2];
	[bflag:$0x3] =	sbarrier.arrive $0xFFFF;
	s2 =	simm.s32 @!p0 $0x1C02  }
0xd6: {  	[timem:s3], [sflag:s2] =	dma.local @!p0 [hbm:s0], s1  }
0xd7: {  	s0 =	simm.s32 @!p0 $0x2  }
0xd8: {  	_ =	swait.ge @!p0 [sflag:s0], s1  }
0xd9: {  	s1 =	ssub.s32 @!p0 $0x0, s1;
	[sflag:s0] =	ssyncset.done @!p0 $0x0  }
0xda: {  	[sflag:s0] =	ssyncadd.s32 @!p0 s1  }
0xdb: {  	[bflag:$0x3] =	sbarrier.arrive $0xFFFF  }
0xdc: {  	_ =	shalt  }

</sc_bundles>
